<compile_context>
chip_gen: v7x
topology: tpu7x:2x2x1
jax: 0.10.2.dev20260603
libtpu: 0.0.44.dev20260713+nightly
codegen_flags: <defaults>
</compile_context>

<pallas_src>
import jax
import jax.numpy as jnp
from jax import lax
from jax.experimental import pallas as pl
from jax.experimental.pallas import tpu as pltpu
from jax.experimental.pallas import tpu_sc as plsc

_B = 1024
_L = 16
_CHUNK = 128
_NCHUNKS = _B // _CHUNK


def _sc_body(logits_hbm, target_hbm, out_hbm, idx_v, vals_v, sem):
    wid = lax.axis_index("s")

    @pl.when(wid == 0)
    def _():
        pltpu.sync_copy(target_hbm, idx_v)

        lane = lax.iota(jnp.int32, _L)
        for j in range(_B // _L):
            t16 = idx_v[pl.ds(j * _L, _L)]
            rows = (j * _L) + lane
            addr = (
                ((t16 >> 3) << 13)
                + ((rows >> 7) << 10)
                + ((t16 & 7) << 7)
                + (rows & 127)
            )
            idx_v[pl.ds(j * _L, _L)] = addr

        copies = []
        for k in range(_NCHUNKS):
            copies.append(pltpu.async_copy(
                logits_hbm.at[idx_v.at[pl.ds(k * _CHUNK, _CHUNK)]],
                vals_v.at[pl.ds(k * _CHUNK, _CHUNK)],
                sem,
            ))
        for c in copies:
            c.wait()

        p0 = vals_v[pl.ds(0, _L)]
        p1 = vals_v[pl.ds(_L, _L)]
        for j in range(2, _B // _L, 2):
            p0 = p0 + vals_v[pl.ds(j * _L, _L)]
            p1 = p1 + vals_v[pl.ds((j + 1) * _L, _L)]
        p = p0 + p1
        lane_u = lax.iota(jnp.int32, _L)
        for sh in (8, 4, 2, 1):
            p = p + p.at[lane_u ^ sh].get(mode="promise_in_bounds")
        vals_v[pl.ds(0, _L)] = -p
        pltpu.sync_copy(vals_v.at[pl.ds(0, _L)], out_hbm)


def kernel(logits, target):
    flat = (
        logits.reshape(8, 128, 12500, 8).transpose(2, 0, 3, 1).reshape(-1)
    )
    tgt = target.astype(jnp.int32)

    fn = pl.kernel(
        _sc_body,
        mesh=plsc.VectorSubcoreMesh(
            core_axis_name="c", subcore_axis_name="s", num_cores=1),
        out_type=jax.ShapeDtypeStruct((_L,), jnp.float32),
        scratch_types=[
            pltpu.VMEM((_B,), jnp.int32),
            pltpu.VMEM((_B,), jnp.float32),
            pltpu.SemaphoreType.DMA,
        ],
    )
    out = fn(flat, tgt)
    return out[0]

# --- scband reference (transcript-rebuilt; emitter-appended) ---
"""Pipeline reference for scband-language-model-criterion-38208029065594 (READ-ONLY COPY).

The authoritative reference and input builder live on the scoring server;
editing this copy changes nothing except your own understanding.
"""

import jax, jax.numpy as jnp
import numpy as np


def setup_inputs(seed: int = 0) -> dict:
    key = jax.random.key(seed)
    k1, k2 = jax.random.split(key)
    logits = jax.random.normal(k1, (1024, 100000), dtype=jnp.float32)
    target = jax.random.randint(k2, (1024,), 0, 100000, dtype=jnp.int64)
    return {"logits": logits, "target": target}


def reference(logits, target):
    t = target.reshape(-1, 1)
    gathered = -jnp.take_along_axis(logits, t, axis=1)
    loss = jnp.sum(gathered.reshape(-1))
    return loss

if __name__ == "__main__":
    import jax
    _d = setup_inputs()
    print(jax.jit(kernel)(*tuple(_d.values())))

</pallas_src>

<mosaic_0001>
#map = affine_map<(d0, d1) -> (0)>
module attributes {stable_mosaic.version = 14 : i64} {
  func.func @_sc_body(%arg0: i32, %arg1: i32, %arg2: memref<102400000xf32, #tpu.memory_space<hbm>>, %arg3: memref<1024xi32, #tpu.memory_space<hbm>>, %arg4: memref<16xf32, #tpu.memory_space<hbm>>, %arg5: memref<1024xi32, #tpu.memory_space<vmem>>, %arg6: memref<1024xf32, #tpu.memory_space<vmem>>, %arg7: memref<!tpu.dma_semaphore, #tpu.memory_space<semaphore_mem>>) attributes {dimension_semantics = [#tpu.dimension_semantics<core_parallel>, #tpu.dimension_semantics<subcore_parallel>], iteration_bounds = array<i64: 1, 16>, scalar_prefetch = 0 : i64, scratch_operands = 3 : i64, tpu.core_type = #tpu.core_type<sc_vector_subcore>, window_params = [{transform_indices = #map}, {transform_indices = #map}, {transform_indices = #map}]} {
    %eq3A = arith.constant 0 : i32
    %eq3A_0 = arith.cmpi eq, %arg1, %eq3A : i32
    %convert_element_type3A = arith.extui %eq3A_0 : i1 to i32
    %cond3A = arith.constant 0 : i32
    %cond3A_1 = arith.cmpi ne, %convert_element_type3A, %cond3A : i32
    scf.if %cond3A_1 {
      "tpu.region"() ({
        %run_scoped3A = tpu.sem_alloc : memref<!tpu.dma_semaphore, #tpu.memory_space<semaphore_mem>>
        tpu.enqueue_dma source(%arg3 : memref<1024xi32, #tpu.memory_space<hbm>>) target(%arg5 : memref<1024xi32, #tpu.memory_space<vmem>>) target_semaphore(%run_scoped3A : memref<!tpu.dma_semaphore, #tpu.memory_space<semaphore_mem>>)
        tpu.wait_dma2 semaphore(%run_scoped3A : memref<!tpu.dma_semaphore, #tpu.memory_space<semaphore_mem>>) src(%arg3 : memref<1024xi32, #tpu.memory_space<hbm>>) dst(%arg5 : memref<1024xi32, #tpu.memory_space<vmem>>)
        tpu.yield
      }) : () -> ()
      %iota3A = tpu.iota {dimensions = array<i32: 0>} : vector<16xi32>
      %get3A = arith.constant 0 : index
      %get3A_2 = tpu.vector_load %arg5[%get3A] {strides = array<i32>} : memref<1024xi32, #tpu.memory_space<vmem>>, vector<16xi32>,
      %get3A_3 = vector.shape_cast %get3A_2 : vector<16xi32> to vector<16xi32>
      %add3A = arith.constant 0 : i32
      %add3A_4 = vector.broadcast %add3A : i32 to vector<16xi32>
      %add3A_5 = arith.addi %add3A_4, %iota3A : vector<16xi32>
      %shift_right_arithmetic3A = arith.constant 3 : i32
      %shift_right_arithmetic3A_6 = vector.broadcast %shift_right_arithmetic3A : i32 to vector<16xi32>
      %shift_right_arithmetic3A_7 = arith.shrsi %get3A_3, %shift_right_arithmetic3A_6 : vector<16xi32>
      %shift_left3A = arith.constant 13 : i32
      %shift_left3A_8 = vector.broadcast %shift_left3A : i32 to vector<16xi32>
      %shift_left3A_9 = arith.shli %shift_right_arithmetic3A_7, %shift_left3A_8 : vector<16xi32>
      %shift_right_arithmetic3A_10 = arith.constant 7 : i32
      %shift_right_arithmetic3A_11 = vector.broadcast %shift_right_arithmetic3A_10 : i32 to vector<16xi32>
      %shift_right_arithmetic3A_12 = arith.shrsi %add3A_5, %shift_right_arithmetic3A_11 : vector<16xi32>
      %shift_left3A_13 = arith.constant 10 : i32
      %shift_left3A_14 = vector.broadcast %shift_left3A_13 : i32 to vector<16xi32>
      %shift_left3A_15 = arith.shli %shift_right_arithmetic3A_12, %shift_left3A_14 : vector<16xi32>
      %add3A_16 = arith.addi %shift_left3A_9, %shift_left3A_15 : vector<16xi32>
      %and3A = arith.constant 7 : i32
      %and3A_17 = vector.broadcast %and3A : i32 to vector<16xi32>
      %and3A_18 = arith.andi %get3A_3, %and3A_17 : vector<16xi32>
      %shift_left3A_19 = arith.constant 7 : i32
      %shift_left3A_20 = vector.broadcast %shift_left3A_19 : i32 to vector<16xi32>
      %shift_left3A_21 = arith.shli %and3A_18, %shift_left3A_20 : vector<16xi32>
      %add3A_22 = arith.addi %add3A_16, %shift_left3A_21 : vector<16xi32>
      %and3A_23 = arith.constant 127 : i32
      %and3A_24 = vector.broadcast %and3A_23 : i32 to vector<16xi32>
      %and3A_25 = arith.andi %add3A_5, %and3A_24 : vector<16xi32>
      %add3A_26 = arith.addi %add3A_22, %and3A_25 : vector<16xi32>
      %swap3A = arith.constant 0 : index
      %swap3A_27 = tpu.vector_load %arg5[%swap3A] {strides = array<i32>} : memref<1024xi32, #tpu.memory_space<vmem>>, vector<16xi32>,
      %swap3A_28 = vector.shape_cast %swap3A_27 : vector<16xi32> to vector<16xi32>
      %swap3A_29 = vector.shape_cast %add3A_26 : vector<16xi32> to vector<16xi32>
      tpu.vector_store %arg5[%swap3A], %swap3A_29 {strides = array<i32>} : memref<1024xi32, #tpu.memory_space<vmem>>, vector<16xi32>,
      %get3A_30 = arith.constant 16 : index
      %get3A_31 = tpu.vector_load %arg5[%get3A_30] {strides = array<i32>} : memref<1024xi32, #tpu.memory_space<vmem>>, vector<16xi32>,
      %get3A_32 = vector.shape_cast %get3A_31 : vector<16xi32> to vector<16xi32>
      %add3A_33 = arith.constant 16 : i32
      %add3A_34 = vector.broadcast %add3A_33 : i32 to vector<16xi32>
      %add3A_35 = arith.addi %add3A_34, %iota3A : vector<16xi32>
      %shift_right_arithmetic3A_36 = arith.constant 3 : i32
      %shift_right_arithmetic3A_37 = vector.broadcast %shift_right_arithmetic3A_36 : i32 to vector<16xi32>
      %shift_right_arithmetic3A_38 = arith.shrsi %get3A_32, %shift_right_arithmetic3A_37 : vector<16xi32>
      %shift_left3A_39 = arith.constant 13 : i32
      %shift_left3A_40 = vector.broadcast %shift_left3A_39 : i32 to vector<16xi32>
      %shift_left3A_41 = arith.shli %shift_right_arithmetic3A_38, %shift_left3A_40 : vector<16xi32>
      %shift_right_arithmetic3A_42 = arith.constant 7 : i32
      %shift_right_arithmetic3A_43 = vector.broadcast %shift_right_arithmetic3A_42 : i32 to vector<16xi32>
      %shift_right_arithmetic3A_44 = arith.shrsi %add3A_35, %shift_right_arithmetic3A_43 : vector<16xi32>
      %shift_left3A_45 = arith.constant 10 : i32
      %shift_left3A_46 = vector.broadcast %shift_left3A_45 : i32 to vector<16xi32>
      %shift_left3A_47 = arith.shli %shift_right_arithmetic3A_44, %shift_left3A_46 : vector<16xi32>
      %add3A_48 = arith.addi %shift_left3A_41, %shift_left3A_47 : vector<16xi32>
      %and3A_49 = arith.constant 7 : i32
      %and3A_50 = vector.broadcast %and3A_49 : i32 to vector<16xi32>
      %and3A_51 = arith.andi %get3A_32, %and3A_50 : vector<16xi32>
      %shift_left3A_52 = arith.constant 7 : i32
      %shift_left3A_53 = vector.broadcast %shift_left3A_52 : i32 to vector<16xi32>
      %shift_left3A_54 = arith.shli %and3A_51, %shift_left3A_53 : vector<16xi32>
      %add3A_55 = arith.addi %add3A_48, %shift_left3A_54 : vector<16xi32>
      %and3A_56 = arith.constant 127 : i32
      %and3A_57 = vector.broadcast %and3A_56 : i32 to vector<16xi32>
      %and3A_58 = arith.andi %add3A_35, %and3A_57 : vector<16xi32>
      %add3A_59 = arith.addi %add3A_55, %and3A_58 : vector<16xi32>
      %swap3A_60 = arith.constant 16 : index
      %swap3A_61 = tpu.vector_load %arg5[%swap3A_60] {strides = array<i32>} : memref<1024xi32, #tpu.memory_space<vmem>>, vector<16xi32>,
      %swap3A_62 = vector.shape_cast %swap3A_61 : vector<16xi32> to vector<16xi32>
      %swap3A_63 = vector.shape_cast %add3A_59 : vector<16xi32> to vector<16xi32>
      tpu.vector_store %arg5[%swap3A_60], %swap3A_63 {strides = array<i32>} : memref<1024xi32, #tpu.memory_space<vmem>>, vector<16xi32>,
      %get3A_64 = arith.constant 32 : index
      %get3A_65 = tpu.vector_load %arg5[%get3A_64] {strides = array<i32>} : memref<1024xi32, #tpu.memory_space<vmem>>, vector<16xi32>,
      %get3A_66 = vector.shape_cast %get3A_65 : vector<16xi32> to vector<16xi32>
      %add3A_67 = arith.constant 32 : i32
      %add3A_68 = vector.broadcast %add3A_67 : i32 to vector<16xi32>
      %add3A_69 = arith.addi %add3A_68, %iota3A : vector<16xi32>
      %shift_right_arithmetic3A_70 = arith.constant 3 : i32
      %shift_right_arithmetic3A_71 = vector.broadcast %shift_right_arithmetic3A_70 : i32 to vector<16xi32>
      %shift_right_arithmetic3A_72 = arith.shrsi %get3A_66, %shift_right_arithmetic3A_71 : vector<16xi32>
      %shift_left3A_73 = arith.constant 13 : i32
      %shift_left3A_74 = vector.broadcast %shift_left3A_73 : i32 to vector<16xi32>
      %shift_left3A_75 = arith.shli %shift_right_arithmetic3A_72, %shift_left3A_74 : vector<16xi32>
      %shift_right_arithmetic3A_76 = arith.constant 7 : i32
      %shift_right_arithmetic3A_77 = vector.broadcast %shift_right_arithmetic3A_76 : i32 to vector<16xi32>
      %shift_right_arithmetic3A_78 = arith.shrsi %add3A_69, %shift_right_arithmetic3A_77 : vector<16xi32>
      %shift_left3A_79 = arith.constant 10 : i32
      %shift_left3A_80 = vector.broadcast %shift_left3A_79 : i32 to vector<16xi32>
      %shift_left3A_81 = arith.shli %shift_right_arithmetic3A_78, %shift_left3A_80 : vector<16xi32>
      %add3A_82 = arith.addi %shift_left3A_75, %shift_left3A_81 : vector<16xi32>
      %and3A_83 = arith.constant 7 : i32
      %and3A_84 = vector.broadcast %and3A_83 : i32 to vector<16xi32>
      %and3A_85 = arith.andi %get3A_66, %and3A_84 : vector<16xi32>
      %shift_left3A_86 = arith.constant 7 : i32
      %shift_left3A_87 = vector.broadcast %shift_left3A_86 : i32 to vector<16xi32>
      %shift_left3A_88 = arith.shli %and3A_85, %shift_left3A_87 : vector<16xi32>
      %add3A_89 = arith.addi %add3A_82, %shift_left3A_88 : vector<16xi32>
      %and3A_90 = arith.constant 127 : i32
      %and3A_91 = vector.broadcast %and3A_90 : i32 to vector<16xi32>
      %and3A_92 = arith.andi %add3A_69, %and3A_91 : vector<16xi32>
      %add3A_93 = arith.addi %add3A_89, %and3A_92 : vector<16xi32>
      %swap3A_94 = arith.constant 32 : index
      %swap3A_95 = tpu.vector_load %arg5[%swap3A_94] {strides = array<i32>} : memref<1024xi32, #tpu.memory_space<vmem>>, vector<16xi32>,
      %swap3A_96 = vector.shape_cast %swap3A_95 : vector<16xi32> to vector<16xi32>
      %swap3A_97 = vector.shape_cast %add3A_93 : vector<16xi32> to vector<16xi32>
      tpu.vector_store %arg5[%swap3A_94], %swap3A_97 {strides = array<i32>} : memref<1024xi32, #tpu.memory_space<vmem>>, vector<16xi32>,
      %get3A_98 = arith.constant 48 : index
      %get3A_99 = tpu.vector_load %arg5[%get3A_98] {strides = array<i32>} : memref<1024xi32, #tpu.memory_space<vmem>>, vector<16xi32>,
      %get3A_100 = vector.shape_cast %get3A_99 : vector<16xi32> to vector<16xi32>
      %add3A_101 = arith.constant 48 : i32
      %add3A_102 = vector.broadcast %add3A_101 : i32 to vector<16xi32>
      %add3A_103 = arith.addi %add3A_102, %iota3A : vector<16xi32>
      %shift_right_arithmetic3A_104 = arith.constant 3 : i32
      %shift_right_arithmetic3A_105 = vector.broadcast %shift_right_arithmetic3A_104 : i32 to vector<16xi32>
      %shift_right_arithmetic3A_106 = arith.shrsi %get3A_100, %shift_right_arithmetic3A_105 : vector<16xi32>
      %shift_left3A_107 = arith.constant 13 : i32
      %shift_left3A_108 = vector.broadcast %shift_left3A_107 : i32 to vector<16xi32>
      %shift_left3A_109 = arith.shli %shift_right_arithmetic3A_106, %shift_left3A_108 : vector<16xi32>
      %shift_right_arithmetic3A_110 = arith.constant 7 : i32
      %shift_right_arithmetic3A_111 = vector.broadcast %shift_right_arithmetic3A_110 : i32 to vector<16xi32>
      %shift_right_arithmetic3A_112 = arith.shrsi %add3A_103, %shift_right_arithmetic3A_111 : vector<16xi32>
      %shift_left3A_113 = arith.constant 10 : i32
      %shift_left3A_114 = vector.broadcast %shift_left3A_113 : i32 to vector<16xi32>
      %shift_left3A_115 = arith.shli %shift_right_arithmetic3A_112, %shift_left3A_114 : vector<16xi32>
      %add3A_116 = arith.addi %shift_left3A_109, %shift_left3A_115 : vector<16xi32>
      %and3A_117 = arith.constant 7 : i32
      %and3A_118 = vector.broadcast %and3A_117 : i32 to vector<16xi32>
      %and3A_119 = arith.andi %get3A_100, %and3A_118 : vector<16xi32>
      %shift_left3A_120 = arith.constant 7 : i32
      %shift_left3A_121 = vector.broadcast %shift_left3A_120 : i32 to vector<16xi32>
      %shift_left3A_122 = arith.shli %and3A_119, %shift_left3A_121 : vector<16xi32>
      %add3A_123 = arith.addi %add3A_116, %shift_left3A_122 : vector<16xi32>
      %and3A_124 = arith.constant 127 : i32
      %and3A_125 = vector.broadcast %and3A_124 : i32 to vector<16xi32>
      %and3A_126 = arith.andi %add3A_103, %and3A_125 : vector<16xi32>
      %add3A_127 = arith.addi %add3A_123, %and3A_126 : vector<16xi32>
      %swap3A_128 = arith.constant 48 : index
      %swap3A_129 = tpu.vector_load %arg5[%swap3A_128] {strides = array<i32>} : memref<1024xi32, #tpu.memory_space<vmem>>, vector<16xi32>,
      %swap3A_130 = vector.shape_cast %swap3A_129 : vector<16xi32> to vector<16xi32>
      %swap3A_131 = vector.shape_cast %add3A_127 : vector<16xi32> to vector<16xi32>
      tpu.vector_store %arg5[%swap3A_128], %swap3A_131 {strides = array<i32>} : memref<1024xi32, #tpu.memory_space<vmem>>, vector<16xi32>,
      %get3A_132 = arith.constant 64 : index
      %get3A_133 = tpu.vector_load %arg5[%get3A_132] {strides = array<i32>} : memref<1024xi32, #tpu.memory_space<vmem>>, vector<16xi32>,
      %get3A_134 = vector.shape_cast %get3A_133 : vector<16xi32> to vector<16xi32>
      %add3A_135 = arith.constant 64 : i32
      %add3A_136 = vector.broadcast %add3A_135 : i32 to vector<16xi32>
      %add3A_137 = arith.addi %add3A_136, %iota3A : vector<16xi32>
      %shift_right_arithmetic3A_138 = arith.constant 3 : i32
      %shift_right_arithmetic3A_139 = vector.broadcast %shift_right_arithmetic3A_138 : i32 to vector<16xi32>
      %shift_right_arithmetic3A_140 = arith.shrsi %get3A_134, %shift_right_arithmetic3A_139 : vector<16xi32>
      %shift_left3A_141 = arith.constant 13 : i32
      %shift_left3A_142 = vector.broadcast %shift_left3A_141 : i32 to vector<16xi32>
      %shift_left3A_143 = arith.shli %shift_right_arithmetic3A_140, %shift_left3A_142 : vector<16xi32>
      %shift_right_arithmetic3A_144 = arith.constant 7 : i32
      %shift_right_arithmetic3A_145 = vector.broadcast %shift_right_arithmetic3A_144 : i32 to vector<16xi32>
      %shift_right_arithmetic3A_146 = arith.shrsi %add3A_137, %shift_right_arithmetic3A_145 : vector<16xi32>
      %shift_left3A_147 = arith.constant 10 : i32
      %shift_left3A_148 = vector.broadcast %shift_left3A_147 : i32 to vector<16xi32>
      %shift_left3A_149 = arith.shli %shift_right_arithmetic3A_146, %shift_left3A_148 : vector<16xi32>
      %add3A_150 = arith.addi %shift_left3A_143, %shift_left3A_149 : vector<16xi32>
      %and3A_151 = arith.constant 7 : i32
      %and3A_152 = vector.broadcast %and3A_151 : i32 to vector<16xi32>
      %and3A_153 = arith.andi %get3A_134, %and3A_152 : vector<16xi32>
      %shift_left3A_154 = arith.constant 7 : i32
      %shift_left3A_155 = vector.broadcast %shift_left3A_154 : i32 to vector<16xi32>
      %shift_left3A_156 = arith.shli %and3A_153, %shift_left3A_155 : vector<16xi32>
      %add3A_157 = arith.addi %add3A_150, %shift_left3A_156 : vector<16xi32>
      %and3A_158 = arith.constant 127 : i32
      %and3A_159 = vector.broadcast %and3A_158 : i32 to vector<16xi32>
      %and3A_160 = arith.andi %add3A_137, %and3A_159 : vector<16xi32>
      %add3A_161 = arith.addi %add3A_157, %and3A_160 : vector<16xi32>
      %swap3A_162 = arith.constant 64 : index
      %swap3A_163 = tpu.vector_load %arg5[%swap3A_162] {strides = array<i32>} : memref<1024xi32, #tpu.memory_space<vmem>>, vector<16xi32>,
      %swap3A_164 = vector.shape_cast %swap3A_163 : vector<16xi32> to vector<16xi32>
      %swap3A_165 = vector.shape_cast %add3A_161 : vector<16xi32> to vector<16xi32>
      tpu.vector_store %arg5[%swap3A_162], %swap3A_165 {strides = array<i32>} : memref<1024xi32, #tpu.memory_space<vmem>>, vector<16xi32>,
      %get3A_166 = arith.constant 80 : index
      %get3A_167 = tpu.vector_load %arg5[%get3A_166] {strides = array<i32>} : memref<1024xi32, #tpu.memory_space<vmem>>, vector<16xi32>,
      %get3A_168 = vector.shape_cast %get3A_167 : vector<16xi32> to vector<16xi32>
      %add3A_169 = arith.constant 80 : i32
      %add3A_170 = vector.broadcast %add3A_169 : i32 to vector<16xi32>
      %add3A_171 = arith.addi %add3A_170, %iota3A : vector<16xi32>
      %shift_right_arithmetic3A_172 = arith.constant 3 : i32
      %shift_right_arithmetic3A_173 = vector.broadcast %shift_right_arithmetic3A_172 : i32 to vector<16xi32>
      %shift_right_arithmetic3A_174 = arith.shrsi %get3A_168, %shift_right_arithmetic3A_173 : vector<16xi32>
      %shift_left3A_175 = arith.constant 13 : i32
      %shift_left3A_176 = vector.broadcast %shift_left3A_175 : i32 to vector<16xi32>
      %shift_left3A_177 = arith.shli %shift_right_arithmetic3A_174, %shift_left3A_176 : vector<16xi32>
      %shift_right_arithmetic3A_178 = arith.constant 7 : i32
      %shift_right_arithmetic3A_179 = vector.broadcast %shift_right_arithmetic3A_178 : i32 to vector<16xi32>
      %shift_right_arithmetic3A_180 = arith.shrsi %add3A_171, %shift_right_arithmetic3A_179 : vector<16xi32>
      %shift_left3A_181 = arith.constant 10 : i32
      %shift_left3A_182 = vector.broadcast %shift_left3A_181 : i32 to vector<16xi32>
      %shift_left3A_183 = arith.shli %shift_right_arithmetic3A_180, %shift_left3A_182 : vector<16xi32>
      %add3A_184 = arith.addi %shift_left3A_177, %shift_left3A_183 : vector<16xi32>
      %and3A_185 = arith.constant 7 : i32
      %and3A_186 = vector.broadcast %and3A_185 : i32 to vector<16xi32>
      %and3A_187 = arith.andi %get3A_168, %and3A_186 : vector<16xi32>
      %shift_left3A_188 = arith.constant 7 : i32
      %shift_left3A_189 = vector.broadcast %shift_left3A_188 : i32 to vector<16xi32>
      %shift_left3A_190 = arith.shli %and3A_187, %shift_left3A_189 : vector<16xi32>
      %add3A_191 = arith.addi %add3A_184, %shift_left3A_190 : vector<16xi32>
      %and3A_192 = arith.constant 127 : i32
      %and3A_193 = vector.broadcast %and3A_192 : i32 to vector<16xi32>
      %and3A_194 = arith.andi %add3A_171, %and3A_193 : vector<16xi32>
      %add3A_195 = arith.addi %add3A_191, %and3A_194 : vector<16xi32>
      %swap3A_196 = arith.constant 80 : index
      %swap3A_197 = tpu.vector_load %arg5[%swap3A_196] {strides = array<i32>} : memref<1024xi32, #tpu.memory_space<vmem>>, vector<16xi32>,
      %swap3A_198 = vector.shape_cast %swap3A_197 : vector<16xi32> to vector<16xi32>
      %swap3A_199 = vector.shape_cast %add3A_195 : vector<16xi32> to vector<16xi32>
      tpu.vector_store %arg5[%swap3A_196], %swap3A_199 {strides = array<i32>} : memref<1024xi32, #tpu.memory_space<vmem>>, vector<16xi32>,
      %get3A_200 = arith.constant 96 : index
      %get3A_201 = tpu.vector_load %arg5[%get3A_200] {strides = array<i32>} : memref<1024xi32, #tpu.memory_space<vmem>>, vector<16xi32>,
      %get3A_202 = vector.shape_cast %get3A_201 : vector<16xi32> to vector<16xi32>
      %add3A_203 = arith.constant 96 : i32
      %add3A_204 = vector.broadcast %add3A_203 : i32 to vector<16xi32>
      %add3A_205 = arith.addi %add3A_204, %iota3A : vector<16xi32>
      %shift_right_arithmetic3A_206 = arith.constant 3 : i32
      %shift_right_arithmetic3A_207 = vector.broadcast %shift_right_arithmetic3A_206 : i32 to vector<16xi32>
      %shift_right_arithmetic3A_208 = arith.shrsi %get3A_202, %shift_right_arithmetic3A_207 : vector<16xi32>
      %shift_left3A_209 = arith.constant 13 : i32
      %shift_left3A_210 = vector.broadcast %shift_left3A_209 : i32 to vector<16xi32>
      %shift_left3A_211 = arith.shli %shift_right_arithmetic3A_208, %shift_left3A_210 : vector<16xi32>
      %shift_right_arithmetic3A_212 = arith.constant 7 : i32
      %shift_right_arithmetic3A_213 = vector.broadcast %shift_right_arithmetic3A_212 : i32 to vector<16xi32>
      %shift_right_arithmetic3A_214 = arith.shrsi %add3A_205, %shift_right_arithmetic3A_213 : vector<16xi32>
      %shift_left3A_215 = arith.constant 10 : i32
      %shift_left3A_216 = vector.broadcast %shift_left3A_215 : i32 to vector<16xi32>
      %shift_left3A_217 = arith.shli %shift_right_arithmetic3A_214, %shift_left3A_216 : vector<16xi32>
      %add3A_218 = arith.addi %shift_left3A_211, %shift_left3A_217 : vector<16xi32>
      %and3A_219 = arith.constant 7 : i32
      %and3A_220 = vector.broadcast %and3A_219 : i32 to vector<16xi32>
      %and3A_221 = arith.andi %get3A_202, %and3A_220 : vector<16xi32>
      %shift_left3A_222 = arith.constant 7 : i32
      %shift_left3A_223 = vector.broadcast %shift_left3A_222 : i32 to vector<16xi32>
      %shift_left3A_224 = arith.shli %and3A_221, %shift_left3A_223 : vector<16xi32>
      %add3A_225 = arith.addi %add3A_218, %shift_left3A_224 : vector<16xi32>
      %and3A_226 = arith.constant 127 : i32
      %and3A_227 = vector.broadcast %and3A_226 : i32 to vector<16xi32>
      %and3A_228 = arith.andi %add3A_205, %and3A_227 : vector<16xi32>
      %add3A_229 = arith.addi %add3A_225, %and3A_228 : vector<16xi32>
      %swap3A_230 = arith.constant 96 : index
      %swap3A_231 = tpu.vector_load %arg5[%swap3A_230] {strides = array<i32>} : memref<1024xi32, #tpu.memory_space<vmem>>, vector<16xi32>,
      %swap3A_232 = vector.shape_cast %swap3A_231 : vector<16xi32> to vector<16xi32>
      %swap3A_233 = vector.shape_cast %add3A_229 : vector<16xi32> to vector<16xi32>
      tpu.vector_store %arg5[%swap3A_230], %swap3A_233 {strides = array<i32>} : memref<1024xi32, #tpu.memory_space<vmem>>, vector<16xi32>,
      %get3A_234 = arith.constant 112 : index
      %get3A_235 = tpu.vector_load %arg5[%get3A_234] {strides = array<i32>} : memref<1024xi32, #tpu.memory_space<vmem>>, vector<16xi32>,
      %get3A_236 = vector.shape_cast %get3A_235 : vector<16xi32> to vector<16xi32>
      %add3A_237 = arith.constant 112 : i32
      %add3A_238 = vector.broadcast %add3A_237 : i32 to vector<16xi32>
      %add3A_239 = arith.addi %add3A_238, %iota3A : vector<16xi32>
      %shift_right_arithmetic3A_240 = arith.constant 3 : i32
      %shift_right_arithmetic3A_241 = vector.broadcast %shift_right_arithmetic3A_240 : i32 to vector<16xi32>
      %shift_right_arithmetic3A_242 = arith.shrsi %get3A_236, %shift_right_arithmetic3A_241 : vector<16xi32>
      %shift_left3A_243 = arith.constant 13 : i32
      %shift_left3A_244 = vector.broadcast %shift_left3A_243 : i32 to vector<16xi32>
      %shift_left3A_245 = arith.shli %shift_right_arithmetic3A_242, %shift_left3A_244 : vector<16xi32>
      %shift_right_arithmetic3A_246 = arith.constant 7 : i32
      %shift_right_arithmetic3A_247 = vector.broadcast %shift_right_arithmetic3A_246 : i32 to vector<16xi32>
      %shift_right_arithmetic3A_248 = arith.shrsi %add3A_239, %shift_right_arithmetic3A_247 : vector<16xi32>
      %shift_left3A_249 = arith.constant 10 : i32
      %shift_left3A_250 = vector.broadcast %shift_left3A_249 : i32 to vector<16xi32>
      %shift_left3A_251 = arith.shli %shift_right_arithmetic3A_248, %shift_left3A_250 : vector<16xi32>
      %add3A_252 = arith.addi %shift_left3A_245, %shift_left3A_251 : vector<16xi32>
      %and3A_253 = arith.constant 7 : i32
      %and3A_254 = vector.broadcast %and3A_253 : i32 to vector<16xi32>
      %and3A_255 = arith.andi %get3A_236, %and3A_254 : vector<16xi32>
      %shift_left3A_256 = arith.constant 7 : i32
      %shift_left3A_257 = vector.broadcast %shift_left3A_256 : i32 to vector<16xi32>
      %shift_left3A_258 = arith.shli %and3A_255, %shift_left3A_257 : vector<16xi32>
      %add3A_259 = arith.addi %add3A_252, %shift_left3A_258 : vector<16xi32>
      %and3A_260 = arith.constant 127 : i32
      %and3A_261 = vector.broadcast %and3A_260 : i32 to vector<16xi32>
      %and3A_262 = arith.andi %add3A_239, %and3A_261 : vector<16xi32>
      %add3A_263 = arith.addi %add3A_259, %and3A_262 : vector<16xi32>
      %swap3A_264 = arith.constant 112 : index
      %swap3A_265 = tpu.vector_load %arg5[%swap3A_264] {strides = array<i32>} : memref<1024xi32, #tpu.memory_space<vmem>>, vector<16xi32>,
      %swap3A_266 = vector.shape_cast %swap3A_265 : vector<16xi32> to vector<16xi32>
      %swap3A_267 = vector.shape_cast %add3A_263 : vector<16xi32> to vector<16xi32>
      tpu.vector_store %arg5[%swap3A_264], %swap3A_267 {strides = array<i32>} : memref<1024xi32, #tpu.memory_space<vmem>>, vector<16xi32>,
      %get3A_268 = arith.constant 128 : index
      %get3A_269 = tpu.vector_load %arg5[%get3A_268] {strides = array<i32>} : memref<1024xi32, #tpu.memory_space<vmem>>, vector<16xi32>,
      %get3A_270 = vector.shape_cast %get3A_269 : vector<16xi32> to vector<16xi32>
      %add3A_271 = arith.constant 128 : i32
      %add3A_272 = vector.broadcast %add3A_271 : i32 to vector<16xi32>
      %add3A_273 = arith.addi %add3A_272, %iota3A : vector<16xi32>
      %shift_right_arithmetic3A_274 = arith.constant 3 : i32
      %shift_right_arithmetic3A_275 = vector.broadcast %shift_right_arithmetic3A_274 : i32 to vector<16xi32>
      %shift_right_arithmetic3A_276 = arith.shrsi %get3A_270, %shift_right_arithmetic3A_275 : vector<16xi32>
      %shift_left3A_277 = arith.constant 13 : i32
      %shift_left3A_278 = vector.broadcast %shift_left3A_277 : i32 to vector<16xi32>
      %shift_left3A_279 = arith.shli %shift_right_arithmetic3A_276, %shift_left3A_278 : vector<16xi32>
      %shift_right_arithmetic3A_280 = arith.constant 7 : i32
      %shift_right_arithmetic3A_281 = vector.broadcast %shift_right_arithmetic3A_280 : i32 to vector<16xi32>
      %shift_right_arithmetic3A_282 = arith.shrsi %add3A_273, %shift_right_arithmetic3A_281 : vector<16xi32>
      %shift_left3A_283 = arith.constant 10 : i32
      %shift_left3A_284 = vector.broadcast %shift_left3A_283 : i32 to vector<16xi32>
      %shift_left3A_285 = arith.shli %shift_right_arithmetic3A_282, %shift_left3A_284 : vector<16xi32>
      %add3A_286 = arith.addi %shift_left3A_279, %shift_left3A_285 : vector<16xi32>
      %and3A_287 = arith.constant 7 : i32
      %and3A_288 = vector.broadcast %and3A_287 : i32 to vector<16xi32>
      %and3A_289 = arith.andi %get3A_270, %and3A_288 : vector<16xi32>
      %shift_left3A_290 = arith.constant 7 : i32
      %shift_left3A_291 = vector.broadcast %shift_left3A_290 : i32 to vector<16xi32>
      %shift_left3A_292 = arith.shli %and3A_289, %shift_left3A_291 : vector<16xi32>
      %add3A_293 = arith.addi %add3A_286, %shift_left3A_292 : vector<16xi32>
      %and3A_294 = arith.constant 127 : i32
      %and3A_295 = vector.broadcast %and3A_294 : i32 to vector<16xi32>
      %and3A_296 = arith.andi %add3A_273, %and3A_295 : vector<16xi32>
      %add3A_297 = arith.addi %add3A_293, %and3A_296 : vector<16xi32>
      %swap3A_298 = arith.constant 128 : index
      %swap3A_299 = tpu.vector_load %arg5[%swap3A_298] {strides = array<i32>} : memref<1024xi32, #tpu.memory_space<vmem>>, vector<16xi32>,
      %swap3A_300 = vector.shape_cast %swap3A_299 : vector<16xi32> to vector<16xi32>
      %swap3A_301 = vector.shape_cast %add3A_297 : vector<16xi32> to vector<16xi32>
      tpu.vector_store %arg5[%swap3A_298], %swap3A_301 {strides = array<i32>} : memref<1024xi32, #tpu.memory_space<vmem>>, vector<16xi32>,
      %get3A_302 = arith.constant 144 : index
      %get3A_303 = tpu.vector_load %arg5[%get3A_302] {strides = array<i32>} : memref<1024xi32, #tpu.memory_space<vmem>>, vector<16xi32>,
      %get3A_304 = vector.shape_cast %get3A_303 : vector<16xi32> to vector<16xi32>
      %add3A_305 = arith.constant 144 : i32
      %add3A_306 = vector.broadcast %add3A_305 : i32 to vector<16xi32>
      %add3A_307 = arith.addi %add3A_306, %iota3A : vector<16xi32>
      %shift_right_arithmetic3A_308 = arith.constant 3 : i32
      %shift_right_arithmetic3A_309 = vector.broadcast %shift_right_arithmetic3A_308 : i32 to vector<16xi32>
      %shift_right_arithmetic3A_310 = arith.shrsi %get3A_304, %shift_right_arithmetic3A_309 : vector<16xi32>
      %shift_left3A_311 = arith.constant 13 : i32
      %shift_left3A_312 = vector.broadcast %shift_left3A_311 : i32 to vector<16xi32>
      %shift_left3A_313 = arith.shli %shift_right_arithmetic3A_310, %shift_left3A_312 : vector<16xi32>
      %shift_right_arithmetic3A_314 = arith.constant 7 : i32
      %shift_right_arithmetic3A_315 = vector.broadcast %shift_right_arithmetic3A_314 : i32 to vector<16xi32>
      %shift_right_arithmetic3A_316 = arith.shrsi %add3A_307, %shift_right_arithmetic3A_315 : vector<16xi32>
      %shift_left3A_317 = arith.constant 10 : i32
      %shift_left3A_318 = vector.broadcast %shift_left3A_317 : i32 to vector<16xi32>
      %shift_left3A_319 = arith.shli %shift_right_arithmetic3A_316, %shift_left3A_318 : vector<16xi32>
      %add3A_320 = arith.addi %shift_left3A_313, %shift_left3A_319 : vector<16xi32>
      %and3A_321 = arith.constant 7 : i32
      %and3A_322 = vector.broadcast %and3A_321 : i32 to vector<16xi32>
      %and3A_323 = arith.andi %get3A_304, %and3A_322 : vector<16xi32>
      %shift_left3A_324 = arith.constant 7 : i32
      %shift_left3A_325 = vector.broadcast %shift_left3A_324 : i32 to vector<16xi32>
      %shift_left3A_326 = arith.shli %and3A_323, %shift_left3A_325 : vector<16xi32>
      %add3A_327 = arith.addi %add3A_320, %shift_left3A_326 : vector<16xi32>
      %and3A_328 = arith.constant 127 : i32
      %and3A_329 = vector.broadcast %and3A_328 : i32 to vector<16xi32>
      %and3A_330 = arith.andi %add3A_307, %and3A_329 : vector<16xi32>
      %add3A_331 = arith.addi %add3A_327, %and3A_330 : vector<16xi32>
      %swap3A_332 = arith.constant 144 : index
      %swap3A_333 = tpu.vector_load %arg5[%swap3A_332] {strides = array<i32>} : memref<1024xi32, #tpu.memory_space<vmem>>, vector<16xi32>,
      %swap3A_334 = vector.shape_cast %swap3A_333 : vector<16xi32> to vector<16xi32>
      %swap3A_335 = vector.shape_cast %add3A_331 : vector<16xi32> to vector<16xi32>
      tpu.vector_store %arg5[%swap3A_332], %swap3A_335 {strides = array<i32>} : memref<1024xi32, #tpu.memory_space<vmem>>, vector<16xi32>,
      %get3A_336 = arith.constant 160 : index
      %get3A_337 = tpu.vector_load %arg5[%get3A_336] {strides = array<i32>} : memref<1024xi32, #tpu.memory_space<vmem>>, vector<16xi32>,
      %get3A_338 = vector.shape_cast %get3A_337 : vector<16xi32> to vector<16xi32>
      %add3A_339 = arith.constant 160 : i32
      %add3A_340 = vector.broadcast %add3A_339 : i32 to vector<16xi32>
      %add3A_341 = arith.addi %add3A_340, %iota3A : vector<16xi32>
      %shift_right_arithmetic3A_342 = arith.constant 3 : i32
      %shift_right_arithmetic3A_343 = vector.broadcast %shift_right_arithmetic3A_342 : i32 to vector<16xi32>
      %shift_right_arithmetic3A_344 = arith.shrsi %get3A_338, %shift_right_arithmetic3A_343 : vector<16xi32>
      %shift_left3A_345 = arith.constant 13 : i32
      %shift_left3A_346 = vector.broadcast %shift_left3A_345 : i32 to vector<16xi32>
      %shift_left3A_347 = arith.shli %shift_right_arithmetic3A_344, %shift_left3A_346 : vector<16xi32>
      %shift_right_arithmetic3A_348 = arith.constant 7 : i32
      %shift_right_arithmetic3A_349 = vector.broadcast %shift_right_arithmetic3A_348 : i32 to vector<16xi32>
      %shift_right_arithmetic3A_350 = arith.shrsi %add3A_341, %shift_right_arithmetic3A_349 : vector<16xi32>
      %shift_left3A_351 = arith.constant 10 : i32
      %shift_left3A_352 = vector.broadcast %shift_left3A_351 : i32 to vector<16xi32>
      %shift_left3A_353 = arith.shli %shift_right_arithmetic3A_350, %shift_left3A_352 : vector<16xi32>
      %add3A_354 = arith.addi %shift_left3A_347, %shift_left3A_353 : vector<16xi32>
      %and3A_355 = arith.constant 7 : i32
      %and3A_356 = vector.broadcast %and3A_355 : i32 to vector<16xi32>
      %and3A_357 = arith.andi %get3A_338, %and3A_356 : vector<16xi32>
      %shift_left3A_358 = arith.constant 7 : i32
      %shift_left3A_359 = vector.broadcast %shift_left3A_358 : i32 to vector<16xi32>
      %shift_left3A_360 = arith.shli %and3A_357, %shift_left3A_359 : vector<16xi32>
      %add3A_361 = arith.addi %add3A_354, %shift_left3A_360 : vector<16xi32>
      %and3A_362 = arith.constant 127 : i32
      %and3A_363 = vector.broadcast %and3A_362 : i32 to vector<16xi32>
      %and3A_364 = arith.andi %add3A_341, %and3A_363 : vector<16xi32>
      %add3A_365 = arith.addi %add3A_361, %and3A_364 : vector<16xi32>
      %swap3A_366 = arith.constant 160 : index
      %swap3A_367 = tpu.vector_load %arg5[%swap3A_366] {strides = array<i32>} : memref<1024xi32, #tpu.memory_space<vmem>>, vector<16xi32>,
      %swap3A_368 = vector.shape_cast %swap3A_367 : vector<16xi32> to vector<16xi32>
      %swap3A_369 = vector.shape_cast %add3A_365 : vector<16xi32> to vector<16xi32>
      tpu.vector_store %arg5[%swap3A_366], %swap3A_369 {strides = array<i32>} : memref<1024xi32, #tpu.memory_space<vmem>>, vector<16xi32>,
      %get3A_370 = arith.constant 176 : index
      %get3A_371 = tpu.vector_load %arg5[%get3A_370] {strides = array<i32>} : memref<1024xi32, #tpu.memory_space<vmem>>, vector<16xi32>,
      %get3A_372 = vector.shape_cast %get3A_371 : vector<16xi32> to vector<16xi32>
      %add3A_373 = arith.constant 176 : i32
      %add3A_374 = vector.broadcast %add3A_373 : i32 to vector<16xi32>
      %add3A_375 = arith.addi %add3A_374, %iota3A : vector<16xi32>
      %shift_right_arithmetic3A_376 = arith.constant 3 : i32
      %shift_right_arithmetic3A_377 = vector.broadcast %shift_right_arithmetic3A_376 : i32 to vector<16xi32>
      %shift_right_arithmetic3A_378 = arith.shrsi %get3A_372, %shift_right_arithmetic3A_377 : vector<16xi32>
      %shift_left3A_379 = arith.constant 13 : i32
      %shift_left3A_380 = vector.broadcast %shift_left3A_379 : i32 to vector<16xi32>
      %shift_left3A_381 = arith.shli %shift_right_arithmetic3A_378, %shift_left3A_380 : vector<16xi32>
      %shift_right_arithmetic3A_382 = arith.constant 7 : i32
      %shift_right_arithmetic3A_383 = vector.broadcast %shift_right_arithmetic3A_382 : i32 to vector<16xi32>
      %shift_right_arithmetic3A_384 = arith.shrsi %add3A_375, %shift_right_arithmetic3A_383 : vector<16xi32>
      %shift_left3A_385 = arith.constant 10 : i32
      %shift_left3A_386 = vector.broadcast %shift_left3A_385 : i32 to vector<16xi32>
      %shift_left3A_387 = arith.shli %shift_right_arithmetic3A_384, %shift_left3A_386 : vector<16xi32>
      %add3A_388 = arith.addi %shift_left3A_381, %shift_left3A_387 : vector<16xi32>
      %and3A_389 = arith.constant 7 : i32
      %and3A_390 = vector.broadcast %and3A_389 : i32 to vector<16xi32>
      %and3A_391 = arith.andi %get3A_372, %and3A_390 : vector<16xi32>
      %shift_left3A_392 = arith.constant 7 : i32
      %shift_left3A_393 = vector.broadcast %shift_left3A_392 : i32 to vector<16xi32>
      %shift_left3A_394 = arith.shli %and3A_391, %shift_left3A_393 : vector<16xi32>
      %add3A_395 = arith.addi %add3A_388, %shift_left3A_394 : vector<16xi32>
      %and3A_396 = arith.constant 127 : i32
      %and3A_397 = vector.broadcast %and3A_396 : i32 to vector<16xi32>
      %and3A_398 = arith.andi %add3A_375, %and3A_397 : vector<16xi32>
      %add3A_399 = arith.addi %add3A_395, %and3A_398 : vector<16xi32>
      %swap3A_400 = arith.constant 176 : index
      %swap3A_401 = tpu.vector_load %arg5[%swap3A_400] {strides = array<i32>} : memref<1024xi32, #tpu.memory_space<vmem>>, vector<16xi32>,
      %swap3A_402 = vector.shape_cast %swap3A_401 : vector<16xi32> to vector<16xi32>
      %swap3A_403 = vector.shape_cast %add3A_399 : vector<16xi32> to vector<16xi32>
      tpu.vector_store %arg5[%swap3A_400], %swap3A_403 {strides = array<i32>} : memref<1024xi32, #tpu.memory_space<vmem>>, vector<16xi32>,
      %get3A_404 = arith.constant 192 : index
      %get3A_405 = tpu.vector_load %arg5[%get3A_404] {strides = array<i32>} : memref<1024xi32, #tpu.memory_space<vmem>>, vector<16xi32>,
      %get3A_406 = vector.shape_cast %get3A_405 : vector<16xi32> to vector<16xi32>
      %add3A_407 = arith.constant 192 : i32
      %add3A_408 = vector.broadcast %add3A_407 : i32 to vector<16xi32>
      %add3A_409 = arith.addi %add3A_408, %iota3A : vector<16xi32>
      %shift_right_arithmetic3A_410 = arith.constant 3 : i32
      %shift_right_arithmetic3A_411 = vector.broadcast %shift_right_arithmetic3A_410 : i32 to vector<16xi32>
      %shift_right_arithmetic3A_412 = arith.shrsi %get3A_406, %shift_right_arithmetic3A_411 : vector<16xi32>
      %shift_left3A_413 = arith.constant 13 : i32
      %shift_left3A_414 = vector.broadcast %shift_left3A_413 : i32 to vector<16xi32>
      %shift_left3A_415 = arith.shli %shift_right_arithmetic3A_412, %shift_left3A_414 : vector<16xi32>
      %shift_right_arithmetic3A_416 = arith.constant 7 : i32
      %shift_right_arithmetic3A_417 = vector.broadcast %shift_right_arithmetic3A_416 : i32 to vector<16xi32>
      %shift_right_arithmetic3A_418 = arith.shrsi %add3A_409, %shift_right_arithmetic3A_417 : vector<16xi32>
      %shift_left3A_419 = arith.constant 10 : i32
      %shift_left3A_420 = vector.broadcast %shift_left3A_419 : i32 to vector<16xi32>
      %shift_left3A_421 = arith.shli %shift_right_arithmetic3A_418, %shift_left3A_420 : vector<16xi32>
      %add3A_422 = arith.addi %shift_left3A_415, %shift_left3A_421 : vector<16xi32>
      %and3A_423 = arith.constant 7 : i32
      %and3A_424 = vector.broadcast %and3A_423 : i32 to vector<16xi32>
      %and3A_425 = arith.andi %get3A_406, %and3A_424 : vector<16xi32>
      %shift_left3A_426 = arith.constant 7 : i32
      %shift_left3A_427 = vector.broadcast %shift_left3A_426 : i32 to vector<16xi32>
      %shift_left3A_428 = arith.shli %and3A_425, %shift_left3A_427 : vector<16xi32>
      %add3A_429 = arith.addi %add3A_422, %shift_left3A_428 : vector<16xi32>
      %and3A_430 = arith.constant 127 : i32
      %and3A_431 = vector.broadcast %and3A_430 : i32 to vector<16xi32>
      %and3A_432 = arith.andi %add3A_409, %and3A_431 : vector<16xi32>
      %add3A_433 = arith.addi %add3A_429, %and3A_432 : vector<16xi32>
      %swap3A_434 = arith.constant 192 : index
      %swap3A_435 = tpu.vector_load %arg5[%swap3A_434] {strides = array<i32>} : memref<1024xi32, #tpu.memory_space<vmem>>, vector<16xi32>,
      %swap3A_436 = vector.shape_cast %swap3A_435 : vector<16xi32> to vector<16xi32>
      %swap3A_437 = vector.shape_cast %add3A_433 : vector<16xi32> to vector<16xi32>
      tpu.vector_store %arg5[%swap3A_434], %swap3A_437 {strides = array<i32>} : memref<1024xi32, #tpu.memory_space<vmem>>, vector<16xi32>,
      %get3A_438 = arith.constant 208 : index
      %get3A_439 = tpu.vector_load %arg5[%get3A_438] {strides = array<i32>} : memref<1024xi32, #tpu.memory_space<vmem>>, vector<16xi32>,
      %get3A_440 = vector.shape_cast %get3A_439 : vector<16xi32> to vector<16xi32>
      %add3A_441 = arith.constant 208 : i32
      %add3A_442 = vector.broadcast %add3A_441 : i32 to vector<16xi32>
      %add3A_443 = arith.addi %add3A_442, %iota3A : vector<16xi32>
      %shift_right_arithmetic3A_444 = arith.constant 3 : i32
      %shift_right_arithmetic3A_445 = vector.broadcast %shift_right_arithmetic3A_444 : i32 to vector<16xi32>
      %shift_right_arithmetic3A_446 = arith.shrsi %get3A_440, %shift_right_arithmetic3A_445 : vector<16xi32>
      %shift_left3A_447 = arith.constant 13 : i32
      %shift_left3A_448 = vector.broadcast %shift_left3A_447 : i32 to vector<16xi32>
      %shift_left3A_449 = arith.shli %shift_right_arithmetic3A_446, %shift_left3A_448 : vector<16xi32>
      %shift_right_arithmetic3A_450 = arith.constant 7 : i32
      %shift_right_arithmetic3A_451 = vector.broadcast %shift_right_arithmetic3A_450 : i32 to vector<16xi32>
      %shift_right_arithmetic3A_452 = arith.shrsi %add3A_443, %shift_right_arithmetic3A_451 : vector<16xi32>
      %shift_left3A_453 = arith.constant 10 : i32
      %shift_left3A_454 = vector.broadcast %shift_left3A_453 : i32 to vector<16xi32>
      %shift_left3A_455 = arith.shli %shift_right_arithmetic3A_452, %shift_left3A_454 : vector<16xi32>
      %add3A_456 = arith.addi %shift_left3A_449, %shift_left3A_455 : vector<16xi32>
      %and3A_457 = arith.constant 7 : i32
      %and3A_458 = vector.broadcast %and3A_457 : i32 to vector<16xi32>
      %and3A_459 = arith.andi %get3A_440, %and3A_458 : vector<16xi32>
      %shift_left3A_460 = arith.constant 7 : i32
      %shift_left3A_461 = vector.broadcast %shift_left3A_460 : i32 to vector<16xi32>
      %shift_left3A_462 = arith.shli %and3A_459, %shift_left3A_461 : vector<16xi32>
      %add3A_463 = arith.addi %add3A_456, %shift_left3A_462 : vector<16xi32>
      %and3A_464 = arith.constant 127 : i32
      %and3A_465 = vector.broadcast %and3A_464 : i32 to vector<16xi32>
      %and3A_466 = arith.andi %add3A_443, %and3A_465 : vector<16xi32>
      %add3A_467 = arith.addi %add3A_463, %and3A_466 : vector<16xi32>
      %swap3A_468 = arith.constant 208 : index
      %swap3A_469 = tpu.vector_load %arg5[%swap3A_468] {strides = array<i32>} : memref<1024xi32, #tpu.memory_space<vmem>>, vector<16xi32>,
      %swap3A_470 = vector.shape_cast %swap3A_469 : vector<16xi32> to vector<16xi32>
      %swap3A_471 = vector.shape_cast %add3A_467 : vector<16xi32> to vector<16xi32>
      tpu.vector_store %arg5[%swap3A_468], %swap3A_471 {strides = array<i32>} : memref<1024xi32, #tpu.memory_space<vmem>>, vector<16xi32>,
      %get3A_472 = arith.constant 224 : index
      %get3A_473 = tpu.vector_load %arg5[%get3A_472] {strides = array<i32>} : memref<1024xi32, #tpu.memory_space<vmem>>, vector<16xi32>,
      %get3A_474 = vector.shape_cast %get3A_473 : vector<16xi32> to vector<16xi32>
      %add3A_475 = arith.constant 224 : i32
      %add3A_476 = vector.broadcast %add3A_475 : i32 to vector<16xi32>
      %add3A_477 = arith.addi %add3A_476, %iota3A : vector<16xi32>
      %shift_right_arithmetic3A_478 = arith.constant 3 : i32
      %shift_right_arithmetic3A_479 = vector.broadcast %shift_right_arithmetic3A_478 : i32 to vector<16xi32>
      %shift_right_arithmetic3A_480 = arith.shrsi %get3A_474, %shift_right_arithmetic3A_479 : vector<16xi32>
      %shift_left3A_481 = arith.constant 13 : i32
      %shift_left3A_482 = vector.broadcast %shift_left3A_481 : i32 to vector<16xi32>
      %shift_left3A_483 = arith.shli %shift_right_arithmetic3A_480, %shift_left3A_482 : vector<16xi32>
      %shift_right_arithmetic3A_484 = arith.constant 7 : i32
      %shift_right_arithmetic3A_485 = vector.broadcast %shift_right_arithmetic3A_484 : i32 to vector<16xi32>
      %shift_right_arithmetic3A_486 = arith.shrsi %add3A_477, %shift_right_arithmetic3A_485 : vector<16xi32>
      %shift_left3A_487 = arith.constant 10 : i32
      %shift_left3A_488 = vector.broadcast %shift_left3A_487 : i32 to vector<16xi32>
      %shift_left3A_489 = arith.shli %shift_right_arithmetic3A_486, %shift_left3A_488 : vector<16xi32>
      %add3A_490 = arith.addi %shift_left3A_483, %shift_left3A_489 : vector<16xi32>
      %and3A_491 = arith.constant 7 : i32
      %and3A_492 = vector.broadcast %and3A_491 : i32 to vector<16xi32>
      %and3A_493 = arith.andi %get3A_474, %and3A_492 : vector<16xi32>
      %shift_left3A_494 = arith.constant 7 : i32
      %shift_left3A_495 = vector.broadcast %shift_left3A_494 : i32 to vector<16xi32>
      %shift_left3A_496 = arith.shli %and3A_493, %shift_left3A_495 : vector<16xi32>
      %add3A_497 = arith.addi %add3A_490, %shift_left3A_496 : vector<16xi32>
      %and3A_498 = arith.constant 127 : i32
      %and3A_499 = vector.broadcast %and3A_498 : i32 to vector<16xi32>
      %and3A_500 = arith.andi %add3A_477, %and3A_499 : vector<16xi32>
      %add3A_501 = arith.addi %add3A_497, %and3A_500 : vector<16xi32>
      %swap3A_502 = arith.constant 224 : index
      %swap3A_503 = tpu.vector_load %arg5[%swap3A_502] {strides = array<i32>} : memref<1024xi32, #tpu.memory_space<vmem>>, vector<16xi32>,
      %swap3A_504 = vector.shape_cast %swap3A_503 : vector<16xi32> to vector<16xi32>
      %swap3A_505 = vector.shape_cast %add3A_501 : vector<16xi32> to vector<16xi32>
      tpu.vector_store %arg5[%swap3A_502], %swap3A_505 {strides = array<i32>} : memref<1024xi32, #tpu.memory_space<vmem>>, vector<16xi32>,
      %get3A_506 = arith.constant 240 : index
      %get3A_507 = tpu.vector_load %arg5[%get3A_506] {strides = array<i32>} : memref<1024xi32, #tpu.memory_space<vmem>>, vector<16xi32>,
      %get3A_508 = vector.shape_cast %get3A_507 : vector<16xi32> to vector<16xi32>
      %add3A_509 = arith.constant 240 : i32
      %add3A_510 = vector.broadcast %add3A_509 : i32 to vector<16xi32>
      %add3A_511 = arith.addi %add3A_510, %iota3A : vector<16xi32>
      %shift_right_arithmetic3A_512 = arith.constant 3 : i32
      %shift_right_arithmetic3A_513 = vector.broadcast %shift_right_arithmetic3A_512 : i32 to vector<16xi32>
      %shift_right_arithmetic3A_514 = arith.shrsi %get3A_508, %shift_right_arithmetic3A_513 : vector<16xi32>
      %shift_left3A_515 = arith.constant 13 : i32
      %shift_left3A_516 = vector.broadcast %shift_left3A_515 : i32 to vector<16xi32>
      %shift_left3A_517 = arith.shli %shift_right_arithmetic3A_514, %shift_left3A_516 : vector<16xi32>
      %shift_right_arithmetic3A_518 = arith.constant 7 : i32
      %shift_right_arithmetic3A_519 = vector.broadcast %shift_right_arithmetic3A_518 : i32 to vector<16xi32>
      %shift_right_arithmetic3A_520 = arith.shrsi %add3A_511, %shift_right_arithmetic3A_519 : vector<16xi32>
      %shift_left3A_521 = arith.constant 10 : i32
      %shift_left3A_522 = vector.broadcast %shift_left3A_521 : i32 to vector<16xi32>
      %shift_left3A_523 = arith.shli %shift_right_arithmetic3A_520, %shift_left3A_522 : vector<16xi32>
      %add3A_524 = arith.addi %shift_left3A_517, %shift_left3A_523 : vector<16xi32>
      %and3A_525 = arith.constant 7 : i32
      %and3A_526 = vector.broadcast %and3A_525 : i32 to vector<16xi32>
      %and3A_527 = arith.andi %get3A_508, %and3A_526 : vector<16xi32>
      %shift_left3A_528 = arith.constant 7 : i32
      %shift_left3A_529 = vector.broadcast %shift_left3A_528 : i32 to vector<16xi32>
      %shift_left3A_530 = arith.shli %and3A_527, %shift_left3A_529 : vector<16xi32>
      %add3A_531 = arith.addi %add3A_524, %shift_left3A_530 : vector<16xi32>
      %and3A_532 = arith.constant 127 : i32
      %and3A_533 = vector.broadcast %and3A_532 : i32 to vector<16xi32>
      %and3A_534 = arith.andi %add3A_511, %and3A_533 : vector<16xi32>
      %add3A_535 = arith.addi %add3A_531, %and3A_534 : vector<16xi32>
      %swap3A_536 = arith.constant 240 : index
      %swap3A_537 = tpu.vector_load %arg5[%swap3A_536] {strides = array<i32>} : memref<1024xi32, #tpu.memory_space<vmem>>, vector<16xi32>,
      %swap3A_538 = vector.shape_cast %swap3A_537 : vector<16xi32> to vector<16xi32>
      %swap3A_539 = vector.shape_cast %add3A_535 : vector<16xi32> to vector<16xi32>
      tpu.vector_store %arg5[%swap3A_536], %swap3A_539 {strides = array<i32>} : memref<1024xi32, #tpu.memory_space<vmem>>, vector<16xi32>,
      %get3A_540 = arith.constant 256 : index
      %get3A_541 = tpu.vector_load %arg5[%get3A_540] {strides = array<i32>} : memref<1024xi32, #tpu.memory_space<vmem>>, vector<16xi32>,
      %get3A_542 = vector.shape_cast %get3A_541 : vector<16xi32> to vector<16xi32>
      %add3A_543 = arith.constant 256 : i32
      %add3A_544 = vector.broadcast %add3A_543 : i32 to vector<16xi32>
      %add3A_545 = arith.addi %add3A_544, %iota3A : vector<16xi32>
      %shift_right_arithmetic3A_546 = arith.constant 3 : i32
      %shift_right_arithmetic3A_547 = vector.broadcast %shift_right_arithmetic3A_546 : i32 to vector<16xi32>
      %shift_right_arithmetic3A_548 = arith.shrsi %get3A_542, %shift_right_arithmetic3A_547 : vector<16xi32>
      %shift_left3A_549 = arith.constant 13 : i32
      %shift_left3A_550 = vector.broadcast %shift_left3A_549 : i32 to vector<16xi32>
      %shift_left3A_551 = arith.shli %shift_right_arithmetic3A_548, %shift_left3A_550 : vector<16xi32>
      %shift_right_arithmetic3A_552 = arith.constant 7 : i32
      %shift_right_arithmetic3A_553 = vector.broadcast %shift_right_arithmetic3A_552 : i32 to vector<16xi32>
      %shift_right_arithmetic3A_554 = arith.shrsi %add3A_545, %shift_right_arithmetic3A_553 : vector<16xi32>
      %shift_left3A_555 = arith.constant 10 : i32
      %shift_left3A_556 = vector.broadcast %shift_left3A_555 : i32 to vector<16xi32>
      %shift_left3A_557 = arith.shli %shift_right_arithmetic3A_554, %shift_left3A_556 : vector<16xi32>
      %add3A_558 = arith.addi %shift_left3A_551, %shift_left3A_557 : vector<16xi32>
      %and3A_559 = arith.constant 7 : i32
      %and3A_560 = vector.broadcast %and3A_559 : i32 to vector<16xi32>
      %and3A_561 = arith.andi %get3A_542, %and3A_560 : vector<16xi32>
      %shift_left3A_562 = arith.constant 7 : i32
      %shift_left3A_563 = vector.broadcast %shift_left3A_562 : i32 to vector<16xi32>
      %shift_left3A_564 = arith.shli %and3A_561, %shift_left3A_563 : vector<16xi32>
      %add3A_565 = arith.addi %add3A_558, %shift_left3A_564 : vector<16xi32>
      %and3A_566 = arith.constant 127 : i32
      %and3A_567 = vector.broadcast %and3A_566 : i32 to vector<16xi32>
      %and3A_568 = arith.andi %add3A_545, %and3A_567 : vector<16xi32>
      %add3A_569 = arith.addi %add3A_565, %and3A_568 : vector<16xi32>
      %swap3A_570 = arith.constant 256 : index
      %swap3A_571 = tpu.vector_load %arg5[%swap3A_570] {strides = array<i32>} : memref<1024xi32, #tpu.memory_space<vmem>>, vector<16xi32>,
      %swap3A_572 = vector.shape_cast %swap3A_571 : vector<16xi32> to vector<16xi32>
      %swap3A_573 = vector.shape_cast %add3A_569 : vector<16xi32> to vector<16xi32>
      tpu.vector_store %arg5[%swap3A_570], %swap3A_573 {strides = array<i32>} : memref<1024xi32, #tpu.memory_space<vmem>>, vector<16xi32>,
      %get3A_574 = arith.constant 272 : index
      %get3A_575 = tpu.vector_load %arg5[%get3A_574] {strides = array<i32>} : memref<1024xi32, #tpu.memory_space<vmem>>, vector<16xi32>,
      %get3A_576 = vector.shape_cast %get3A_575 : vector<16xi32> to vector<16xi32>
      %add3A_577 = arith.constant 272 : i32
      %add3A_578 = vector.broadcast %add3A_577 : i32 to vector<16xi32>
      %add3A_579 = arith.addi %add3A_578, %iota3A : vector<16xi32>
      %shift_right_arithmetic3A_580 = arith.constant 3 : i32
      %shift_right_arithmetic3A_581 = vector.broadcast %shift_right_arithmetic3A_580 : i32 to vector<16xi32>
      %shift_right_arithmetic3A_582 = arith.shrsi %get3A_576, %shift_right_arithmetic3A_581 : vector<16xi32>
      %shift_left3A_583 = arith.constant 13 : i32
      %shift_left3A_584 = vector.broadcast %shift_left3A_583 : i32 to vector<16xi32>
      %shift_left3A_585 = arith.shli %shift_right_arithmetic3A_582, %shift_left3A_584 : vector<16xi32>
      %shift_right_arithmetic3A_586 = arith.constant 7 : i32
      %shift_right_arithmetic3A_587 = vector.broadcast %shift_right_arithmetic3A_586 : i32 to vector<16xi32>
      %shift_right_arithmetic3A_588 = arith.shrsi %add3A_579, %shift_right_arithmetic3A_587 : vector<16xi32>
      %shift_left3A_589 = arith.constant 10 : i32
      %shift_left3A_590 = vector.broadcast %shift_left3A_589 : i32 to vector<16xi32>
      %shift_left3A_591 = arith.shli %shift_right_arithmetic3A_588, %shift_left3A_590 : vector<16xi32>
      %add3A_592 = arith.addi %shift_left3A_585, %shift_left3A_591 : vector<16xi32>
      %and3A_593 = arith.constant 7 : i32
      %and3A_594 = vector.broadcast %and3A_593 : i32 to vector<16xi32>
      %and3A_595 = arith.andi %get3A_576, %and3A_594 : vector<16xi32>
      %shift_left3A_596 = arith.constant 7 : i32
      %shift_left3A_597 = vector.broadcast %shift_left3A_596 : i32 to vector<16xi32>
      %shift_left3A_598 = arith.shli %and3A_595, %shift_left3A_597 : vector<16xi32>
      %add3A_599 = arith.addi %add3A_592, %shift_left3A_598 : vector<16xi32>
      %and3A_600 = arith.constant 127 : i32
      %and3A_601 = vector.broadcast %and3A_600 : i32 to vector<16xi32>
      %and3A_602 = arith.andi %add3A_579, %and3A_601 : vector<16xi32>
      %add3A_603 = arith.addi %add3A_599, %and3A_602 : vector<16xi32>
      %swap3A_604 = arith.constant 272 : index
      %swap3A_605 = tpu.vector_load %arg5[%swap3A_604] {strides = array<i32>} : memref<1024xi32, #tpu.memory_space<vmem>>, vector<16xi32>,
      %swap3A_606 = vector.shape_cast %swap3A_605 : vector<16xi32> to vector<16xi32>
      %swap3A_607 = vector.shape_cast %add3A_603 : vector<16xi32> to vector<16xi32>
      tpu.vector_store %arg5[%swap3A_604], %swap3A_607 {strides = array<i32>} : memref<1024xi32, #tpu.memory_space<vmem>>, vector<16xi32>,
      %get3A_608 = arith.constant 288 : index
      %get3A_609 = tpu.vector_load %arg5[%get3A_608] {strides = array<i32>} : memref<1024xi32, #tpu.memory_space<vmem>>, vector<16xi32>,
      %get3A_610 = vector.shape_cast %get3A_609 : vector<16xi32> to vector<16xi32>
      %add3A_611 = arith.constant 288 : i32
      %add3A_612 = vector.broadcast %add3A_611 : i32 to vector<16xi32>
      %add3A_613 = arith.addi %add3A_612, %iota3A : vector<16xi32>
      %shift_right_arithmetic3A_614 = arith.constant 3 : i32
      %shift_right_arithmetic3A_615 = vector.broadcast %shift_right_arithmetic3A_614 : i32 to vector<16xi32>
      %shift_right_arithmetic3A_616 = arith.shrsi %get3A_610, %shift_right_arithmetic3A_615 : vector<16xi32>
      %shift_left3A_617 = arith.constant 13 : i32
      %shift_left3A_618 = vector.broadcast %shift_left3A_617 : i32 to vector<16xi32>
      %shift_left3A_619 = arith.shli %shift_right_arithmetic3A_616, %shift_left3A_618 : vector<16xi32>
      %shift_right_arithmetic3A_620 = arith.constant 7 : i32
      %shift_right_arithmetic3A_621 = vector.broadcast %shift_right_arithmetic3A_620 : i32 to vector<16xi32>
      %shift_right_arithmetic3A_622 = arith.shrsi %add3A_613, %shift_right_arithmetic3A_621 : vector<16xi32>
      %shift_left3A_623 = arith.constant 10 : i32
      %shift_left3A_624 = vector.broadcast %shift_left3A_623 : i32 to vector<16xi32>
      %shift_left3A_625 = arith.shli %shift_right_arithmetic3A_622, %shift_left3A_624 : vector<16xi32>
      %add3A_626 = arith.addi %shift_left3A_619, %shift_left3A_625 : vector<16xi32>
      %and3A_627 = arith.constant 7 : i32
      %and3A_628 = vector.broadcast %and3A_627 : i32 to vector<16xi32>
      %and3A_629 = arith.andi %get3A_610, %and3A_628 : vector<16xi32>
      %shift_left3A_630 = arith.constant 7 : i32
      %shift_left3A_631 = vector.broadcast %shift_left3A_630 : i32 to vector<16xi32>
      %shift_left3A_632 = arith.shli %and3A_629, %shift_left3A_631 : vector<16xi32>
      %add3A_633 = arith.addi %add3A_626, %shift_left3A_632 : vector<16xi32>
      %and3A_634 = arith.constant 127 : i32
      %and3A_635 = vector.broadcast %and3A_634 : i32 to vector<16xi32>
      %and3A_636 = arith.andi %add3A_613, %and3A_635 : vector<16xi32>
      %add3A_637 = arith.addi %add3A_633, %and3A_636 : vector<16xi32>
      %swap3A_638 = arith.constant 288 : index
      %swap3A_639 = tpu.vector_load %arg5[%swap3A_638] {strides = array<i32>} : memref<1024xi32, #tpu.memory_space<vmem>>, vector<16xi32>,
      %swap3A_640 = vector.shape_cast %swap3A_639 : vector<16xi32> to vector<16xi32>
      %swap3A_641 = vector.shape_cast %add3A_637 : vector<16xi32> to vector<16xi32>
      tpu.vector_store %arg5[%swap3A_638], %swap3A_641 {strides = array<i32>} : memref<1024xi32, #tpu.memory_space<vmem>>, vector<16xi32>,
      %get3A_642 = arith.constant 304 : index
      %get3A_643 = tpu.vector_load %arg5[%get3A_642] {strides = array<i32>} : memref<1024xi32, #tpu.memory_space<vmem>>, vector<16xi32>,
      %get3A_644 = vector.shape_cast %get3A_643 : vector<16xi32> to vector<16xi32>
      %add3A_645 = arith.constant 304 : i32
      %add3A_646 = vector.broadcast %add3A_645 : i32 to vector<16xi32>
      %add3A_647 = arith.addi %add3A_646, %iota3A : vector<16xi32>
      %shift_right_arithmetic3A_648 = arith.constant 3 : i32
      %shift_right_arithmetic3A_649 = vector.broadcast %shift_right_arithmetic3A_648 : i32 to vector<16xi32>
      %shift_right_arithmetic3A_650 = arith.shrsi %get3A_644, %shift_right_arithmetic3A_649 : vector<16xi32>
      %shift_left3A_651 = arith.constant 13 : i32
      %shift_left3A_652 = vector.broadcast %shift_left3A_651 : i32 to vector<16xi32>
      %shift_left3A_653 = arith.shli %shift_right_arithmetic3A_650, %shift_left3A_652 : vector<16xi32>
      %shift_right_arithmetic3A_654 = arith.constant 7 : i32
      %shift_right_arithmetic3A_655 = vector.broadcast %shift_right_arithmetic3A_654 : i32 to vector<16xi32>
      %shift_right_arithmetic3A_656 = arith.shrsi %add3A_647, %shift_right_arithmetic3A_655 : vector<16xi32>
      %shift_left3A_657 = arith.constant 10 : i32
      %shift_left3A_658 = vector.broadcast %shift_left3A_657 : i32 to vector<16xi32>
      %shift_left3A_659 = arith.shli %shift_right_arithmetic3A_656, %shift_left3A_658 : vector<16xi32>
      %add3A_660 = arith.addi %shift_left3A_653, %shift_left3A_659 : vector<16xi32>
      %and3A_661 = arith.constant 7 : i32
      %and3A_662 = vector.broadcast %and3A_661 : i32 to vector<16xi32>
      %and3A_663 = arith.andi %get3A_644, %and3A_662 : vector<16xi32>
      %shift_left3A_664 = arith.constant 7 : i32
      %shift_left3A_665 = vector.broadcast %shift_left3A_664 : i32 to vector<16xi32>
      %shift_left3A_666 = arith.shli %and3A_663, %shift_left3A_665 : vector<16xi32>
      %add3A_667 = arith.addi %add3A_660, %shift_left3A_666 : vector<16xi32>
      %and3A_668 = arith.constant 127 : i32
      %and3A_669 = vector.broadcast %and3A_668 : i32 to vector<16xi32>
      %and3A_670 = arith.andi %add3A_647, %and3A_669 : vector<16xi32>
      %add3A_671 = arith.addi %add3A_667, %and3A_670 : vector<16xi32>
      %swap3A_672 = arith.constant 304 : index
      %swap3A_673 = tpu.vector_load %arg5[%swap3A_672] {strides = array<i32>} : memref<1024xi32, #tpu.memory_space<vmem>>, vector<16xi32>,
      %swap3A_674 = vector.shape_cast %swap3A_673 : vector<16xi32> to vector<16xi32>
      %swap3A_675 = vector.shape_cast %add3A_671 : vector<16xi32> to vector<16xi32>
      tpu.vector_store %arg5[%swap3A_672], %swap3A_675 {strides = array<i32>} : memref<1024xi32, #tpu.memory_space<vmem>>, vector<16xi32>,
      %get3A_676 = arith.constant 320 : index
      %get3A_677 = tpu.vector_load %arg5[%get3A_676] {strides = array<i32>} : memref<1024xi32, #tpu.memory_space<vmem>>, vector<16xi32>,
      %get3A_678 = vector.shape_cast %get3A_677 : vector<16xi32> to vector<16xi32>
      %add3A_679 = arith.constant 320 : i32
      %add3A_680 = vector.broadcast %add3A_679 : i32 to vector<16xi32>
      %add3A_681 = arith.addi %add3A_680, %iota3A : vector<16xi32>
      %shift_right_arithmetic3A_682 = arith.constant 3 : i32
      %shift_right_arithmetic3A_683 = vector.broadcast %shift_right_arithmetic3A_682 : i32 to vector<16xi32>
      %shift_right_arithmetic3A_684 = arith.shrsi %get3A_678, %shift_right_arithmetic3A_683 : vector<16xi32>
      %shift_left3A_685 = arith.constant 13 : i32
      %shift_left3A_686 = vector.broadcast %shift_left3A_685 : i32 to vector<16xi32>
      %shift_left3A_687 = arith.shli %shift_right_arithmetic3A_684, %shift_left3A_686 : vector<16xi32>
      %shift_right_arithmetic3A_688 = arith.constant 7 : i32
      %shift_right_arithmetic3A_689 = vector.broadcast %shift_right_arithmetic3A_688 : i32 to vector<16xi32>
      %shift_right_arithmetic3A_690 = arith.shrsi %add3A_681, %shift_right_arithmetic3A_689 : vector<16xi32>
      %shift_left3A_691 = arith.constant 10 : i32
      %shift_left3A_692 = vector.broadcast %shift_left3A_691 : i32 to vector<16xi32>
      %shift_left3A_693 = arith.shli %shift_right_arithmetic3A_690, %shift_left3A_692 : vector<16xi32>
      %add3A_694 = arith.addi %shift_left3A_687, %shift_left3A_693 : vector<16xi32>
      %and3A_695 = arith.constant 7 : i32
      %and3A_696 = vector.broadcast %and3A_695 : i32 to vector<16xi32>
      %and3A_697 = arith.andi %get3A_678, %and3A_696 : vector<16xi32>
      %shift_left3A_698 = arith.constant 7 : i32
      %shift_left3A_699 = vector.broadcast %shift_left3A_698 : i32 to vector<16xi32>
      %shift_left3A_700 = arith.shli %and3A_697, %shift_left3A_699 : vector<16xi32>
      %add3A_701 = arith.addi %add3A_694, %shift_left3A_700 : vector<16xi32>
      %and3A_702 = arith.constant 127 : i32
      %and3A_703 = vector.broadcast %and3A_702 : i32 to vector<16xi32>
      %and3A_704 = arith.andi %add3A_681, %and3A_703 : vector<16xi32>
      %add3A_705 = arith.addi %add3A_701, %and3A_704 : vector<16xi32>
      %swap3A_706 = arith.constant 320 : index
      %swap3A_707 = tpu.vector_load %arg5[%swap3A_706] {strides = array<i32>} : memref<1024xi32, #tpu.memory_space<vmem>>, vector<16xi32>,
      %swap3A_708 = vector.shape_cast %swap3A_707 : vector<16xi32> to vector<16xi32>
      %swap3A_709 = vector.shape_cast %add3A_705 : vector<16xi32> to vector<16xi32>
      tpu.vector_store %arg5[%swap3A_706], %swap3A_709 {strides = array<i32>} : memref<1024xi32, #tpu.memory_space<vmem>>, vector<16xi32>,
      %get3A_710 = arith.constant 336 : index
      %get3A_711 = tpu.vector_load %arg5[%get3A_710] {strides = array<i32>} : memref<1024xi32, #tpu.memory_space<vmem>>, vector<16xi32>,
      %get3A_712 = vector.shape_cast %get3A_711 : vector<16xi32> to vector<16xi32>
      %add3A_713 = arith.constant 336 : i32
      %add3A_714 = vector.broadcast %add3A_713 : i32 to vector<16xi32>
      %add3A_715 = arith.addi %add3A_714, %iota3A : vector<16xi32>
      %shift_right_arithmetic3A_716 = arith.constant 3 : i32
      %shift_right_arithmetic3A_717 = vector.broadcast %shift_right_arithmetic3A_716 : i32 to vector<16xi32>
      %shift_right_arithmetic3A_718 = arith.shrsi %get3A_712, %shift_right_arithmetic3A_717 : vector<16xi32>
      %shift_left3A_719 = arith.constant 13 : i32
      %shift_left3A_720 = vector.broadcast %shift_left3A_719 : i32 to vector<16xi32>
      %shift_left3A_721 = arith.shli %shift_right_arithmetic3A_718, %shift_left3A_720 : vector<16xi32>
      %shift_right_arithmetic3A_722 = arith.constant 7 : i32
      %shift_right_arithmetic3A_723 = vector.broadcast %shift_right_arithmetic3A_722 : i32 to vector<16xi32>
      %shift_right_arithmetic3A_724 = arith.shrsi %add3A_715, %shift_right_arithmetic3A_723 : vector<16xi32>
      %shift_left3A_725 = arith.constant 10 : i32
      %shift_left3A_726 = vector.broadcast %shift_left3A_725 : i32 to vector<16xi32>
      %shift_left3A_727 = arith.shli %shift_right_arithmetic3A_724, %shift_left3A_726 : vector<16xi32>
      %add3A_728 = arith.addi %shift_left3A_721, %shift_left3A_727 : vector<16xi32>
      %and3A_729 = arith.constant 7 : i32
      %and3A_730 = vector.broadcast %and3A_729 : i32 to vector<16xi32>
      %and3A_731 = arith.andi %get3A_712, %and3A_730 : vector<16xi32>
      %shift_left3A_732 = arith.constant 7 : i32
      %shift_left3A_733 = vector.broadcast %shift_left3A_732 : i32 to vector<16xi32>
      %shift_left3A_734 = arith.shli %and3A_731, %shift_left3A_733 : vector<16xi32>
      %add3A_735 = arith.addi %add3A_728, %shift_left3A_734 : vector<16xi32>
      %and3A_736 = arith.constant 127 : i32
      %and3A_737 = vector.broadcast %and3A_736 : i32 to vector<16xi32>
      %and3A_738 = arith.andi %add3A_715, %and3A_737 : vector<16xi32>
      %add3A_739 = arith.addi %add3A_735, %and3A_738 : vector<16xi32>
      %swap3A_740 = arith.constant 336 : index
      %swap3A_741 = tpu.vector_load %arg5[%swap3A_740] {strides = array<i32>} : memref<1024xi32, #tpu.memory_space<vmem>>, vector<16xi32>,
      %swap3A_742 = vector.shape_cast %swap3A_741 : vector<16xi32> to vector<16xi32>
      %swap3A_743 = vector.shape_cast %add3A_739 : vector<16xi32> to vector<16xi32>
      tpu.vector_store %arg5[%swap3A_740], %swap3A_743 {strides = array<i32>} : memref<1024xi32, #tpu.memory_space<vmem>>, vector<16xi32>,
      %get3A_744 = arith.constant 352 : index
      %get3A_745 = tpu.vector_load %arg5[%get3A_744] {strides = array<i32>} : memref<1024xi32, #tpu.memory_space<vmem>>, vector<16xi32>,
      %get3A_746 = vector.shape_cast %get3A_745 : vector<16xi32> to vector<16xi32>
      %add3A_747 = arith.constant 352 : i32
      %add3A_748 = vector.broadcast %add3A_747 : i32 to vector<16xi32>
      %add3A_749 = arith.addi %add3A_748, %iota3A : vector<16xi32>
      %shift_right_arithmetic3A_750 = arith.constant 3 : i32
      %shift_right_arithmetic3A_751 = vector.broadcast %shift_right_arithmetic3A_750 : i32 to vector<16xi32>
      %shift_right_arithmetic3A_752 = arith.shrsi %get3A_746, %shift_right_arithmetic3A_751 : vector<16xi32>
      %shift_left3A_753 = arith.constant 13 : i32
      %shift_left3A_754 = vector.broadcast %shift_left3A_753 : i32 to vector<16xi32>
      %shift_left3A_755 = arith.shli %shift_right_arithmetic3A_752, %shift_left3A_754 : vector<16xi32>
      %shift_right_arithmetic3A_756 = arith.constant 7 : i32
      %shift_right_arithmetic3A_757 = vector.broadcast %shift_right_arithmetic3A_756 : i32 to vector<16xi32>
      %shift_right_arithmetic3A_758 = arith.shrsi %add3A_749, %shift_right_arithmetic3A_757 : vector<16xi32>
      %shift_left3A_759 = arith.constant 10 : i32
      %shift_left3A_760 = vector.broadcast %shift_left3A_759 : i32 to vector<16xi32>
      %shift_left3A_761 = arith.shli %shift_right_arithmetic3A_758, %shift_left3A_760 : vector<16xi32>
      %add3A_762 = arith.addi %shift_left3A_755, %shift_left3A_761 : vector<16xi32>
      %and3A_763 = arith.constant 7 : i32
      %and3A_764 = vector.broadcast %and3A_763 : i32 to vector<16xi32>
      %and3A_765 = arith.andi %get3A_746, %and3A_764 : vector<16xi32>
      %shift_left3A_766 = arith.constant 7 : i32
      %shift_left3A_767 = vector.broadcast %shift_left3A_766 : i32 to vector<16xi32>
      %shift_left3A_768 = arith.shli %and3A_765, %shift_left3A_767 : vector<16xi32>
      %add3A_769 = arith.addi %add3A_762, %shift_left3A_768 : vector<16xi32>
      %and3A_770 = arith.constant 127 : i32
      %and3A_771 = vector.broadcast %and3A_770 : i32 to vector<16xi32>
      %and3A_772 = arith.andi %add3A_749, %and3A_771 : vector<16xi32>
      %add3A_773 = arith.addi %add3A_769, %and3A_772 : vector<16xi32>
      %swap3A_774 = arith.constant 352 : index
      %swap3A_775 = tpu.vector_load %arg5[%swap3A_774] {strides = array<i32>} : memref<1024xi32, #tpu.memory_space<vmem>>, vector<16xi32>,
      %swap3A_776 = vector.shape_cast %swap3A_775 : vector<16xi32> to vector<16xi32>
      %swap3A_777 = vector.shape_cast %add3A_773 : vector<16xi32> to vector<16xi32>
      tpu.vector_store %arg5[%swap3A_774], %swap3A_777 {strides = array<i32>} : memref<1024xi32, #tpu.memory_space<vmem>>, vector<16xi32>,
      %get3A_778 = arith.constant 368 : index
      %get3A_779 = tpu.vector_load %arg5[%get3A_778] {strides = array<i32>} : memref<1024xi32, #tpu.memory_space<vmem>>, vector<16xi32>,
      %get3A_780 = vector.shape_cast %get3A_779 : vector<16xi32> to vector<16xi32>
      %add3A_781 = arith.constant 368 : i32
      %add3A_782 = vector.broadcast %add3A_781 : i32 to vector<16xi32>
      %add3A_783 = arith.addi %add3A_782, %iota3A : vector<16xi32>
      %shift_right_arithmetic3A_784 = arith.constant 3 : i32
      %shift_right_arithmetic3A_785 = vector.broadcast %shift_right_arithmetic3A_784 : i32 to vector<16xi32>
      %shift_right_arithmetic3A_786 = arith.shrsi %get3A_780, %shift_right_arithmetic3A_785 : vector<16xi32>
      %shift_left3A_787 = arith.constant 13 : i32
      %shift_left3A_788 = vector.broadcast %shift_left3A_787 : i32 to vector<16xi32>
      %shift_left3A_789 = arith.shli %shift_right_arithmetic3A_786, %shift_left3A_788 : vector<16xi32>
      %shift_right_arithmetic3A_790 = arith.constant 7 : i32
      %shift_right_arithmetic3A_791 = vector.broadcast %shift_right_arithmetic3A_790 : i32 to vector<16xi32>
      %shift_right_arithmetic3A_792 = arith.shrsi %add3A_783, %shift_right_arithmetic3A_791 : vector<16xi32>
      %shift_left3A_793 = arith.constant 10 : i32
      %shift_left3A_794 = vector.broadcast %shift_left3A_793 : i32 to vector<16xi32>
      %shift_left3A_795 = arith.shli %shift_right_arithmetic3A_792, %shift_left3A_794 : vector<16xi32>
      %add3A_796 = arith.addi %shift_left3A_789, %shift_left3A_795 : vector<16xi32>
      %and3A_797 = arith.constant 7 : i32
      %and3A_798 = vector.broadcast %and3A_797 : i32 to vector<16xi32>
      %and3A_799 = arith.andi %get3A_780, %and3A_798 : vector<16xi32>
      %shift_left3A_800 = arith.constant 7 : i32
      %shift_left3A_801 = vector.broadcast %shift_left3A_800 : i32 to vector<16xi32>
      %shift_left3A_802 = arith.shli %and3A_799, %shift_left3A_801 : vector<16xi32>
      %add3A_803 = arith.addi %add3A_796, %shift_left3A_802 : vector<16xi32>
      %and3A_804 = arith.constant 127 : i32
      %and3A_805 = vector.broadcast %and3A_804 : i32 to vector<16xi32>
      %and3A_806 = arith.andi %add3A_783, %and3A_805 : vector<16xi32>
      %add3A_807 = arith.addi %add3A_803, %and3A_806 : vector<16xi32>
      %swap3A_808 = arith.constant 368 : index
      %swap3A_809 = tpu.vector_load %arg5[%swap3A_808] {strides = array<i32>} : memref<1024xi32, #tpu.memory_space<vmem>>, vector<16xi32>,
      %swap3A_810 = vector.shape_cast %swap3A_809 : vector<16xi32> to vector<16xi32>
      %swap3A_811 = vector.shape_cast %add3A_807 : vector<16xi32> to vector<16xi32>
      tpu.vector_store %arg5[%swap3A_808], %swap3A_811 {strides = array<i32>} : memref<1024xi32, #tpu.memory_space<vmem>>, vector<16xi32>,
      %get3A_812 = arith.constant 384 : index
      %get3A_813 = tpu.vector_load %arg5[%get3A_812] {strides = array<i32>} : memref<1024xi32, #tpu.memory_space<vmem>>, vector<16xi32>,
      %get3A_814 = vector.shape_cast %get3A_813 : vector<16xi32> to vector<16xi32>
      %add3A_815 = arith.constant 384 : i32
      %add3A_816 = vector.broadcast %add3A_815 : i32 to vector<16xi32>
      %add3A_817 = arith.addi %add3A_816, %iota3A : vector<16xi32>
      %shift_right_arithmetic3A_818 = arith.constant 3 : i32
      %shift_right_arithmetic3A_819 = vector.broadcast %shift_right_arithmetic3A_818 : i32 to vector<16xi32>
      %shift_right_arithmetic3A_820 = arith.shrsi %get3A_814, %shift_right_arithmetic3A_819 : vector<16xi32>
      %shift_left3A_821 = arith.constant 13 : i32
      %shift_left3A_822 = vector.broadcast %shift_left3A_821 : i32 to vector<16xi32>
      %shift_left3A_823 = arith.shli %shift_right_arithmetic3A_820, %shift_left3A_822 : vector<16xi32>
      %shift_right_arithmetic3A_824 = arith.constant 7 : i32
      %shift_right_arithmetic3A_825 = vector.broadcast %shift_right_arithmetic3A_824 : i32 to vector<16xi32>
      %shift_right_arithmetic3A_826 = arith.shrsi %add3A_817, %shift_right_arithmetic3A_825 : vector<16xi32>
      %shift_left3A_827 = arith.constant 10 : i32
      %shift_left3A_828 = vector.broadcast %shift_left3A_827 : i32 to vector<16xi32>
      %shift_left3A_829 = arith.shli %shift_right_arithmetic3A_826, %shift_left3A_828 : vector<16xi32>
      %add3A_830 = arith.addi %shift_left3A_823, %shift_left3A_829 : vector<16xi32>
      %and3A_831 = arith.constant 7 : i32
      %and3A_832 = vector.broadcast %and3A_831 : i32 to vector<16xi32>
      %and3A_833 = arith.andi %get3A_814, %and3A_832 : vector<16xi32>
      %shift_left3A_834 = arith.constant 7 : i32
      %shift_left3A_835 = vector.broadcast %shift_left3A_834 : i32 to vector<16xi32>
      %shift_left3A_836 = arith.shli %and3A_833, %shift_left3A_835 : vector<16xi32>
      %add3A_837 = arith.addi %add3A_830, %shift_left3A_836 : vector<16xi32>
      %and3A_838 = arith.constant 127 : i32
      %and3A_839 = vector.broadcast %and3A_838 : i32 to vector<16xi32>
      %and3A_840 = arith.andi %add3A_817, %and3A_839 : vector<16xi32>
      %add3A_841 = arith.addi %add3A_837, %and3A_840 : vector<16xi32>
      %swap3A_842 = arith.constant 384 : index
      %swap3A_843 = tpu.vector_load %arg5[%swap3A_842] {strides = array<i32>} : memref<1024xi32, #tpu.memory_space<vmem>>, vector<16xi32>,
      %swap3A_844 = vector.shape_cast %swap3A_843 : vector<16xi32> to vector<16xi32>
      %swap3A_845 = vector.shape_cast %add3A_841 : vector<16xi32> to vector<16xi32>
      tpu.vector_store %arg5[%swap3A_842], %swap3A_845 {strides = array<i32>} : memref<1024xi32, #tpu.memory_space<vmem>>, vector<16xi32>,
      %get3A_846 = arith.constant 400 : index
      %get3A_847 = tpu.vector_load %arg5[%get3A_846] {strides = array<i32>} : memref<1024xi32, #tpu.memory_space<vmem>>, vector<16xi32>,
      %get3A_848 = vector.shape_cast %get3A_847 : vector<16xi32> to vector<16xi32>
      %add3A_849 = arith.constant 400 : i32
      %add3A_850 = vector.broadcast %add3A_849 : i32 to vector<16xi32>
      %add3A_851 = arith.addi %add3A_850, %iota3A : vector<16xi32>
      %shift_right_arithmetic3A_852 = arith.constant 3 : i32
      %shift_right_arithmetic3A_853 = vector.broadcast %shift_right_arithmetic3A_852 : i32 to vector<16xi32>
      %shift_right_arithmetic3A_854 = arith.shrsi %get3A_848, %shift_right_arithmetic3A_853 : vector<16xi32>
      %shift_left3A_855 = arith.constant 13 : i32
      %shift_left3A_856 = vector.broadcast %shift_left3A_855 : i32 to vector<16xi32>
      %shift_left3A_857 = arith.shli %shift_right_arithmetic3A_854, %shift_left3A_856 : vector<16xi32>
      %shift_right_arithmetic3A_858 = arith.constant 7 : i32
      %shift_right_arithmetic3A_859 = vector.broadcast %shift_right_arithmetic3A_858 : i32 to vector<16xi32>
      %shift_right_arithmetic3A_860 = arith.shrsi %add3A_851, %shift_right_arithmetic3A_859 : vector<16xi32>
      %shift_left3A_861 = arith.constant 10 : i32
      %shift_left3A_862 = vector.broadcast %shift_left3A_861 : i32 to vector<16xi32>
      %shift_left3A_863 = arith.shli %shift_right_arithmetic3A_860, %shift_left3A_862 : vector<16xi32>
      %add3A_864 = arith.addi %shift_left3A_857, %shift_left3A_863 : vector<16xi32>
      %and3A_865 = arith.constant 7 : i32
      %and3A_866 = vector.broadcast %and3A_865 : i32 to vector<16xi32>
      %and3A_867 = arith.andi %get3A_848, %and3A_866 : vector<16xi32>
      %shift_left3A_868 = arith.constant 7 : i32
      %shift_left3A_869 = vector.broadcast %shift_left3A_868 : i32 to vector<16xi32>
      %shift_left3A_870 = arith.shli %and3A_867, %shift_left3A_869 : vector<16xi32>
      %add3A_871 = arith.addi %add3A_864, %shift_left3A_870 : vector<16xi32>
      %and3A_872 = arith.constant 127 : i32
      %and3A_873 = vector.broadcast %and3A_872 : i32 to vector<16xi32>
      %and3A_874 = arith.andi %add3A_851, %and3A_873 : vector<16xi32>
      %add3A_875 = arith.addi %add3A_871, %and3A_874 : vector<16xi32>
      %swap3A_876 = arith.constant 400 : index
      %swap3A_877 = tpu.vector_load %arg5[%swap3A_876] {strides = array<i32>} : memref<1024xi32, #tpu.memory_space<vmem>>, vector<16xi32>,
      %swap3A_878 = vector.shape_cast %swap3A_877 : vector<16xi32> to vector<16xi32>
      %swap3A_879 = vector.shape_cast %add3A_875 : vector<16xi32> to vector<16xi32>
      tpu.vector_store %arg5[%swap3A_876], %swap3A_879 {strides = array<i32>} : memref<1024xi32, #tpu.memory_space<vmem>>, vector<16xi32>,
      %get3A_880 = arith.constant 416 : index
      %get3A_881 = tpu.vector_load %arg5[%get3A_880] {strides = array<i32>} : memref<1024xi32, #tpu.memory_space<vmem>>, vector<16xi32>,
      %get3A_882 = vector.shape_cast %get3A_881 : vector<16xi32> to vector<16xi32>
      %add3A_883 = arith.constant 416 : i32
      %add3A_884 = vector.broadcast %add3A_883 : i32 to vector<16xi32>
      %add3A_885 = arith.addi %add3A_884, %iota3A : vector<16xi32>
      %shift_right_arithmetic3A_886 = arith.constant 3 : i32
      %shift_right_arithmetic3A_887 = vector.broadcast %shift_right_arithmetic3A_886 : i32 to vector<16xi32>
      %shift_right_arithmetic3A_888 = arith.shrsi %get3A_882, %shift_right_arithmetic3A_887 : vector<16xi32>
      %shift_left3A_889 = arith.constant 13 : i32
      %shift_left3A_890 = vector.broadcast %shift_left3A_889 : i32 to vector<16xi32>
      %shift_left3A_891 = arith.shli %shift_right_arithmetic3A_888, %shift_left3A_890 : vector<16xi32>
      %shift_right_arithmetic3A_892 = arith.constant 7 : i32
      %shift_right_arithmetic3A_893 = vector.broadcast %shift_right_arithmetic3A_892 : i32 to vector<16xi32>
      %shift_right_arithmetic3A_894 = arith.shrsi %add3A_885, %shift_right_arithmetic3A_893 : vector<16xi32>
      %shift_left3A_895 = arith.constant 10 : i32
      %shift_left3A_896 = vector.broadcast %shift_left3A_895 : i32 to vector<16xi32>
      %shift_left3A_897 = arith.shli %shift_right_arithmetic3A_894, %shift_left3A_896 : vector<16xi32>
      %add3A_898 = arith.addi %shift_left3A_891, %shift_left3A_897 : vector<16xi32>
      %and3A_899 = arith.constant 7 : i32
      %and3A_900 = vector.broadcast %and3A_899 : i32 to vector<16xi32>
      %and3A_901 = arith.andi %get3A_882, %and3A_900 : vector<16xi32>
      %shift_left3A_902 = arith.constant 7 : i32
      %shift_left3A_903 = vector.broadcast %shift_left3A_902 : i32 to vector<16xi32>
      %shift_left3A_904 = arith.shli %and3A_901, %shift_left3A_903 : vector<16xi32>
      %add3A_905 = arith.addi %add3A_898, %shift_left3A_904 : vector<16xi32>
      %and3A_906 = arith.constant 127 : i32
      %and3A_907 = vector.broadcast %and3A_906 : i32 to vector<16xi32>
      %and3A_908 = arith.andi %add3A_885, %and3A_907 : vector<16xi32>
      %add3A_909 = arith.addi %add3A_905, %and3A_908 : vector<16xi32>
      %swap3A_910 = arith.constant 416 : index
      %swap3A_911 = tpu.vector_load %arg5[%swap3A_910] {strides = array<i32>} : memref<1024xi32, #tpu.memory_space<vmem>>, vector<16xi32>,
      %swap3A_912 = vector.shape_cast %swap3A_911 : vector<16xi32> to vector<16xi32>
      %swap3A_913 = vector.shape_cast %add3A_909 : vector<16xi32> to vector<16xi32>
      tpu.vector_store %arg5[%swap3A_910], %swap3A_913 {strides = array<i32>} : memref<1024xi32, #tpu.memory_space<vmem>>, vector<16xi32>,
      %get3A_914 = arith.constant 432 : index
      %get3A_915 = tpu.vector_load %arg5[%get3A_914] {strides = array<i32>} : memref<1024xi32, #tpu.memory_space<vmem>>, vector<16xi32>,
      %get3A_916 = vector.shape_cast %get3A_915 : vector<16xi32> to vector<16xi32>
      %add3A_917 = arith.constant 432 : i32
      %add3A_918 = vector.broadcast %add3A_917 : i32 to vector<16xi32>
      %add3A_919 = arith.addi %add3A_918, %iota3A : vector<16xi32>
      %shift_right_arithmetic3A_920 = arith.constant 3 : i32
      %shift_right_arithmetic3A_921 = vector.broadcast %shift_right_arithmetic3A_920 : i32 to vector<16xi32>
      %shift_right_arithmetic3A_922 = arith.shrsi %get3A_916, %shift_right_arithmetic3A_921 : vector<16xi32>
      %shift_left3A_923 = arith.constant 13 : i32
      %shift_left3A_924 = vector.broadcast %shift_left3A_923 : i32 to vector<16xi32>
      %shift_left3A_925 = arith.shli %shift_right_arithmetic3A_922, %shift_left3A_924 : vector<16xi32>
      %shift_right_arithmetic3A_926 = arith.constant 7 : i32
      %shift_right_arithmetic3A_927 = vector.broadcast %shift_right_arithmetic3A_926 : i32 to vector<16xi32>
      %shift_right_arithmetic3A_928 = arith.shrsi %add3A_919, %shift_right_arithmetic3A_927 : vector<16xi32>
      %shift_left3A_929 = arith.constant 10 : i32
      %shift_left3A_930 = vector.broadcast %shift_left3A_929 : i32 to vector<16xi32>
      %shift_left3A_931 = arith.shli %shift_right_arithmetic3A_928, %shift_left3A_930 : vector<16xi32>
      %add3A_932 = arith.addi %shift_left3A_925, %shift_left3A_931 : vector<16xi32>
      %and3A_933 = arith.constant 7 : i32
      %and3A_934 = vector.broadcast %and3A_933 : i32 to vector<16xi32>
      %and3A_935 = arith.andi %get3A_916, %and3A_934 : vector<16xi32>
      %shift_left3A_936 = arith.constant 7 : i32
      %shift_left3A_937 = vector.broadcast %shift_left3A_936 : i32 to vector<16xi32>
      %shift_left3A_938 = arith.shli %and3A_935, %shift_left3A_937 : vector<16xi32>
      %add3A_939 = arith.addi %add3A_932, %shift_left3A_938 : vector<16xi32>
      %and3A_940 = arith.constant 127 : i32
      %and3A_941 = vector.broadcast %and3A_940 : i32 to vector<16xi32>
      %and3A_942 = arith.andi %add3A_919, %and3A_941 : vector<16xi32>
      %add3A_943 = arith.addi %add3A_939, %and3A_942 : vector<16xi32>
      %swap3A_944 = arith.constant 432 : index
      %swap3A_945 = tpu.vector_load %arg5[%swap3A_944] {strides = array<i32>} : memref<1024xi32, #tpu.memory_space<vmem>>, vector<16xi32>,
      %swap3A_946 = vector.shape_cast %swap3A_945 : vector<16xi32> to vector<16xi32>
      %swap3A_947 = vector.shape_cast %add3A_943 : vector<16xi32> to vector<16xi32>
      tpu.vector_store %arg5[%swap3A_944], %swap3A_947 {strides = array<i32>} : memref<1024xi32, #tpu.memory_space<vmem>>, vector<16xi32>,
      %get3A_948 = arith.constant 448 : index
      %get3A_949 = tpu.vector_load %arg5[%get3A_948] {strides = array<i32>} : memref<1024xi32, #tpu.memory_space<vmem>>, vector<16xi32>,
      %get3A_950 = vector.shape_cast %get3A_949 : vector<16xi32> to vector<16xi32>
      %add3A_951 = arith.constant 448 : i32
      %add3A_952 = vector.broadcast %add3A_951 : i32 to vector<16xi32>
      %add3A_953 = arith.addi %add3A_952, %iota3A : vector<16xi32>
      %shift_right_arithmetic3A_954 = arith.constant 3 : i32
      %shift_right_arithmetic3A_955 = vector.broadcast %shift_right_arithmetic3A_954 : i32 to vector<16xi32>
      %shift_right_arithmetic3A_956 = arith.shrsi %get3A_950, %shift_right_arithmetic3A_955 : vector<16xi32>
      %shift_left3A_957 = arith.constant 13 : i32
      %shift_left3A_958 = vector.broadcast %shift_left3A_957 : i32 to vector<16xi32>
      %shift_left3A_959 = arith.shli %shift_right_arithmetic3A_956, %shift_left3A_958 : vector<16xi32>
      %shift_right_arithmetic3A_960 = arith.constant 7 : i32
      %shift_right_arithmetic3A_961 = vector.broadcast %shift_right_arithmetic3A_960 : i32 to vector<16xi32>
      %shift_right_arithmetic3A_962 = arith.shrsi %add3A_953, %shift_right_arithmetic3A_961 : vector<16xi32>
      %shift_left3A_963 = arith.constant 10 : i32
      %shift_left3A_964 = vector.broadcast %shift_left3A_963 : i32 to vector<16xi32>
      %shift_left3A_965 = arith.shli %shift_right_arithmetic3A_962, %shift_left3A_964 : vector<16xi32>
      %add3A_966 = arith.addi %shift_left3A_959, %shift_left3A_965 : vector<16xi32>
      %and3A_967 = arith.constant 7 : i32
      %and3A_968 = vector.broadcast %and3A_967 : i32 to vector<16xi32>
      %and3A_969 = arith.andi %get3A_950, %and3A_968 : vector<16xi32>
      %shift_left3A_970 = arith.constant 7 : i32
      %shift_left3A_971 = vector.broadcast %shift_left3A_970 : i32 to vector<16xi32>
      %shift_left3A_972 = arith.shli %and3A_969, %shift_left3A_971 : vector<16xi32>
      %add3A_973 = arith.addi %add3A_966, %shift_left3A_972 : vector<16xi32>
      %and3A_974 = arith.constant 127 : i32
      %and3A_975 = vector.broadcast %and3A_974 : i32 to vector<16xi32>
      %and3A_976 = arith.andi %add3A_953, %and3A_975 : vector<16xi32>
      %add3A_977 = arith.addi %add3A_973, %and3A_976 : vector<16xi32>
      %swap3A_978 = arith.constant 448 : index
      %swap3A_979 = tpu.vector_load %arg5[%swap3A_978] {strides = array<i32>} : memref<1024xi32, #tpu.memory_space<vmem>>, vector<16xi32>,
      %swap3A_980 = vector.shape_cast %swap3A_979 : vector<16xi32> to vector<16xi32>
      %swap3A_981 = vector.shape_cast %add3A_977 : vector<16xi32> to vector<16xi32>
      tpu.vector_store %arg5[%swap3A_978], %swap3A_981 {strides = array<i32>} : memref<1024xi32, #tpu.memory_space<vmem>>, vector<16xi32>,
      %get3A_982 = arith.constant 464 : index
      %get3A_983 = tpu.vector_load %arg5[%get3A_982] {strides = array<i32>} : memref<1024xi32, #tpu.memory_space<vmem>>, vector<16xi32>,
      %get3A_984 = vector.shape_cast %get3A_983 : vector<16xi32> to vector<16xi32>
      %add3A_985 = arith.constant 464 : i32
      %add3A_986 = vector.broadcast %add3A_985 : i32 to vector<16xi32>
      %add3A_987 = arith.addi %add3A_986, %iota3A : vector<16xi32>
      %shift_right_arithmetic3A_988 = arith.constant 3 : i32
      %shift_right_arithmetic3A_989 = vector.broadcast %shift_right_arithmetic3A_988 : i32 to vector<16xi32>
      %shift_right_arithmetic3A_990 = arith.shrsi %get3A_984, %shift_right_arithmetic3A_989 : vector<16xi32>
      %shift_left3A_991 = arith.constant 13 : i32
      %shift_left3A_992 = vector.broadcast %shift_left3A_991 : i32 to vector<16xi32>
      %shift_left3A_993 = arith.shli %shift_right_arithmetic3A_990, %shift_left3A_992 : vector<16xi32>
      %shift_right_arithmetic3A_994 = arith.constant 7 : i32
      %shift_right_arithmetic3A_995 = vector.broadcast %shift_right_arithmetic3A_994 : i32 to vector<16xi32>
      %shift_right_arithmetic3A_996 = arith.shrsi %add3A_987, %shift_right_arithmetic3A_995 : vector<16xi32>
      %shift_left3A_997 = arith.constant 10 : i32
      %shift_left3A_998 = vector.broadcast %shift_left3A_997 : i32 to vector<16xi32>
      %shift_left3A_999 = arith.shli %shift_right_arithmetic3A_996, %shift_left3A_998 : vector<16xi32>
      %add3A_1000 = arith.addi %shift_left3A_993, %shift_left3A_999 : vector<16xi32>
      %and3A_1001 = arith.constant 7 : i32
      %and3A_1002 = vector.broadcast %and3A_1001 : i32 to vector<16xi32>
      %and3A_1003 = arith.andi %get3A_984, %and3A_1002 : vector<16xi32>
      %shift_left3A_1004 = arith.constant 7 : i32
      %shift_left3A_1005 = vector.broadcast %shift_left3A_1004 : i32 to vector<16xi32>
      %shift_left3A_1006 = arith.shli %and3A_1003, %shift_left3A_1005 : vector<16xi32>
      %add3A_1007 = arith.addi %add3A_1000, %shift_left3A_1006 : vector<16xi32>
      %and3A_1008 = arith.constant 127 : i32
      %and3A_1009 = vector.broadcast %and3A_1008 : i32 to vector<16xi32>
      %and3A_1010 = arith.andi %add3A_987, %and3A_1009 : vector<16xi32>
      %add3A_1011 = arith.addi %add3A_1007, %and3A_1010 : vector<16xi32>
      %swap3A_1012 = arith.constant 464 : index
      %swap3A_1013 = tpu.vector_load %arg5[%swap3A_1012] {strides = array<i32>} : memref<1024xi32, #tpu.memory_space<vmem>>, vector<16xi32>,
      %swap3A_1014 = vector.shape_cast %swap3A_1013 : vector<16xi32> to vector<16xi32>
      %swap3A_1015 = vector.shape_cast %add3A_1011 : vector<16xi32> to vector<16xi32>
      tpu.vector_store %arg5[%swap3A_1012], %swap3A_1015 {strides = array<i32>} : memref<1024xi32, #tpu.memory_space<vmem>>, vector<16xi32>,
      %get3A_1016 = arith.constant 480 : index
      %get3A_1017 = tpu.vector_load %arg5[%get3A_1016] {strides = array<i32>} : memref<1024xi32, #tpu.memory_space<vmem>>, vector<16xi32>,
      %get3A_1018 = vector.shape_cast %get3A_1017 : vector<16xi32> to vector<16xi32>
      %add3A_1019 = arith.constant 480 : i32
      %add3A_1020 = vector.broadcast %add3A_1019 : i32 to vector<16xi32>
      %add3A_1021 = arith.addi %add3A_1020, %iota3A : vector<16xi32>
      %shift_right_arithmetic3A_1022 = arith.constant 3 : i32
      %shift_right_arithmetic3A_1023 = vector.broadcast %shift_right_arithmetic3A_1022 : i32 to vector<16xi32>
      %shift_right_arithmetic3A_1024 = arith.shrsi %get3A_1018, %shift_right_arithmetic3A_1023 : vector<16xi32>
      %shift_left3A_1025 = arith.constant 13 : i32
      %shift_left3A_1026 = vector.broadcast %shift_left3A_1025 : i32 to vector<16xi32>
      %shift_left3A_1027 = arith.shli %shift_right_arithmetic3A_1024, %shift_left3A_1026 : vector<16xi32>
      %shift_right_arithmetic3A_1028 = arith.constant 7 : i32
      %shift_right_arithmetic3A_1029 = vector.broadcast %shift_right_arithmetic3A_1028 : i32 to vector<16xi32>
      %shift_right_arithmetic3A_1030 = arith.shrsi %add3A_1021, %shift_right_arithmetic3A_1029 : vector<16xi32>
      %shift_left3A_1031 = arith.constant 10 : i32
      %shift_left3A_1032 = vector.broadcast %shift_left3A_1031 : i32 to vector<16xi32>
      %shift_left3A_1033 = arith.shli %shift_right_arithmetic3A_1030, %shift_left3A_1032 : vector<16xi32>
      %add3A_1034 = arith.addi %shift_left3A_1027, %shift_left3A_1033 : vector<16xi32>
      %and3A_1035 = arith.constant 7 : i32
      %and3A_1036 = vector.broadcast %and3A_1035 : i32 to vector<16xi32>
      %and3A_1037 = arith.andi %get3A_1018, %and3A_1036 : vector<16xi32>
      %shift_left3A_1038 = arith.constant 7 : i32
      %shift_left3A_1039 = vector.broadcast %shift_left3A_1038 : i32 to vector<16xi32>
      %shift_left3A_1040 = arith.shli %and3A_1037, %shift_left3A_1039 : vector<16xi32>
      %add3A_1041 = arith.addi %add3A_1034, %shift_left3A_1040 : vector<16xi32>
      %and3A_1042 = arith.constant 127 : i32
      %and3A_1043 = vector.broadcast %and3A_1042 : i32 to vector<16xi32>
      %and3A_1044 = arith.andi %add3A_1021, %and3A_1043 : vector<16xi32>
      %add3A_1045 = arith.addi %add3A_1041, %and3A_1044 : vector<16xi32>
      %swap3A_1046 = arith.constant 480 : index
      %swap3A_1047 = tpu.vector_load %arg5[%swap3A_1046] {strides = array<i32>} : memref<1024xi32, #tpu.memory_space<vmem>>, vector<16xi32>,
      %swap3A_1048 = vector.shape_cast %swap3A_1047 : vector<16xi32> to vector<16xi32>
      %swap3A_1049 = vector.shape_cast %add3A_1045 : vector<16xi32> to vector<16xi32>
      tpu.vector_store %arg5[%swap3A_1046], %swap3A_1049 {strides = array<i32>} : memref<1024xi32, #tpu.memory_space<vmem>>, vector<16xi32>,
      %get3A_1050 = arith.constant 496 : index
      %get3A_1051 = tpu.vector_load %arg5[%get3A_1050] {strides = array<i32>} : memref<1024xi32, #tpu.memory_space<vmem>>, vector<16xi32>,
      %get3A_1052 = vector.shape_cast %get3A_1051 : vector<16xi32> to vector<16xi32>
      %add3A_1053 = arith.constant 496 : i32
      %add3A_1054 = vector.broadcast %add3A_1053 : i32 to vector<16xi32>
      %add3A_1055 = arith.addi %add3A_1054, %iota3A : vector<16xi32>
      %shift_right_arithmetic3A_1056 = arith.constant 3 : i32
      %shift_right_arithmetic3A_1057 = vector.broadcast %shift_right_arithmetic3A_1056 : i32 to vector<16xi32>
      %shift_right_arithmetic3A_1058 = arith.shrsi %get3A_1052, %shift_right_arithmetic3A_1057 : vector<16xi32>
      %shift_left3A_1059 = arith.constant 13 : i32
      %shift_left3A_1060 = vector.broadcast %shift_left3A_1059 : i32 to vector<16xi32>
      %shift_left3A_1061 = arith.shli %shift_right_arithmetic3A_1058, %shift_left3A_1060 : vector<16xi32>
      %shift_right_arithmetic3A_1062 = arith.constant 7 : i32
      %shift_right_arithmetic3A_1063 = vector.broadcast %shift_right_arithmetic3A_1062 : i32 to vector<16xi32>
      %shift_right_arithmetic3A_1064 = arith.shrsi %add3A_1055, %shift_right_arithmetic3A_1063 : vector<16xi32>
      %shift_left3A_1065 = arith.constant 10 : i32
      %shift_left3A_1066 = vector.broadcast %shift_left3A_1065 : i32 to vector<16xi32>
      %shift_left3A_1067 = arith.shli %shift_right_arithmetic3A_1064, %shift_left3A_1066 : vector<16xi32>
      %add3A_1068 = arith.addi %shift_left3A_1061, %shift_left3A_1067 : vector<16xi32>
      %and3A_1069 = arith.constant 7 : i32
      %and3A_1070 = vector.broadcast %and3A_1069 : i32 to vector<16xi32>
      %and3A_1071 = arith.andi %get3A_1052, %and3A_1070 : vector<16xi32>
      %shift_left3A_1072 = arith.constant 7 : i32
      %shift_left3A_1073 = vector.broadcast %shift_left3A_1072 : i32 to vector<16xi32>
      %shift_left3A_1074 = arith.shli %and3A_1071, %shift_left3A_1073 : vector<16xi32>
      %add3A_1075 = arith.addi %add3A_1068, %shift_left3A_1074 : vector<16xi32>
      %and3A_1076 = arith.constant 127 : i32
      %and3A_1077 = vector.broadcast %and3A_1076 : i32 to vector<16xi32>
      %and3A_1078 = arith.andi %add3A_1055, %and3A_1077 : vector<16xi32>
      %add3A_1079 = arith.addi %add3A_1075, %and3A_1078 : vector<16xi32>
      %swap3A_1080 = arith.constant 496 : index
      %swap3A_1081 = tpu.vector_load %arg5[%swap3A_1080] {strides = array<i32>} : memref<1024xi32, #tpu.memory_space<vmem>>, vector<16xi32>,
      %swap3A_1082 = vector.shape_cast %swap3A_1081 : vector<16xi32> to vector<16xi32>
      %swap3A_1083 = vector.shape_cast %add3A_1079 : vector<16xi32> to vector<16xi32>
      tpu.vector_store %arg5[%swap3A_1080], %swap3A_1083 {strides = array<i32>} : memref<1024xi32, #tpu.memory_space<vmem>>, vector<16xi32>,
      %get3A_1084 = arith.constant 512 : index
      %get3A_1085 = tpu.vector_load %arg5[%get3A_1084] {strides = array<i32>} : memref<1024xi32, #tpu.memory_space<vmem>>, vector<16xi32>,
      %get3A_1086 = vector.shape_cast %get3A_1085 : vector<16xi32> to vector<16xi32>
      %add3A_1087 = arith.constant 512 : i32
      %add3A_1088 = vector.broadcast %add3A_1087 : i32 to vector<16xi32>
      %add3A_1089 = arith.addi %add3A_1088, %iota3A : vector<16xi32>
      %shift_right_arithmetic3A_1090 = arith.constant 3 : i32
      %shift_right_arithmetic3A_1091 = vector.broadcast %shift_right_arithmetic3A_1090 : i32 to vector<16xi32>
      %shift_right_arithmetic3A_1092 = arith.shrsi %get3A_1086, %shift_right_arithmetic3A_1091 : vector<16xi32>
      %shift_left3A_1093 = arith.constant 13 : i32
      %shift_left3A_1094 = vector.broadcast %shift_left3A_1093 : i32 to vector<16xi32>
      %shift_left3A_1095 = arith.shli %shift_right_arithmetic3A_1092, %shift_left3A_1094 : vector<16xi32>
      %shift_right_arithmetic3A_1096 = arith.constant 7 : i32
      %shift_right_arithmetic3A_1097 = vector.broadcast %shift_right_arithmetic3A_1096 : i32 to vector<16xi32>
      %shift_right_arithmetic3A_1098 = arith.shrsi %add3A_1089, %shift_right_arithmetic3A_1097 : vector<16xi32>
      %shift_left3A_1099 = arith.constant 10 : i32
      %shift_left3A_1100 = vector.broadcast %shift_left3A_1099 : i32 to vector<16xi32>
      %shift_left3A_1101 = arith.shli %shift_right_arithmetic3A_1098, %shift_left3A_1100 : vector<16xi32>
      %add3A_1102 = arith.addi %shift_left3A_1095, %shift_left3A_1101 : vector<16xi32>
      %and3A_1103 = arith.constant 7 : i32
      %and3A_1104 = vector.broadcast %and3A_1103 : i32 to vector<16xi32>
      %and3A_1105 = arith.andi %get3A_1086, %and3A_1104 : vector<16xi32>
      %shift_left3A_1106 = arith.constant 7 : i32
      %shift_left3A_1107 = vector.broadcast %shift_left3A_1106 : i32 to vector<16xi32>
      %shift_left3A_1108 = arith.shli %and3A_1105, %shift_left3A_1107 : vector<16xi32>
      %add3A_1109 = arith.addi %add3A_1102, %shift_left3A_1108 : vector<16xi32>
      %and3A_1110 = arith.constant 127 : i32
      %and3A_1111 = vector.broadcast %and3A_1110 : i32 to vector<16xi32>
      %and3A_1112 = arith.andi %add3A_1089, %and3A_1111 : vector<16xi32>
      %add3A_1113 = arith.addi %add3A_1109, %and3A_1112 : vector<16xi32>
      %swap3A_1114 = arith.constant 512 : index
      %swap3A_1115 = tpu.vector_load %arg5[%swap3A_1114] {strides = array<i32>} : memref<1024xi32, #tpu.memory_space<vmem>>, vector<16xi32>,
      %swap3A_1116 = vector.shape_cast %swap3A_1115 : vector<16xi32> to vector<16xi32>
      %swap3A_1117 = vector.shape_cast %add3A_1113 : vector<16xi32> to vector<16xi32>
      tpu.vector_store %arg5[%swap3A_1114], %swap3A_1117 {strides = array<i32>} : memref<1024xi32, #tpu.memory_space<vmem>>, vector<16xi32>,
      %get3A_1118 = arith.constant 528 : index
      %get3A_1119 = tpu.vector_load %arg5[%get3A_1118] {strides = array<i32>} : memref<1024xi32, #tpu.memory_space<vmem>>, vector<16xi32>,
      %get3A_1120 = vector.shape_cast %get3A_1119 : vector<16xi32> to vector<16xi32>
      %add3A_1121 = arith.constant 528 : i32
      %add3A_1122 = vector.broadcast %add3A_1121 : i32 to vector<16xi32>
      %add3A_1123 = arith.addi %add3A_1122, %iota3A : vector<16xi32>
      %shift_right_arithmetic3A_1124 = arith.constant 3 : i32
      %shift_right_arithmetic3A_1125 = vector.broadcast %shift_right_arithmetic3A_1124 : i32 to vector<16xi32>
      %shift_right_arithmetic3A_1126 = arith.shrsi %get3A_1120, %shift_right_arithmetic3A_1125 : vector<16xi32>
      %shift_left3A_1127 = arith.constant 13 : i32
      %shift_left3A_1128 = vector.broadcast %shift_left3A_1127 : i32 to vector<16xi32>
      %shift_left3A_1129 = arith.shli %shift_right_arithmetic3A_1126, %shift_left3A_1128 : vector<16xi32>
      %shift_right_arithmetic3A_1130 = arith.constant 7 : i32
      %shift_right_arithmetic3A_1131 = vector.broadcast %shift_right_arithmetic3A_1130 : i32 to vector<16xi32>
      %shift_right_arithmetic3A_1132 = arith.shrsi %add3A_1123, %shift_right_arithmetic3A_1131 : vector<16xi32>
      %shift_left3A_1133 = arith.constant 10 : i32
      %shift_left3A_1134 = vector.broadcast %shift_left3A_1133 : i32 to vector<16xi32>
      %shift_left3A_1135 = arith.shli %shift_right_arithmetic3A_1132, %shift_left3A_1134 : vector<16xi32>
      %add3A_1136 = arith.addi %shift_left3A_1129, %shift_left3A_1135 : vector<16xi32>
      %and3A_1137 = arith.constant 7 : i32
      %and3A_1138 = vector.broadcast %and3A_1137 : i32 to vector<16xi32>
      %and3A_1139 = arith.andi %get3A_1120, %and3A_1138 : vector<16xi32>
      %shift_left3A_1140 = arith.constant 7 : i32
      %shift_left3A_1141 = vector.broadcast %shift_left3A_1140 : i32 to vector<16xi32>
      %shift_left3A_1142 = arith.shli %and3A_1139, %shift_left3A_1141 : vector<16xi32>
      %add3A_1143 = arith.addi %add3A_1136, %shift_left3A_1142 : vector<16xi32>
      %and3A_1144 = arith.constant 127 : i32
      %and3A_1145 = vector.broadcast %and3A_1144 : i32 to vector<16xi32>
      %and3A_1146 = arith.andi %add3A_1123, %and3A_1145 : vector<16xi32>
      %add3A_1147 = arith.addi %add3A_1143, %and3A_1146 : vector<16xi32>
      %swap3A_1148 = arith.constant 528 : index
      %swap3A_1149 = tpu.vector_load %arg5[%swap3A_1148] {strides = array<i32>} : memref<1024xi32, #tpu.memory_space<vmem>>, vector<16xi32>,
      %swap3A_1150 = vector.shape_cast %swap3A_1149 : vector<16xi32> to vector<16xi32>
      %swap3A_1151 = vector.shape_cast %add3A_1147 : vector<16xi32> to vector<16xi32>
      tpu.vector_store %arg5[%swap3A_1148], %swap3A_1151 {strides = array<i32>} : memref<1024xi32, #tpu.memory_space<vmem>>, vector<16xi32>,
      %get3A_1152 = arith.constant 544 : index
      %get3A_1153 = tpu.vector_load %arg5[%get3A_1152] {strides = array<i32>} : memref<1024xi32, #tpu.memory_space<vmem>>, vector<16xi32>,
      %get3A_1154 = vector.shape_cast %get3A_1153 : vector<16xi32> to vector<16xi32>
      %add3A_1155 = arith.constant 544 : i32
      %add3A_1156 = vector.broadcast %add3A_1155 : i32 to vector<16xi32>
      %add3A_1157 = arith.addi %add3A_1156, %iota3A : vector<16xi32>
      %shift_right_arithmetic3A_1158 = arith.constant 3 : i32
      %shift_right_arithmetic3A_1159 = vector.broadcast %shift_right_arithmetic3A_1158 : i32 to vector<16xi32>
      %shift_right_arithmetic3A_1160 = arith.shrsi %get3A_1154, %shift_right_arithmetic3A_1159 : vector<16xi32>
      %shift_left3A_1161 = arith.constant 13 : i32
      %shift_left3A_1162 = vector.broadcast %shift_left3A_1161 : i32 to vector<16xi32>
      %shift_left3A_1163 = arith.shli %shift_right_arithmetic3A_1160, %shift_left3A_1162 : vector<16xi32>
      %shift_right_arithmetic3A_1164 = arith.constant 7 : i32
      %shift_right_arithmetic3A_1165 = vector.broadcast %shift_right_arithmetic3A_1164 : i32 to vector<16xi32>
      %shift_right_arithmetic3A_1166 = arith.shrsi %add3A_1157, %shift_right_arithmetic3A_1165 : vector<16xi32>
      %shift_left3A_1167 = arith.constant 10 : i32
      %shift_left3A_1168 = vector.broadcast %shift_left3A_1167 : i32 to vector<16xi32>
      %shift_left3A_1169 = arith.shli %shift_right_arithmetic3A_1166, %shift_left3A_1168 : vector<16xi32>
      %add3A_1170 = arith.addi %shift_left3A_1163, %shift_left3A_1169 : vector<16xi32>
      %and3A_1171 = arith.constant 7 : i32
      %and3A_1172 = vector.broadcast %and3A_1171 : i32 to vector<16xi32>
      %and3A_1173 = arith.andi %get3A_1154, %and3A_1172 : vector<16xi32>
      %shift_left3A_1174 = arith.constant 7 : i32
      %shift_left3A_1175 = vector.broadcast %shift_left3A_1174 : i32 to vector<16xi32>
      %shift_left3A_1176 = arith.shli %and3A_1173, %shift_left3A_1175 : vector<16xi32>
      %add3A_1177 = arith.addi %add3A_1170, %shift_left3A_1176 : vector<16xi32>
      %and3A_1178 = arith.constant 127 : i32
      %and3A_1179 = vector.broadcast %and3A_1178 : i32 to vector<16xi32>
      %and3A_1180 = arith.andi %add3A_1157, %and3A_1179 : vector<16xi32>
      %add3A_1181 = arith.addi %add3A_1177, %and3A_1180 : vector<16xi32>
      %swap3A_1182 = arith.constant 544 : index
      %swap3A_1183 = tpu.vector_load %arg5[%swap3A_1182] {strides = array<i32>} : memref<1024xi32, #tpu.memory_space<vmem>>, vector<16xi32>,
      %swap3A_1184 = vector.shape_cast %swap3A_1183 : vector<16xi32> to vector<16xi32>
      %swap3A_1185 = vector.shape_cast %add3A_1181 : vector<16xi32> to vector<16xi32>
      tpu.vector_store %arg5[%swap3A_1182], %swap3A_1185 {strides = array<i32>} : memref<1024xi32, #tpu.memory_space<vmem>>, vector<16xi32>,
      %get3A_1186 = arith.constant 560 : index
      %get3A_1187 = tpu.vector_load %arg5[%get3A_1186] {strides = array<i32>} : memref<1024xi32, #tpu.memory_space<vmem>>, vector<16xi32>,
      %get3A_1188 = vector.shape_cast %get3A_1187 : vector<16xi32> to vector<16xi32>
      %add3A_1189 = arith.constant 560 : i32
      %add3A_1190 = vector.broadcast %add3A_1189 : i32 to vector<16xi32>
      %add3A_1191 = arith.addi %add3A_1190, %iota3A : vector<16xi32>
      %shift_right_arithmetic3A_1192 = arith.constant 3 : i32
      %shift_right_arithmetic3A_1193 = vector.broadcast %shift_right_arithmetic3A_1192 : i32 to vector<16xi32>
      %shift_right_arithmetic3A_1194 = arith.shrsi %get3A_1188, %shift_right_arithmetic3A_1193 : vector<16xi32>
      %shift_left3A_1195 = arith.constant 13 : i32
      %shift_left3A_1196 = vector.broadcast %shift_left3A_1195 : i32 to vector<16xi32>
      %shift_left3A_1197 = arith.shli %shift_right_arithmetic3A_1194, %shift_left3A_1196 : vector<16xi32>
      %shift_right_arithmetic3A_1198 = arith.constant 7 : i32
      %shift_right_arithmetic3A_1199 = vector.broadcast %shift_right_arithmetic3A_1198 : i32 to vector<16xi32>
      %shift_right_arithmetic3A_1200 = arith.shrsi %add3A_1191, %shift_right_arithmetic3A_1199 : vector<16xi32>
      %shift_left3A_1201 = arith.constant 10 : i32
      %shift_left3A_1202 = vector.broadcast %shift_left3A_1201 : i32 to vector<16xi32>
      %shift_left3A_1203 = arith.shli %shift_right_arithmetic3A_1200, %shift_left3A_1202 : vector<16xi32>
      %add3A_1204 = arith.addi %shift_left3A_1197, %shift_left3A_1203 : vector<16xi32>
      %and3A_1205 = arith.constant 7 : i32
      %and3A_1206 = vector.broadcast %and3A_1205 : i32 to vector<16xi32>
      %and3A_1207 = arith.andi %get3A_1188, %and3A_1206 : vector<16xi32>
      %shift_left3A_1208 = arith.constant 7 : i32
      %shift_left3A_1209 = vector.broadcast %shift_left3A_1208 : i32 to vector<16xi32>
      %shift_left3A_1210 = arith.shli %and3A_1207, %shift_left3A_1209 : vector<16xi32>
      %add3A_1211 = arith.addi %add3A_1204, %shift_left3A_1210 : vector<16xi32>
      %and3A_1212 = arith.constant 127 : i32
      %and3A_1213 = vector.broadcast %and3A_1212 : i32 to vector<16xi32>
      %and3A_1214 = arith.andi %add3A_1191, %and3A_1213 : vector<16xi32>
      %add3A_1215 = arith.addi %add3A_1211, %and3A_1214 : vector<16xi32>
      %swap3A_1216 = arith.constant 560 : index
      %swap3A_1217 = tpu.vector_load %arg5[%swap3A_1216] {strides = array<i32>} : memref<1024xi32, #tpu.memory_space<vmem>>, vector<16xi32>,
      %swap3A_1218 = vector.shape_cast %swap3A_1217 : vector<16xi32> to vector<16xi32>
      %swap3A_1219 = vector.shape_cast %add3A_1215 : vector<16xi32> to vector<16xi32>
      tpu.vector_store %arg5[%swap3A_1216], %swap3A_1219 {strides = array<i32>} : memref<1024xi32, #tpu.memory_space<vmem>>, vector<16xi32>,
      %get3A_1220 = arith.constant 576 : index
      %get3A_1221 = tpu.vector_load %arg5[%get3A_1220] {strides = array<i32>} : memref<1024xi32, #tpu.memory_space<vmem>>, vector<16xi32>,
      %get3A_1222 = vector.shape_cast %get3A_1221 : vector<16xi32> to vector<16xi32>
      %add3A_1223 = arith.constant 576 : i32
      %add3A_1224 = vector.broadcast %add3A_1223 : i32 to vector<16xi32>
      %add3A_1225 = arith.addi %add3A_1224, %iota3A : vector<16xi32>
      %shift_right_arithmetic3A_1226 = arith.constant 3 : i32
      %shift_right_arithmetic3A_1227 = vector.broadcast %shift_right_arithmetic3A_1226 : i32 to vector<16xi32>
      %shift_right_arithmetic3A_1228 = arith.shrsi %get3A_1222, %shift_right_arithmetic3A_1227 : vector<16xi32>
      %shift_left3A_1229 = arith.constant 13 : i32
      %shift_left3A_1230 = vector.broadcast %shift_left3A_1229 : i32 to vector<16xi32>
      %shift_left3A_1231 = arith.shli %shift_right_arithmetic3A_1228, %shift_left3A_1230 : vector<16xi32>
      %shift_right_arithmetic3A_1232 = arith.constant 7 : i32
      %shift_right_arithmetic3A_1233 = vector.broadcast %shift_right_arithmetic3A_1232 : i32 to vector<16xi32>
      %shift_right_arithmetic3A_1234 = arith.shrsi %add3A_1225, %shift_right_arithmetic3A_1233 : vector<16xi32>
      %shift_left3A_1235 = arith.constant 10 : i32
      %shift_left3A_1236 = vector.broadcast %shift_left3A_1235 : i32 to vector<16xi32>
      %shift_left3A_1237 = arith.shli %shift_right_arithmetic3A_1234, %shift_left3A_1236 : vector<16xi32>
      %add3A_1238 = arith.addi %shift_left3A_1231, %shift_left3A_1237 : vector<16xi32>
      %and3A_1239 = arith.constant 7 : i32
      %and3A_1240 = vector.broadcast %and3A_1239 : i32 to vector<16xi32>
      %and3A_1241 = arith.andi %get3A_1222, %and3A_1240 : vector<16xi32>
      %shift_left3A_1242 = arith.constant 7 : i32
      %shift_left3A_1243 = vector.broadcast %shift_left3A_1242 : i32 to vector<16xi32>
      %shift_left3A_1244 = arith.shli %and3A_1241, %shift_left3A_1243 : vector<16xi32>
      %add3A_1245 = arith.addi %add3A_1238, %shift_left3A_1244 : vector<16xi32>
      %and3A_1246 = arith.constant 127 : i32
      %and3A_1247 = vector.broadcast %and3A_1246 : i32 to vector<16xi32>
      %and3A_1248 = arith.andi %add3A_1225, %and3A_1247 : vector<16xi32>
      %add3A_1249 = arith.addi %add3A_1245, %and3A_1248 : vector<16xi32>
      %swap3A_1250 = arith.constant 576 : index
      %swap3A_1251 = tpu.vector_load %arg5[%swap3A_1250] {strides = array<i32>} : memref<1024xi32, #tpu.memory_space<vmem>>, vector<16xi32>,
      %swap3A_1252 = vector.shape_cast %swap3A_1251 : vector<16xi32> to vector<16xi32>
      %swap3A_1253 = vector.shape_cast %add3A_1249 : vector<16xi32> to vector<16xi32>
      tpu.vector_store %arg5[%swap3A_1250], %swap3A_1253 {strides = array<i32>} : memref<1024xi32, #tpu.memory_space<vmem>>, vector<16xi32>,
      %get3A_1254 = arith.constant 592 : index
      %get3A_1255 = tpu.vector_load %arg5[%get3A_1254] {strides = array<i32>} : memref<1024xi32, #tpu.memory_space<vmem>>, vector<16xi32>,
      %get3A_1256 = vector.shape_cast %get3A_1255 : vector<16xi32> to vector<16xi32>
      %add3A_1257 = arith.constant 592 : i32
      %add3A_1258 = vector.broadcast %add3A_1257 : i32 to vector<16xi32>
      %add3A_1259 = arith.addi %add3A_1258, %iota3A : vector<16xi32>
      %shift_right_arithmetic3A_1260 = arith.constant 3 : i32
      %shift_right_arithmetic3A_1261 = vector.broadcast %shift_right_arithmetic3A_1260 : i32 to vector<16xi32>
      %shift_right_arithmetic3A_1262 = arith.shrsi %get3A_1256, %shift_right_arithmetic3A_1261 : vector<16xi32>
      %shift_left3A_1263 = arith.constant 13 : i32
      %shift_left3A_1264 = vector.broadcast %shift_left3A_1263 : i32 to vector<16xi32>
      %shift_left3A_1265 = arith.shli %shift_right_arithmetic3A_1262, %shift_left3A_1264 : vector<16xi32>
      %shift_right_arithmetic3A_1266 = arith.constant 7 : i32
      %shift_right_arithmetic3A_1267 = vector.broadcast %shift_right_arithmetic3A_1266 : i32 to vector<16xi32>
      %shift_right_arithmetic3A_1268 = arith.shrsi %add3A_1259, %shift_right_arithmetic3A_1267 : vector<16xi32>
      %shift_left3A_1269 = arith.constant 10 : i32
      %shift_left3A_1270 = vector.broadcast %shift_left3A_1269 : i32 to vector<16xi32>
      %shift_left3A_1271 = arith.shli %shift_right_arithmetic3A_1268, %shift_left3A_1270 : vector<16xi32>
      %add3A_1272 = arith.addi %shift_left3A_1265, %shift_left3A_1271 : vector<16xi32>
      %and3A_1273 = arith.constant 7 : i32
      %and3A_1274 = vector.broadcast %and3A_1273 : i32 to vector<16xi32>
      %and3A_1275 = arith.andi %get3A_1256, %and3A_1274 : vector<16xi32>
      %shift_left3A_1276 = arith.constant 7 : i32
      %shift_left3A_1277 = vector.broadcast %shift_left3A_1276 : i32 to vector<16xi32>
      %shift_left3A_1278 = arith.shli %and3A_1275, %shift_left3A_1277 : vector<16xi32>
      %add3A_1279 = arith.addi %add3A_1272, %shift_left3A_1278 : vector<16xi32>
      %and3A_1280 = arith.constant 127 : i32
      %and3A_1281 = vector.broadcast %and3A_1280 : i32 to vector<16xi32>
      %and3A_1282 = arith.andi %add3A_1259, %and3A_1281 : vector<16xi32>
      %add3A_1283 = arith.addi %add3A_1279, %and3A_1282 : vector<16xi32>
      %swap3A_1284 = arith.constant 592 : index
      %swap3A_1285 = tpu.vector_load %arg5[%swap3A_1284] {strides = array<i32>} : memref<1024xi32, #tpu.memory_space<vmem>>, vector<16xi32>,
      %swap3A_1286 = vector.shape_cast %swap3A_1285 : vector<16xi32> to vector<16xi32>
      %swap3A_1287 = vector.shape_cast %add3A_1283 : vector<16xi32> to vector<16xi32>
      tpu.vector_store %arg5[%swap3A_1284], %swap3A_1287 {strides = array<i32>} : memref<1024xi32, #tpu.memory_space<vmem>>, vector<16xi32>,
      %get3A_1288 = arith.constant 608 : index
      %get3A_1289 = tpu.vector_load %arg5[%get3A_1288] {strides = array<i32>} : memref<1024xi32, #tpu.memory_space<vmem>>, vector<16xi32>,
      %get3A_1290 = vector.shape_cast %get3A_1289 : vector<16xi32> to vector<16xi32>
      %add3A_1291 = arith.constant 608 : i32
      %add3A_1292 = vector.broadcast %add3A_1291 : i32 to vector<16xi32>
      %add3A_1293 = arith.addi %add3A_1292, %iota3A : vector<16xi32>
      %shift_right_arithmetic3A_1294 = arith.constant 3 : i32
      %shift_right_arithmetic3A_1295 = vector.broadcast %shift_right_arithmetic3A_1294 : i32 to vector<16xi32>
      %shift_right_arithmetic3A_1296 = arith.shrsi %get3A_1290, %shift_right_arithmetic3A_1295 : vector<16xi32>
      %shift_left3A_1297 = arith.constant 13 : i32
      %shift_left3A_1298 = vector.broadcast %shift_left3A_1297 : i32 to vector<16xi32>
      %shift_left3A_1299 = arith.shli %shift_right_arithmetic3A_1296, %shift_left3A_1298 : vector<16xi32>
      %shift_right_arithmetic3A_1300 = arith.constant 7 : i32
      %shift_right_arithmetic3A_1301 = vector.broadcast %shift_right_arithmetic3A_1300 : i32 to vector<16xi32>
      %shift_right_arithmetic3A_1302 = arith.shrsi %add3A_1293, %shift_right_arithmetic3A_1301 : vector<16xi32>
      %shift_left3A_1303 = arith.constant 10 : i32
      %shift_left3A_1304 = vector.broadcast %shift_left3A_1303 : i32 to vector<16xi32>
      %shift_left3A_1305 = arith.shli %shift_right_arithmetic3A_1302, %shift_left3A_1304 : vector<16xi32>
      %add3A_1306 = arith.addi %shift_left3A_1299, %shift_left3A_1305 : vector<16xi32>
      %and3A_1307 = arith.constant 7 : i32
      %and3A_1308 = vector.broadcast %and3A_1307 : i32 to vector<16xi32>
      %and3A_1309 = arith.andi %get3A_1290, %and3A_1308 : vector<16xi32>
      %shift_left3A_1310 = arith.constant 7 : i32
      %shift_left3A_1311 = vector.broadcast %shift_left3A_1310 : i32 to vector<16xi32>
      %shift_left3A_1312 = arith.shli %and3A_1309, %shift_left3A_1311 : vector<16xi32>
      %add3A_1313 = arith.addi %add3A_1306, %shift_left3A_1312 : vector<16xi32>
      %and3A_1314 = arith.constant 127 : i32
      %and3A_1315 = vector.broadcast %and3A_1314 : i32 to vector<16xi32>
      %and3A_1316 = arith.andi %add3A_1293, %and3A_1315 : vector<16xi32>
      %add3A_1317 = arith.addi %add3A_1313, %and3A_1316 : vector<16xi32>
      %swap3A_1318 = arith.constant 608 : index
      %swap3A_1319 = tpu.vector_load %arg5[%swap3A_1318] {strides = array<i32>} : memref<1024xi32, #tpu.memory_space<vmem>>, vector<16xi32>,
      %swap3A_1320 = vector.shape_cast %swap3A_1319 : vector<16xi32> to vector<16xi32>
      %swap3A_1321 = vector.shape_cast %add3A_1317 : vector<16xi32> to vector<16xi32>
      tpu.vector_store %arg5[%swap3A_1318], %swap3A_1321 {strides = array<i32>} : memref<1024xi32, #tpu.memory_space<vmem>>, vector<16xi32>,
      %get3A_1322 = arith.constant 624 : index
      %get3A_1323 = tpu.vector_load %arg5[%get3A_1322] {strides = array<i32>} : memref<1024xi32, #tpu.memory_space<vmem>>, vector<16xi32>,
      %get3A_1324 = vector.shape_cast %get3A_1323 : vector<16xi32> to vector<16xi32>
      %add3A_1325 = arith.constant 624 : i32
      %add3A_1326 = vector.broadcast %add3A_1325 : i32 to vector<16xi32>
      %add3A_1327 = arith.addi %add3A_1326, %iota3A : vector<16xi32>
      %shift_right_arithmetic3A_1328 = arith.constant 3 : i32
      %shift_right_arithmetic3A_1329 = vector.broadcast %shift_right_arithmetic3A_1328 : i32 to vector<16xi32>
      %shift_right_arithmetic3A_1330 = arith.shrsi %get3A_1324, %shift_right_arithmetic3A_1329 : vector<16xi32>
      %shift_left3A_1331 = arith.constant 13 : i32
      %shift_left3A_1332 = vector.broadcast %shift_left3A_1331 : i32 to vector<16xi32>
      %shift_left3A_1333 = arith.shli %shift_right_arithmetic3A_1330, %shift_left3A_1332 : vector<16xi32>
      %shift_right_arithmetic3A_1334 = arith.constant 7 : i32
      %shift_right_arithmetic3A_1335 = vector.broadcast %shift_right_arithmetic3A_1334 : i32 to vector<16xi32>
      %shift_right_arithmetic3A_1336 = arith.shrsi %add3A_1327, %shift_right_arithmetic3A_1335 : vector<16xi32>
      %shift_left3A_1337 = arith.constant 10 : i32
      %shift_left3A_1338 = vector.broadcast %shift_left3A_1337 : i32 to vector<16xi32>
      %shift_left3A_1339 = arith.shli %shift_right_arithmetic3A_1336, %shift_left3A_1338 : vector<16xi32>
      %add3A_1340 = arith.addi %shift_left3A_1333, %shift_left3A_1339 : vector<16xi32>
      %and3A_1341 = arith.constant 7 : i32
      %and3A_1342 = vector.broadcast %and3A_1341 : i32 to vector<16xi32>
      %and3A_1343 = arith.andi %get3A_1324, %and3A_1342 : vector<16xi32>
      %shift_left3A_1344 = arith.constant 7 : i32
      %shift_left3A_1345 = vector.broadcast %shift_left3A_1344 : i32 to vector<16xi32>
      %shift_left3A_1346 = arith.shli %and3A_1343, %shift_left3A_1345 : vector<16xi32>
      %add3A_1347 = arith.addi %add3A_1340, %shift_left3A_1346 : vector<16xi32>
      %and3A_1348 = arith.constant 127 : i32
      %and3A_1349 = vector.broadcast %and3A_1348 : i32 to vector<16xi32>
      %and3A_1350 = arith.andi %add3A_1327, %and3A_1349 : vector<16xi32>
      %add3A_1351 = arith.addi %add3A_1347, %and3A_1350 : vector<16xi32>
      %swap3A_1352 = arith.constant 624 : index
      %swap3A_1353 = tpu.vector_load %arg5[%swap3A_1352] {strides = array<i32>} : memref<1024xi32, #tpu.memory_space<vmem>>, vector<16xi32>,
      %swap3A_1354 = vector.shape_cast %swap3A_1353 : vector<16xi32> to vector<16xi32>
      %swap3A_1355 = vector.shape_cast %add3A_1351 : vector<16xi32> to vector<16xi32>
      tpu.vector_store %arg5[%swap3A_1352], %swap3A_1355 {strides = array<i32>} : memref<1024xi32, #tpu.memory_space<vmem>>, vector<16xi32>,
      %get3A_1356 = arith.constant 640 : index
      %get3A_1357 = tpu.vector_load %arg5[%get3A_1356] {strides = array<i32>} : memref<1024xi32, #tpu.memory_space<vmem>>, vector<16xi32>,
      %get3A_1358 = vector.shape_cast %get3A_1357 : vector<16xi32> to vector<16xi32>
      %add3A_1359 = arith.constant 640 : i32
      %add3A_1360 = vector.broadcast %add3A_1359 : i32 to vector<16xi32>
      %add3A_1361 = arith.addi %add3A_1360, %iota3A : vector<16xi32>
      %shift_right_arithmetic3A_1362 = arith.constant 3 : i32
      %shift_right_arithmetic3A_1363 = vector.broadcast %shift_right_arithmetic3A_1362 : i32 to vector<16xi32>
      %shift_right_arithmetic3A_1364 = arith.shrsi %get3A_1358, %shift_right_arithmetic3A_1363 : vector<16xi32>
      %shift_left3A_1365 = arith.constant 13 : i32
      %shift_left3A_1366 = vector.broadcast %shift_left3A_1365 : i32 to vector<16xi32>
      %shift_left3A_1367 = arith.shli %shift_right_arithmetic3A_1364, %shift_left3A_1366 : vector<16xi32>
      %shift_right_arithmetic3A_1368 = arith.constant 7 : i32
      %shift_right_arithmetic3A_1369 = vector.broadcast %shift_right_arithmetic3A_1368 : i32 to vector<16xi32>
      %shift_right_arithmetic3A_1370 = arith.shrsi %add3A_1361, %shift_right_arithmetic3A_1369 : vector<16xi32>
      %shift_left3A_1371 = arith.constant 10 : i32
      %shift_left3A_1372 = vector.broadcast %shift_left3A_1371 : i32 to vector<16xi32>
      %shift_left3A_1373 = arith.shli %shift_right_arithmetic3A_1370, %shift_left3A_1372 : vector<16xi32>
      %add3A_1374 = arith.addi %shift_left3A_1367, %shift_left3A_1373 : vector<16xi32>
      %and3A_1375 = arith.constant 7 : i32
      %and3A_1376 = vector.broadcast %and3A_1375 : i32 to vector<16xi32>
      %and3A_1377 = arith.andi %get3A_1358, %and3A_1376 : vector<16xi32>
      %shift_left3A_1378 = arith.constant 7 : i32
      %shift_left3A_1379 = vector.broadcast %shift_left3A_1378 : i32 to vector<16xi32>
      %shift_left3A_1380 = arith.shli %and3A_1377, %shift_left3A_1379 : vector<16xi32>
      %add3A_1381 = arith.addi %add3A_1374, %shift_left3A_1380 : vector<16xi32>
      %and3A_1382 = arith.constant 127 : i32
      %and3A_1383 = vector.broadcast %and3A_1382 : i32 to vector<16xi32>
      %and3A_1384 = arith.andi %add3A_1361, %and3A_1383 : vector<16xi32>
      %add3A_1385 = arith.addi %add3A_1381, %and3A_1384 : vector<16xi32>
      %swap3A_1386 = arith.constant 640 : index
      %swap3A_1387 = tpu.vector_load %arg5[%swap3A_1386] {strides = array<i32>} : memref<1024xi32, #tpu.memory_space<vmem>>, vector<16xi32>,
      %swap3A_1388 = vector.shape_cast %swap3A_1387 : vector<16xi32> to vector<16xi32>
      %swap3A_1389 = vector.shape_cast %add3A_1385 : vector<16xi32> to vector<16xi32>
      tpu.vector_store %arg5[%swap3A_1386], %swap3A_1389 {strides = array<i32>} : memref<1024xi32, #tpu.memory_space<vmem>>, vector<16xi32>,
      %get3A_1390 = arith.constant 656 : index
      %get3A_1391 = tpu.vector_load %arg5[%get3A_1390] {strides = array<i32>} : memref<1024xi32, #tpu.memory_space<vmem>>, vector<16xi32>,
      %get3A_1392 = vector.shape_cast %get3A_1391 : vector<16xi32> to vector<16xi32>
      %add3A_1393 = arith.constant 656 : i32
      %add3A_1394 = vector.broadcast %add3A_1393 : i32 to vector<16xi32>
      %add3A_1395 = arith.addi %add3A_1394, %iota3A : vector<16xi32>
      %shift_right_arithmetic3A_1396 = arith.constant 3 : i32
      %shift_right_arithmetic3A_1397 = vector.broadcast %shift_right_arithmetic3A_1396 : i32 to vector<16xi32>
      %shift_right_arithmetic3A_1398 = arith.shrsi %get3A_1392, %shift_right_arithmetic3A_1397 : vector<16xi32>
      %shift_left3A_1399 = arith.constant 13 : i32
      %shift_left3A_1400 = vector.broadcast %shift_left3A_1399 : i32 to vector<16xi32>
      %shift_left3A_1401 = arith.shli %shift_right_arithmetic3A_1398, %shift_left3A_1400 : vector<16xi32>
      %shift_right_arithmetic3A_1402 = arith.constant 7 : i32
      %shift_right_arithmetic3A_1403 = vector.broadcast %shift_right_arithmetic3A_1402 : i32 to vector<16xi32>
      %shift_right_arithmetic3A_1404 = arith.shrsi %add3A_1395, %shift_right_arithmetic3A_1403 : vector<16xi32>
      %shift_left3A_1405 = arith.constant 10 : i32
      %shift_left3A_1406 = vector.broadcast %shift_left3A_1405 : i32 to vector<16xi32>
      %shift_left3A_1407 = arith.shli %shift_right_arithmetic3A_1404, %shift_left3A_1406 : vector<16xi32>
      %add3A_1408 = arith.addi %shift_left3A_1401, %shift_left3A_1407 : vector<16xi32>
      %and3A_1409 = arith.constant 7 : i32
      %and3A_1410 = vector.broadcast %and3A_1409 : i32 to vector<16xi32>
      %and3A_1411 = arith.andi %get3A_1392, %and3A_1410 : vector<16xi32>
      %shift_left3A_1412 = arith.constant 7 : i32
      %shift_left3A_1413 = vector.broadcast %shift_left3A_1412 : i32 to vector<16xi32>
      %shift_left3A_1414 = arith.shli %and3A_1411, %shift_left3A_1413 : vector<16xi32>
      %add3A_1415 = arith.addi %add3A_1408, %shift_left3A_1414 : vector<16xi32>
      %and3A_1416 = arith.constant 127 : i32
      %and3A_1417 = vector.broadcast %and3A_1416 : i32 to vector<16xi32>
      %and3A_1418 = arith.andi %add3A_1395, %and3A_1417 : vector<16xi32>
      %add3A_1419 = arith.addi %add3A_1415, %and3A_1418 : vector<16xi32>
      %swap3A_1420 = arith.constant 656 : index
      %swap3A_1421 = tpu.vector_load %arg5[%swap3A_1420] {strides = array<i32>} : memref<1024xi32, #tpu.memory_space<vmem>>, vector<16xi32>,
      %swap3A_1422 = vector.shape_cast %swap3A_1421 : vector<16xi32> to vector<16xi32>
      %swap3A_1423 = vector.shape_cast %add3A_1419 : vector<16xi32> to vector<16xi32>
      tpu.vector_store %arg5[%swap3A_1420], %swap3A_1423 {strides = array<i32>} : memref<1024xi32, #tpu.memory_space<vmem>>, vector<16xi32>,
      %get3A_1424 = arith.constant 672 : index
      %get3A_1425 = tpu.vector_load %arg5[%get3A_1424] {strides = array<i32>} : memref<1024xi32, #tpu.memory_space<vmem>>, vector<16xi32>,
      %get3A_1426 = vector.shape_cast %get3A_1425 : vector<16xi32> to vector<16xi32>
      %add3A_1427 = arith.constant 672 : i32
      %add3A_1428 = vector.broadcast %add3A_1427 : i32 to vector<16xi32>
      %add3A_1429 = arith.addi %add3A_1428, %iota3A : vector<16xi32>
      %shift_right_arithmetic3A_1430 = arith.constant 3 : i32
      %shift_right_arithmetic3A_1431 = vector.broadcast %shift_right_arithmetic3A_1430 : i32 to vector<16xi32>
      %shift_right_arithmetic3A_1432 = arith.shrsi %get3A_1426, %shift_right_arithmetic3A_1431 : vector<16xi32>
      %shift_left3A_1433 = arith.constant 13 : i32
      %shift_left3A_1434 = vector.broadcast %shift_left3A_1433 : i32 to vector<16xi32>
      %shift_left3A_1435 = arith.shli %shift_right_arithmetic3A_1432, %shift_left3A_1434 : vector<16xi32>
      %shift_right_arithmetic3A_1436 = arith.constant 7 : i32
      %shift_right_arithmetic3A_1437 = vector.broadcast %shift_right_arithmetic3A_1436 : i32 to vector<16xi32>
      %shift_right_arithmetic3A_1438 = arith.shrsi %add3A_1429, %shift_right_arithmetic3A_1437 : vector<16xi32>
      %shift_left3A_1439 = arith.constant 10 : i32
      %shift_left3A_1440 = vector.broadcast %shift_left3A_1439 : i32 to vector<16xi32>
      %shift_left3A_1441 = arith.shli %shift_right_arithmetic3A_1438, %shift_left3A_1440 : vector<16xi32>
      %add3A_1442 = arith.addi %shift_left3A_1435, %shift_left3A_1441 : vector<16xi32>
      %and3A_1443 = arith.constant 7 : i32
      %and3A_1444 = vector.broadcast %and3A_1443 : i32 to vector<16xi32>
      %and3A_1445 = arith.andi %get3A_1426, %and3A_1444 : vector<16xi32>
      %shift_left3A_1446 = arith.constant 7 : i32
      %shift_left3A_1447 = vector.broadcast %shift_left3A_1446 : i32 to vector<16xi32>
      %shift_left3A_1448 = arith.shli %and3A_1445, %shift_left3A_1447 : vector<16xi32>
      %add3A_1449 = arith.addi %add3A_1442, %shift_left3A_1448 : vector<16xi32>
      %and3A_1450 = arith.constant 127 : i32
      %and3A_1451 = vector.broadcast %and3A_1450 : i32 to vector<16xi32>
      %and3A_1452 = arith.andi %add3A_1429, %and3A_1451 : vector<16xi32>
      %add3A_1453 = arith.addi %add3A_1449, %and3A_1452 : vector<16xi32>
      %swap3A_1454 = arith.constant 672 : index
      %swap3A_1455 = tpu.vector_load %arg5[%swap3A_1454] {strides = array<i32>} : memref<1024xi32, #tpu.memory_space<vmem>>, vector<16xi32>,
      %swap3A_1456 = vector.shape_cast %swap3A_1455 : vector<16xi32> to vector<16xi32>
      %swap3A_1457 = vector.shape_cast %add3A_1453 : vector<16xi32> to vector<16xi32>
      tpu.vector_store %arg5[%swap3A_1454], %swap3A_1457 {strides = array<i32>} : memref<1024xi32, #tpu.memory_space<vmem>>, vector<16xi32>,
      %get3A_1458 = arith.constant 688 : index
      %get3A_1459 = tpu.vector_load %arg5[%get3A_1458] {strides = array<i32>} : memref<1024xi32, #tpu.memory_space<vmem>>, vector<16xi32>,
      %get3A_1460 = vector.shape_cast %get3A_1459 : vector<16xi32> to vector<16xi32>
      %add3A_1461 = arith.constant 688 : i32
      %add3A_1462 = vector.broadcast %add3A_1461 : i32 to vector<16xi32>
      %add3A_1463 = arith.addi %add3A_1462, %iota3A : vector<16xi32>
      %shift_right_arithmetic3A_1464 = arith.constant 3 : i32
      %shift_right_arithmetic3A_1465 = vector.broadcast %shift_right_arithmetic3A_1464 : i32 to vector<16xi32>
      %shift_right_arithmetic3A_1466 = arith.shrsi %get3A_1460, %shift_right_arithmetic3A_1465 : vector<16xi32>
      %shift_left3A_1467 = arith.constant 13 : i32
      %shift_left3A_1468 = vector.broadcast %shift_left3A_1467 : i32 to vector<16xi32>
      %shift_left3A_1469 = arith.shli %shift_right_arithmetic3A_1466, %shift_left3A_1468 : vector<16xi32>
      %shift_right_arithmetic3A_1470 = arith.constant 7 : i32
      %shift_right_arithmetic3A_1471 = vector.broadcast %shift_right_arithmetic3A_1470 : i32 to vector<16xi32>
      %shift_right_arithmetic3A_1472 = arith.shrsi %add3A_1463, %shift_right_arithmetic3A_1471 : vector<16xi32>
      %shift_left3A_1473 = arith.constant 10 : i32
      %shift_left3A_1474 = vector.broadcast %shift_left3A_1473 : i32 to vector<16xi32>
      %shift_left3A_1475 = arith.shli %shift_right_arithmetic3A_1472, %shift_left3A_1474 : vector<16xi32>
      %add3A_1476 = arith.addi %shift_left3A_1469, %shift_left3A_1475 : vector<16xi32>
      %and3A_1477 = arith.constant 7 : i32
      %and3A_1478 = vector.broadcast %and3A_1477 : i32 to vector<16xi32>
      %and3A_1479 = arith.andi %get3A_1460, %and3A_1478 : vector<16xi32>
      %shift_left3A_1480 = arith.constant 7 : i32
      %shift_left3A_1481 = vector.broadcast %shift_left3A_1480 : i32 to vector<16xi32>
      %shift_left3A_1482 = arith.shli %and3A_1479, %shift_left3A_1481 : vector<16xi32>
      %add3A_1483 = arith.addi %add3A_1476, %shift_left3A_1482 : vector<16xi32>
      %and3A_1484 = arith.constant 127 : i32
      %and3A_1485 = vector.broadcast %and3A_1484 : i32 to vector<16xi32>
      %and3A_1486 = arith.andi %add3A_1463, %and3A_1485 : vector<16xi32>
      %add3A_1487 = arith.addi %add3A_1483, %and3A_1486 : vector<16xi32>
      %swap3A_1488 = arith.constant 688 : index
      %swap3A_1489 = tpu.vector_load %arg5[%swap3A_1488] {strides = array<i32>} : memref<1024xi32, #tpu.memory_space<vmem>>, vector<16xi32>,
      %swap3A_1490 = vector.shape_cast %swap3A_1489 : vector<16xi32> to vector<16xi32>
      %swap3A_1491 = vector.shape_cast %add3A_1487 : vector<16xi32> to vector<16xi32>
      tpu.vector_store %arg5[%swap3A_1488], %swap3A_1491 {strides = array<i32>} : memref<1024xi32, #tpu.memory_space<vmem>>, vector<16xi32>,
      %get3A_1492 = arith.constant 704 : index
      %get3A_1493 = tpu.vector_load %arg5[%get3A_1492] {strides = array<i32>} : memref<1024xi32, #tpu.memory_space<vmem>>, vector<16xi32>,
      %get3A_1494 = vector.shape_cast %get3A_1493 : vector<16xi32> to vector<16xi32>
      %add3A_1495 = arith.constant 704 : i32
      %add3A_1496 = vector.broadcast %add3A_1495 : i32 to vector<16xi32>
      %add3A_1497 = arith.addi %add3A_1496, %iota3A : vector<16xi32>
      %shift_right_arithmetic3A_1498 = arith.constant 3 : i32
      %shift_right_arithmetic3A_1499 = vector.broadcast %shift_right_arithmetic3A_1498 : i32 to vector<16xi32>
      %shift_right_arithmetic3A_1500 = arith.shrsi %get3A_1494, %shift_right_arithmetic3A_1499 : vector<16xi32>
      %shift_left3A_1501 = arith.constant 13 : i32
      %shift_left3A_1502 = vector.broadcast %shift_left3A_1501 : i32 to vector<16xi32>
      %shift_left3A_1503 = arith.shli %shift_right_arithmetic3A_1500, %shift_left3A_1502 : vector<16xi32>
      %shift_right_arithmetic3A_1504 = arith.constant 7 : i32
      %shift_right_arithmetic3A_1505 = vector.broadcast %shift_right_arithmetic3A_1504 : i32 to vector<16xi32>
      %shift_right_arithmetic3A_1506 = arith.shrsi %add3A_1497, %shift_right_arithmetic3A_1505 : vector<16xi32>
      %shift_left3A_1507 = arith.constant 10 : i32
      %shift_left3A_1508 = vector.broadcast %shift_left3A_1507 : i32 to vector<16xi32>
      %shift_left3A_1509 = arith.shli %shift_right_arithmetic3A_1506, %shift_left3A_1508 : vector<16xi32>
      %add3A_1510 = arith.addi %shift_left3A_1503, %shift_left3A_1509 : vector<16xi32>
      %and3A_1511 = arith.constant 7 : i32
      %and3A_1512 = vector.broadcast %and3A_1511 : i32 to vector<16xi32>
      %and3A_1513 = arith.andi %get3A_1494, %and3A_1512 : vector<16xi32>
      %shift_left3A_1514 = arith.constant 7 : i32
      %shift_left3A_1515 = vector.broadcast %shift_left3A_1514 : i32 to vector<16xi32>
      %shift_left3A_1516 = arith.shli %and3A_1513, %shift_left3A_1515 : vector<16xi32>
      %add3A_1517 = arith.addi %add3A_1510, %shift_left3A_1516 : vector<16xi32>
      %and3A_1518 = arith.constant 127 : i32
      %and3A_1519 = vector.broadcast %and3A_1518 : i32 to vector<16xi32>
      %and3A_1520 = arith.andi %add3A_1497, %and3A_1519 : vector<16xi32>
      %add3A_1521 = arith.addi %add3A_1517, %and3A_1520 : vector<16xi32>
      %swap3A_1522 = arith.constant 704 : index
      %swap3A_1523 = tpu.vector_load %arg5[%swap3A_1522] {strides = array<i32>} : memref<1024xi32, #tpu.memory_space<vmem>>, vector<16xi32>,
      %swap3A_1524 = vector.shape_cast %swap3A_1523 : vector<16xi32> to vector<16xi32>
      %swap3A_1525 = vector.shape_cast %add3A_1521 : vector<16xi32> to vector<16xi32>
      tpu.vector_store %arg5[%swap3A_1522], %swap3A_1525 {strides = array<i32>} : memref<1024xi32, #tpu.memory_space<vmem>>, vector<16xi32>,
      %get3A_1526 = arith.constant 720 : index
      %get3A_1527 = tpu.vector_load %arg5[%get3A_1526] {strides = array<i32>} : memref<1024xi32, #tpu.memory_space<vmem>>, vector<16xi32>,
      %get3A_1528 = vector.shape_cast %get3A_1527 : vector<16xi32> to vector<16xi32>
      %add3A_1529 = arith.constant 720 : i32
      %add3A_1530 = vector.broadcast %add3A_1529 : i32 to vector<16xi32>
      %add3A_1531 = arith.addi %add3A_1530, %iota3A : vector<16xi32>
      %shift_right_arithmetic3A_1532 = arith.constant 3 : i32
      %shift_right_arithmetic3A_1533 = vector.broadcast %shift_right_arithmetic3A_1532 : i32 to vector<16xi32>
      %shift_right_arithmetic3A_1534 = arith.shrsi %get3A_1528, %shift_right_arithmetic3A_1533 : vector<16xi32>
      %shift_left3A_1535 = arith.constant 13 : i32
      %shift_left3A_1536 = vector.broadcast %shift_left3A_1535 : i32 to vector<16xi32>
      %shift_left3A_1537 = arith.shli %shift_right_arithmetic3A_1534, %shift_left3A_1536 : vector<16xi32>
      %shift_right_arithmetic3A_1538 = arith.constant 7 : i32
      %shift_right_arithmetic3A_1539 = vector.broadcast %shift_right_arithmetic3A_1538 : i32 to vector<16xi32>
      %shift_right_arithmetic3A_1540 = arith.shrsi %add3A_1531, %shift_right_arithmetic3A_1539 : vector<16xi32>
      %shift_left3A_1541 = arith.constant 10 : i32
      %shift_left3A_1542 = vector.broadcast %shift_left3A_1541 : i32 to vector<16xi32>
      %shift_left3A_1543 = arith.shli %shift_right_arithmetic3A_1540, %shift_left3A_1542 : vector<16xi32>
      %add3A_1544 = arith.addi %shift_left3A_1537, %shift_left3A_1543 : vector<16xi32>
      %and3A_1545 = arith.constant 7 : i32
      %and3A_1546 = vector.broadcast %and3A_1545 : i32 to vector<16xi32>
      %and3A_1547 = arith.andi %get3A_1528, %and3A_1546 : vector<16xi32>
      %shift_left3A_1548 = arith.constant 7 : i32
      %shift_left3A_1549 = vector.broadcast %shift_left3A_1548 : i32 to vector<16xi32>
      %shift_left3A_1550 = arith.shli %and3A_1547, %shift_left3A_1549 : vector<16xi32>
      %add3A_1551 = arith.addi %add3A_1544, %shift_left3A_1550 : vector<16xi32>
      %and3A_1552 = arith.constant 127 : i32
      %and3A_1553 = vector.broadcast %and3A_1552 : i32 to vector<16xi32>
      %and3A_1554 = arith.andi %add3A_1531, %and3A_1553 : vector<16xi32>
      %add3A_1555 = arith.addi %add3A_1551, %and3A_1554 : vector<16xi32>
      %swap3A_1556 = arith.constant 720 : index
      %swap3A_1557 = tpu.vector_load %arg5[%swap3A_1556] {strides = array<i32>} : memref<1024xi32, #tpu.memory_space<vmem>>, vector<16xi32>,
      %swap3A_1558 = vector.shape_cast %swap3A_1557 : vector<16xi32> to vector<16xi32>
      %swap3A_1559 = vector.shape_cast %add3A_1555 : vector<16xi32> to vector<16xi32>
      tpu.vector_store %arg5[%swap3A_1556], %swap3A_1559 {strides = array<i32>} : memref<1024xi32, #tpu.memory_space<vmem>>, vector<16xi32>,
      %get3A_1560 = arith.constant 736 : index
      %get3A_1561 = tpu.vector_load %arg5[%get3A_1560] {strides = array<i32>} : memref<1024xi32, #tpu.memory_space<vmem>>, vector<16xi32>,
      %get3A_1562 = vector.shape_cast %get3A_1561 : vector<16xi32> to vector<16xi32>
      %add3A_1563 = arith.constant 736 : i32
      %add3A_1564 = vector.broadcast %add3A_1563 : i32 to vector<16xi32>
      %add3A_1565 = arith.addi %add3A_1564, %iota3A : vector<16xi32>
      %shift_right_arithmetic3A_1566 = arith.constant 3 : i32
      %shift_right_arithmetic3A_1567 = vector.broadcast %shift_right_arithmetic3A_1566 : i32 to vector<16xi32>
      %shift_right_arithmetic3A_1568 = arith.shrsi %get3A_1562, %shift_right_arithmetic3A_1567 : vector<16xi32>
      %shift_left3A_1569 = arith.constant 13 : i32
      %shift_left3A_1570 = vector.broadcast %shift_left3A_1569 : i32 to vector<16xi32>
      %shift_left3A_1571 = arith.shli %shift_right_arithmetic3A_1568, %shift_left3A_1570 : vector<16xi32>
      %shift_right_arithmetic3A_1572 = arith.constant 7 : i32
      %shift_right_arithmetic3A_1573 = vector.broadcast %shift_right_arithmetic3A_1572 : i32 to vector<16xi32>
      %shift_right_arithmetic3A_1574 = arith.shrsi %add3A_1565, %shift_right_arithmetic3A_1573 : vector<16xi32>
      %shift_left3A_1575 = arith.constant 10 : i32
      %shift_left3A_1576 = vector.broadcast %shift_left3A_1575 : i32 to vector<16xi32>
      %shift_left3A_1577 = arith.shli %shift_right_arithmetic3A_1574, %shift_left3A_1576 : vector<16xi32>
      %add3A_1578 = arith.addi %shift_left3A_1571, %shift_left3A_1577 : vector<16xi32>
      %and3A_1579 = arith.constant 7 : i32
      %and3A_1580 = vector.broadcast %and3A_1579 : i32 to vector<16xi32>
      %and3A_1581 = arith.andi %get3A_1562, %and3A_1580 : vector<16xi32>
      %shift_left3A_1582 = arith.constant 7 : i32
      %shift_left3A_1583 = vector.broadcast %shift_left3A_1582 : i32 to vector<16xi32>
      %shift_left3A_1584 = arith.shli %and3A_1581, %shift_left3A_1583 : vector<16xi32>
      %add3A_1585 = arith.addi %add3A_1578, %shift_left3A_1584 : vector<16xi32>
      %and3A_1586 = arith.constant 127 : i32
      %and3A_1587 = vector.broadcast %and3A_1586 : i32 to vector<16xi32>
      %and3A_1588 = arith.andi %add3A_1565, %and3A_1587 : vector<16xi32>
      %add3A_1589 = arith.addi %add3A_1585, %and3A_1588 : vector<16xi32>
      %swap3A_1590 = arith.constant 736 : index
      %swap3A_1591 = tpu.vector_load %arg5[%swap3A_1590] {strides = array<i32>} : memref<1024xi32, #tpu.memory_space<vmem>>, vector<16xi32>,
      %swap3A_1592 = vector.shape_cast %swap3A_1591 : vector<16xi32> to vector<16xi32>
      %swap3A_1593 = vector.shape_cast %add3A_1589 : vector<16xi32> to vector<16xi32>
      tpu.vector_store %arg5[%swap3A_1590], %swap3A_1593 {strides = array<i32>} : memref<1024xi32, #tpu.memory_space<vmem>>, vector<16xi32>,
      %get3A_1594 = arith.constant 752 : index
      %get3A_1595 = tpu.vector_load %arg5[%get3A_1594] {strides = array<i32>} : memref<1024xi32, #tpu.memory_space<vmem>>, vector<16xi32>,
      %get3A_1596 = vector.shape_cast %get3A_1595 : vector<16xi32> to vector<16xi32>
      %add3A_1597 = arith.constant 752 : i32
      %add3A_1598 = vector.broadcast %add3A_1597 : i32 to vector<16xi32>
      %add3A_1599 = arith.addi %add3A_1598, %iota3A : vector<16xi32>
      %shift_right_arithmetic3A_1600 = arith.constant 3 : i32
      %shift_right_arithmetic3A_1601 = vector.broadcast %shift_right_arithmetic3A_1600 : i32 to vector<16xi32>
      %shift_right_arithmetic3A_1602 = arith.shrsi %get3A_1596, %shift_right_arithmetic3A_1601 : vector<16xi32>
      %shift_left3A_1603 = arith.constant 13 : i32
      %shift_left3A_1604 = vector.broadcast %shift_left3A_1603 : i32 to vector<16xi32>
      %shift_left3A_1605 = arith.shli %shift_right_arithmetic3A_1602, %shift_left3A_1604 : vector<16xi32>
      %shift_right_arithmetic3A_1606 = arith.constant 7 : i32
      %shift_right_arithmetic3A_1607 = vector.broadcast %shift_right_arithmetic3A_1606 : i32 to vector<16xi32>
      %shift_right_arithmetic3A_1608 = arith.shrsi %add3A_1599, %shift_right_arithmetic3A_1607 : vector<16xi32>
      %shift_left3A_1609 = arith.constant 10 : i32
      %shift_left3A_1610 = vector.broadcast %shift_left3A_1609 : i32 to vector<16xi32>
      %shift_left3A_1611 = arith.shli %shift_right_arithmetic3A_1608, %shift_left3A_1610 : vector<16xi32>
      %add3A_1612 = arith.addi %shift_left3A_1605, %shift_left3A_1611 : vector<16xi32>
      %and3A_1613 = arith.constant 7 : i32
      %and3A_1614 = vector.broadcast %and3A_1613 : i32 to vector<16xi32>
      %and3A_1615 = arith.andi %get3A_1596, %and3A_1614 : vector<16xi32>
      %shift_left3A_1616 = arith.constant 7 : i32
      %shift_left3A_1617 = vector.broadcast %shift_left3A_1616 : i32 to vector<16xi32>
      %shift_left3A_1618 = arith.shli %and3A_1615, %shift_left3A_1617 : vector<16xi32>
      %add3A_1619 = arith.addi %add3A_1612, %shift_left3A_1618 : vector<16xi32>
      %and3A_1620 = arith.constant 127 : i32
      %and3A_1621 = vector.broadcast %and3A_1620 : i32 to vector<16xi32>
      %and3A_1622 = arith.andi %add3A_1599, %and3A_1621 : vector<16xi32>
      %add3A_1623 = arith.addi %add3A_1619, %and3A_1622 : vector<16xi32>
      %swap3A_1624 = arith.constant 752 : index
      %swap3A_1625 = tpu.vector_load %arg5[%swap3A_1624] {strides = array<i32>} : memref<1024xi32, #tpu.memory_space<vmem>>, vector<16xi32>,
      %swap3A_1626 = vector.shape_cast %swap3A_1625 : vector<16xi32> to vector<16xi32>
      %swap3A_1627 = vector.shape_cast %add3A_1623 : vector<16xi32> to vector<16xi32>
      tpu.vector_store %arg5[%swap3A_1624], %swap3A_1627 {strides = array<i32>} : memref<1024xi32, #tpu.memory_space<vmem>>, vector<16xi32>,
      %get3A_1628 = arith.constant 768 : index
      %get3A_1629 = tpu.vector_load %arg5[%get3A_1628] {strides = array<i32>} : memref<1024xi32, #tpu.memory_space<vmem>>, vector<16xi32>,
      %get3A_1630 = vector.shape_cast %get3A_1629 : vector<16xi32> to vector<16xi32>
      %add3A_1631 = arith.constant 768 : i32
      %add3A_1632 = vector.broadcast %add3A_1631 : i32 to vector<16xi32>
      %add3A_1633 = arith.addi %add3A_1632, %iota3A : vector<16xi32>
      %shift_right_arithmetic3A_1634 = arith.constant 3 : i32
      %shift_right_arithmetic3A_1635 = vector.broadcast %shift_right_arithmetic3A_1634 : i32 to vector<16xi32>
      %shift_right_arithmetic3A_1636 = arith.shrsi %get3A_1630, %shift_right_arithmetic3A_1635 : vector<16xi32>
      %shift_left3A_1637 = arith.constant 13 : i32
      %shift_left3A_1638 = vector.broadcast %shift_left3A_1637 : i32 to vector<16xi32>
      %shift_left3A_1639 = arith.shli %shift_right_arithmetic3A_1636, %shift_left3A_1638 : vector<16xi32>
      %shift_right_arithmetic3A_1640 = arith.constant 7 : i32
      %shift_right_arithmetic3A_1641 = vector.broadcast %shift_right_arithmetic3A_1640 : i32 to vector<16xi32>
      %shift_right_arithmetic3A_1642 = arith.shrsi %add3A_1633, %shift_right_arithmetic3A_1641 : vector<16xi32>
      %shift_left3A_1643 = arith.constant 10 : i32
      %shift_left3A_1644 = vector.broadcast %shift_left3A_1643 : i32 to vector<16xi32>
      %shift_left3A_1645 = arith.shli %shift_right_arithmetic3A_1642, %shift_left3A_1644 : vector<16xi32>
      %add3A_1646 = arith.addi %shift_left3A_1639, %shift_left3A_1645 : vector<16xi32>
      %and3A_1647 = arith.constant 7 : i32
      %and3A_1648 = vector.broadcast %and3A_1647 : i32 to vector<16xi32>
      %and3A_1649 = arith.andi %get3A_1630, %and3A_1648 : vector<16xi32>
      %shift_left3A_1650 = arith.constant 7 : i32
      %shift_left3A_1651 = vector.broadcast %shift_left3A_1650 : i32 to vector<16xi32>
      %shift_left3A_1652 = arith.shli %and3A_1649, %shift_left3A_1651 : vector<16xi32>
      %add3A_1653 = arith.addi %add3A_1646, %shift_left3A_1652 : vector<16xi32>
      %and3A_1654 = arith.constant 127 : i32
      %and3A_1655 = vector.broadcast %and3A_1654 : i32 to vector<16xi32>
      %and3A_1656 = arith.andi %add3A_1633, %and3A_1655 : vector<16xi32>
      %add3A_1657 = arith.addi %add3A_1653, %and3A_1656 : vector<16xi32>
      %swap3A_1658 = arith.constant 768 : index
      %swap3A_1659 = tpu.vector_load %arg5[%swap3A_1658] {strides = array<i32>} : memref<1024xi32, #tpu.memory_space<vmem>>, vector<16xi32>,
      %swap3A_1660 = vector.shape_cast %swap3A_1659 : vector<16xi32> to vector<16xi32>
      %swap3A_1661 = vector.shape_cast %add3A_1657 : vector<16xi32> to vector<16xi32>
      tpu.vector_store %arg5[%swap3A_1658], %swap3A_1661 {strides = array<i32>} : memref<1024xi32, #tpu.memory_space<vmem>>, vector<16xi32>,
      %get3A_1662 = arith.constant 784 : index
      %get3A_1663 = tpu.vector_load %arg5[%get3A_1662] {strides = array<i32>} : memref<1024xi32, #tpu.memory_space<vmem>>, vector<16xi32>,
      %get3A_1664 = vector.shape_cast %get3A_1663 : vector<16xi32> to vector<16xi32>
      %add3A_1665 = arith.constant 784 : i32
      %add3A_1666 = vector.broadcast %add3A_1665 : i32 to vector<16xi32>
      %add3A_1667 = arith.addi %add3A_1666, %iota3A : vector<16xi32>
      %shift_right_arithmetic3A_1668 = arith.constant 3 : i32
      %shift_right_arithmetic3A_1669 = vector.broadcast %shift_right_arithmetic3A_1668 : i32 to vector<16xi32>
      %shift_right_arithmetic3A_1670 = arith.shrsi %get3A_1664, %shift_right_arithmetic3A_1669 : vector<16xi32>
      %shift_left3A_1671 = arith.constant 13 : i32
      %shift_left3A_1672 = vector.broadcast %shift_left3A_1671 : i32 to vector<16xi32>
      %shift_left3A_1673 = arith.shli %shift_right_arithmetic3A_1670, %shift_left3A_1672 : vector<16xi32>
      %shift_right_arithmetic3A_1674 = arith.constant 7 : i32
      %shift_right_arithmetic3A_1675 = vector.broadcast %shift_right_arithmetic3A_1674 : i32 to vector<16xi32>
      %shift_right_arithmetic3A_1676 = arith.shrsi %add3A_1667, %shift_right_arithmetic3A_1675 : vector<16xi32>
      %shift_left3A_1677 = arith.constant 10 : i32
      %shift_left3A_1678 = vector.broadcast %shift_left3A_1677 : i32 to vector<16xi32>
      %shift_left3A_1679 = arith.shli %shift_right_arithmetic3A_1676, %shift_left3A_1678 : vector<16xi32>
      %add3A_1680 = arith.addi %shift_left3A_1673, %shift_left3A_1679 : vector<16xi32>
      %and3A_1681 = arith.constant 7 : i32
      %and3A_1682 = vector.broadcast %and3A_1681 : i32 to vector<16xi32>
      %and3A_1683 = arith.andi %get3A_1664, %and3A_1682 : vector<16xi32>
      %shift_left3A_1684 = arith.constant 7 : i32
      %shift_left3A_1685 = vector.broadcast %shift_left3A_1684 : i32 to vector<16xi32>
      %shift_left3A_1686 = arith.shli %and3A_1683, %shift_left3A_1685 : vector<16xi32>
      %add3A_1687 = arith.addi %add3A_1680, %shift_left3A_1686 : vector<16xi32>
      %and3A_1688 = arith.constant 127 : i32
      %and3A_1689 = vector.broadcast %and3A_1688 : i32 to vector<16xi32>
      %and3A_1690 = arith.andi %add3A_1667, %and3A_1689 : vector<16xi32>
      %add3A_1691 = arith.addi %add3A_1687, %and3A_1690 : vector<16xi32>
      %swap3A_1692 = arith.constant 784 : index
      %swap3A_1693 = tpu.vector_load %arg5[%swap3A_1692] {strides = array<i32>} : memref<1024xi32, #tpu.memory_space<vmem>>, vector<16xi32>,
      %swap3A_1694 = vector.shape_cast %swap3A_1693 : vector<16xi32> to vector<16xi32>
      %swap3A_1695 = vector.shape_cast %add3A_1691 : vector<16xi32> to vector<16xi32>
      tpu.vector_store %arg5[%swap3A_1692], %swap3A_1695 {strides = array<i32>} : memref<1024xi32, #tpu.memory_space<vmem>>, vector<16xi32>,
      %get3A_1696 = arith.constant 800 : index
      %get3A_1697 = tpu.vector_load %arg5[%get3A_1696] {strides = array<i32>} : memref<1024xi32, #tpu.memory_space<vmem>>, vector<16xi32>,
      %get3A_1698 = vector.shape_cast %get3A_1697 : vector<16xi32> to vector<16xi32>
      %add3A_1699 = arith.constant 800 : i32
      %add3A_1700 = vector.broadcast %add3A_1699 : i32 to vector<16xi32>
      %add3A_1701 = arith.addi %add3A_1700, %iota3A : vector<16xi32>
      %shift_right_arithmetic3A_1702 = arith.constant 3 : i32
      %shift_right_arithmetic3A_1703 = vector.broadcast %shift_right_arithmetic3A_1702 : i32 to vector<16xi32>
      %shift_right_arithmetic3A_1704 = arith.shrsi %get3A_1698, %shift_right_arithmetic3A_1703 : vector<16xi32>
      %shift_left3A_1705 = arith.constant 13 : i32
      %shift_left3A_1706 = vector.broadcast %shift_left3A_1705 : i32 to vector<16xi32>
      %shift_left3A_1707 = arith.shli %shift_right_arithmetic3A_1704, %shift_left3A_1706 : vector<16xi32>
      %shift_right_arithmetic3A_1708 = arith.constant 7 : i32
      %shift_right_arithmetic3A_1709 = vector.broadcast %shift_right_arithmetic3A_1708 : i32 to vector<16xi32>
      %shift_right_arithmetic3A_1710 = arith.shrsi %add3A_1701, %shift_right_arithmetic3A_1709 : vector<16xi32>
      %shift_left3A_1711 = arith.constant 10 : i32
      %shift_left3A_1712 = vector.broadcast %shift_left3A_1711 : i32 to vector<16xi32>
      %shift_left3A_1713 = arith.shli %shift_right_arithmetic3A_1710, %shift_left3A_1712 : vector<16xi32>
      %add3A_1714 = arith.addi %shift_left3A_1707, %shift_left3A_1713 : vector<16xi32>
      %and3A_1715 = arith.constant 7 : i32
      %and3A_1716 = vector.broadcast %and3A_1715 : i32 to vector<16xi32>
      %and3A_1717 = arith.andi %get3A_1698, %and3A_1716 : vector<16xi32>
      %shift_left3A_1718 = arith.constant 7 : i32
      %shift_left3A_1719 = vector.broadcast %shift_left3A_1718 : i32 to vector<16xi32>
      %shift_left3A_1720 = arith.shli %and3A_1717, %shift_left3A_1719 : vector<16xi32>
      %add3A_1721 = arith.addi %add3A_1714, %shift_left3A_1720 : vector<16xi32>
      %and3A_1722 = arith.constant 127 : i32
      %and3A_1723 = vector.broadcast %and3A_1722 : i32 to vector<16xi32>
      %and3A_1724 = arith.andi %add3A_1701, %and3A_1723 : vector<16xi32>
      %add3A_1725 = arith.addi %add3A_1721, %and3A_1724 : vector<16xi32>
      %swap3A_1726 = arith.constant 800 : index
      %swap3A_1727 = tpu.vector_load %arg5[%swap3A_1726] {strides = array<i32>} : memref<1024xi32, #tpu.memory_space<vmem>>, vector<16xi32>,
      %swap3A_1728 = vector.shape_cast %swap3A_1727 : vector<16xi32> to vector<16xi32>
      %swap3A_1729 = vector.shape_cast %add3A_1725 : vector<16xi32> to vector<16xi32>
      tpu.vector_store %arg5[%swap3A_1726], %swap3A_1729 {strides = array<i32>} : memref<1024xi32, #tpu.memory_space<vmem>>, vector<16xi32>,
      %get3A_1730 = arith.constant 816 : index
      %get3A_1731 = tpu.vector_load %arg5[%get3A_1730] {strides = array<i32>} : memref<1024xi32, #tpu.memory_space<vmem>>, vector<16xi32>,
      %get3A_1732 = vector.shape_cast %get3A_1731 : vector<16xi32> to vector<16xi32>
      %add3A_1733 = arith.constant 816 : i32
      %add3A_1734 = vector.broadcast %add3A_1733 : i32 to vector<16xi32>
      %add3A_1735 = arith.addi %add3A_1734, %iota3A : vector<16xi32>
      %shift_right_arithmetic3A_1736 = arith.constant 3 : i32
      %shift_right_arithmetic3A_1737 = vector.broadcast %shift_right_arithmetic3A_1736 : i32 to vector<16xi32>
      %shift_right_arithmetic3A_1738 = arith.shrsi %get3A_1732, %shift_right_arithmetic3A_1737 : vector<16xi32>
      %shift_left3A_1739 = arith.constant 13 : i32
      %shift_left3A_1740 = vector.broadcast %shift_left3A_1739 : i32 to vector<16xi32>
      %shift_left3A_1741 = arith.shli %shift_right_arithmetic3A_1738, %shift_left3A_1740 : vector<16xi32>
      %shift_right_arithmetic3A_1742 = arith.constant 7 : i32
      %shift_right_arithmetic3A_1743 = vector.broadcast %shift_right_arithmetic3A_1742 : i32 to vector<16xi32>
      %shift_right_arithmetic3A_1744 = arith.shrsi %add3A_1735, %shift_right_arithmetic3A_1743 : vector<16xi32>
      %shift_left3A_1745 = arith.constant 10 : i32
      %shift_left3A_1746 = vector.broadcast %shift_left3A_1745 : i32 to vector<16xi32>
      %shift_left3A_1747 = arith.shli %shift_right_arithmetic3A_1744, %shift_left3A_1746 : vector<16xi32>
      %add3A_1748 = arith.addi %shift_left3A_1741, %shift_left3A_1747 : vector<16xi32>
      %and3A_1749 = arith.constant 7 : i32
      %and3A_1750 = vector.broadcast %and3A_1749 : i32 to vector<16xi32>
      %and3A_1751 = arith.andi %get3A_1732, %and3A_1750 : vector<16xi32>
      %shift_left3A_1752 = arith.constant 7 : i32
      %shift_left3A_1753 = vector.broadcast %shift_left3A_1752 : i32 to vector<16xi32>
      %shift_left3A_1754 = arith.shli %and3A_1751, %shift_left3A_1753 : vector<16xi32>
      %add3A_1755 = arith.addi %add3A_1748, %shift_left3A_1754 : vector<16xi32>
      %and3A_1756 = arith.constant 127 : i32
      %and3A_1757 = vector.broadcast %and3A_1756 : i32 to vector<16xi32>
      %and3A_1758 = arith.andi %add3A_1735, %and3A_1757 : vector<16xi32>
      %add3A_1759 = arith.addi %add3A_1755, %and3A_1758 : vector<16xi32>
      %swap3A_1760 = arith.constant 816 : index
      %swap3A_1761 = tpu.vector_load %arg5[%swap3A_1760] {strides = array<i32>} : memref<1024xi32, #tpu.memory_space<vmem>>, vector<16xi32>,
      %swap3A_1762 = vector.shape_cast %swap3A_1761 : vector<16xi32> to vector<16xi32>
      %swap3A_1763 = vector.shape_cast %add3A_1759 : vector<16xi32> to vector<16xi32>
      tpu.vector_store %arg5[%swap3A_1760], %swap3A_1763 {strides = array<i32>} : memref<1024xi32, #tpu.memory_space<vmem>>, vector<16xi32>,
      %get3A_1764 = arith.constant 832 : index
      %get3A_1765 = tpu.vector_load %arg5[%get3A_1764] {strides = array<i32>} : memref<1024xi32, #tpu.memory_space<vmem>>, vector<16xi32>,
      %get3A_1766 = vector.shape_cast %get3A_1765 : vector<16xi32> to vector<16xi32>
      %add3A_1767 = arith.constant 832 : i32
      %add3A_1768 = vector.broadcast %add3A_1767 : i32 to vector<16xi32>
      %add3A_1769 = arith.addi %add3A_1768, %iota3A : vector<16xi32>
      %shift_right_arithmetic3A_1770 = arith.constant 3 : i32
      %shift_right_arithmetic3A_1771 = vector.broadcast %shift_right_arithmetic3A_1770 : i32 to vector<16xi32>
      %shift_right_arithmetic3A_1772 = arith.shrsi %get3A_1766, %shift_right_arithmetic3A_1771 : vector<16xi32>
      %shift_left3A_1773 = arith.constant 13 : i32
      %shift_left3A_1774 = vector.broadcast %shift_left3A_1773 : i32 to vector<16xi32>
      %shift_left3A_1775 = arith.shli %shift_right_arithmetic3A_1772, %shift_left3A_1774 : vector<16xi32>
      %shift_right_arithmetic3A_1776 = arith.constant 7 : i32
      %shift_right_arithmetic3A_1777 = vector.broadcast %shift_right_arithmetic3A_1776 : i32 to vector<16xi32>
      %shift_right_arithmetic3A_1778 = arith.shrsi %add3A_1769, %shift_right_arithmetic3A_1777 : vector<16xi32>
      %shift_left3A_1779 = arith.constant 10 : i32
      %shift_left3A_1780 = vector.broadcast %shift_left3A_1779 : i32 to vector<16xi32>
      %shift_left3A_1781 = arith.shli %shift_right_arithmetic3A_1778, %shift_left3A_1780 : vector<16xi32>
      %add3A_1782 = arith.addi %shift_left3A_1775, %shift_left3A_1781 : vector<16xi32>
      %and3A_1783 = arith.constant 7 : i32
      %and3A_1784 = vector.broadcast %and3A_1783 : i32 to vector<16xi32>
      %and3A_1785 = arith.andi %get3A_1766, %and3A_1784 : vector<16xi32>
      %shift_left3A_1786 = arith.constant 7 : i32
      %shift_left3A_1787 = vector.broadcast %shift_left3A_1786 : i32 to vector<16xi32>
      %shift_left3A_1788 = arith.shli %and3A_1785, %shift_left3A_1787 : vector<16xi32>
      %add3A_1789 = arith.addi %add3A_1782, %shift_left3A_1788 : vector<16xi32>
      %and3A_1790 = arith.constant 127 : i32
      %and3A_1791 = vector.broadcast %and3A_1790 : i32 to vector<16xi32>
      %and3A_1792 = arith.andi %add3A_1769, %and3A_1791 : vector<16xi32>
      %add3A_1793 = arith.addi %add3A_1789, %and3A_1792 : vector<16xi32>
      %swap3A_1794 = arith.constant 832 : index
      %swap3A_1795 = tpu.vector_load %arg5[%swap3A_1794] {strides = array<i32>} : memref<1024xi32, #tpu.memory_space<vmem>>, vector<16xi32>,
      %swap3A_1796 = vector.shape_cast %swap3A_1795 : vector<16xi32> to vector<16xi32>
      %swap3A_1797 = vector.shape_cast %add3A_1793 : vector<16xi32> to vector<16xi32>
      tpu.vector_store %arg5[%swap3A_1794], %swap3A_1797 {strides = array<i32>} : memref<1024xi32, #tpu.memory_space<vmem>>, vector<16xi32>,
      %get3A_1798 = arith.constant 848 : index
      %get3A_1799 = tpu.vector_load %arg5[%get3A_1798] {strides = array<i32>} : memref<1024xi32, #tpu.memory_space<vmem>>, vector<16xi32>,
      %get3A_1800 = vector.shape_cast %get3A_1799 : vector<16xi32> to vector<16xi32>
      %add3A_1801 = arith.constant 848 : i32
      %add3A_1802 = vector.broadcast %add3A_1801 : i32 to vector<16xi32>
      %add3A_1803 = arith.addi %add3A_1802, %iota3A : vector<16xi32>
      %shift_right_arithmetic3A_1804 = arith.constant 3 : i32
      %shift_right_arithmetic3A_1805 = vector.broadcast %shift_right_arithmetic3A_1804 : i32 to vector<16xi32>
      %shift_right_arithmetic3A_1806 = arith.shrsi %get3A_1800, %shift_right_arithmetic3A_1805 : vector<16xi32>
      %shift_left3A_1807 = arith.constant 13 : i32
      %shift_left3A_1808 = vector.broadcast %shift_left3A_1807 : i32 to vector<16xi32>
      %shift_left3A_1809 = arith.shli %shift_right_arithmetic3A_1806, %shift_left3A_1808 : vector<16xi32>
      %shift_right_arithmetic3A_1810 = arith.constant 7 : i32
      %shift_right_arithmetic3A_1811 = vector.broadcast %shift_right_arithmetic3A_1810 : i32 to vector<16xi32>
      %shift_right_arithmetic3A_1812 = arith.shrsi %add3A_1803, %shift_right_arithmetic3A_1811 : vector<16xi32>
      %shift_left3A_1813 = arith.constant 10 : i32
      %shift_left3A_1814 = vector.broadcast %shift_left3A_1813 : i32 to vector<16xi32>
      %shift_left3A_1815 = arith.shli %shift_right_arithmetic3A_1812, %shift_left3A_1814 : vector<16xi32>
      %add3A_1816 = arith.addi %shift_left3A_1809, %shift_left3A_1815 : vector<16xi32>
      %and3A_1817 = arith.constant 7 : i32
      %and3A_1818 = vector.broadcast %and3A_1817 : i32 to vector<16xi32>
      %and3A_1819 = arith.andi %get3A_1800, %and3A_1818 : vector<16xi32>
      %shift_left3A_1820 = arith.constant 7 : i32
      %shift_left3A_1821 = vector.broadcast %shift_left3A_1820 : i32 to vector<16xi32>
      %shift_left3A_1822 = arith.shli %and3A_1819, %shift_left3A_1821 : vector<16xi32>
      %add3A_1823 = arith.addi %add3A_1816, %shift_left3A_1822 : vector<16xi32>
      %and3A_1824 = arith.constant 127 : i32
      %and3A_1825 = vector.broadcast %and3A_1824 : i32 to vector<16xi32>
      %and3A_1826 = arith.andi %add3A_1803, %and3A_1825 : vector<16xi32>
      %add3A_1827 = arith.addi %add3A_1823, %and3A_1826 : vector<16xi32>
      %swap3A_1828 = arith.constant 848 : index
      %swap3A_1829 = tpu.vector_load %arg5[%swap3A_1828] {strides = array<i32>} : memref<1024xi32, #tpu.memory_space<vmem>>, vector<16xi32>,
      %swap3A_1830 = vector.shape_cast %swap3A_1829 : vector<16xi32> to vector<16xi32>
      %swap3A_1831 = vector.shape_cast %add3A_1827 : vector<16xi32> to vector<16xi32>
      tpu.vector_store %arg5[%swap3A_1828], %swap3A_1831 {strides = array<i32>} : memref<1024xi32, #tpu.memory_space<vmem>>, vector<16xi32>,
      %get3A_1832 = arith.constant 864 : index
      %get3A_1833 = tpu.vector_load %arg5[%get3A_1832] {strides = array<i32>} : memref<1024xi32, #tpu.memory_space<vmem>>, vector<16xi32>,
      %get3A_1834 = vector.shape_cast %get3A_1833 : vector<16xi32> to vector<16xi32>
      %add3A_1835 = arith.constant 864 : i32
      %add3A_1836 = vector.broadcast %add3A_1835 : i32 to vector<16xi32>
      %add3A_1837 = arith.addi %add3A_1836, %iota3A : vector<16xi32>
      %shift_right_arithmetic3A_1838 = arith.constant 3 : i32
      %shift_right_arithmetic3A_1839 = vector.broadcast %shift_right_arithmetic3A_1838 : i32 to vector<16xi32>
      %shift_right_arithmetic3A_1840 = arith.shrsi %get3A_1834, %shift_right_arithmetic3A_1839 : vector<16xi32>
      %shift_left3A_1841 = arith.constant 13 : i32
      %shift_left3A_1842 = vector.broadcast %shift_left3A_1841 : i32 to vector<16xi32>
      %shift_left3A_1843 = arith.shli %shift_right_arithmetic3A_1840, %shift_left3A_1842 : vector<16xi32>
      %shift_right_arithmetic3A_1844 = arith.constant 7 : i32
      %shift_right_arithmetic3A_1845 = vector.broadcast %shift_right_arithmetic3A_1844 : i32 to vector<16xi32>
      %shift_right_arithmetic3A_1846 = arith.shrsi %add3A_1837, %shift_right_arithmetic3A_1845 : vector<16xi32>
      %shift_left3A_1847 = arith.constant 10 : i32
      %shift_left3A_1848 = vector.broadcast %shift_left3A_1847 : i32 to vector<16xi32>
      %shift_left3A_1849 = arith.shli %shift_right_arithmetic3A_1846, %shift_left3A_1848 : vector<16xi32>
      %add3A_1850 = arith.addi %shift_left3A_1843, %shift_left3A_1849 : vector<16xi32>
      %and3A_1851 = arith.constant 7 : i32
      %and3A_1852 = vector.broadcast %and3A_1851 : i32 to vector<16xi32>
      %and3A_1853 = arith.andi %get3A_1834, %and3A_1852 : vector<16xi32>
      %shift_left3A_1854 = arith.constant 7 : i32
      %shift_left3A_1855 = vector.broadcast %shift_left3A_1854 : i32 to vector<16xi32>
      %shift_left3A_1856 = arith.shli %and3A_1853, %shift_left3A_1855 : vector<16xi32>
      %add3A_1857 = arith.addi %add3A_1850, %shift_left3A_1856 : vector<16xi32>
      %and3A_1858 = arith.constant 127 : i32
      %and3A_1859 = vector.broadcast %and3A_1858 : i32 to vector<16xi32>
      %and3A_1860 = arith.andi %add3A_1837, %and3A_1859 : vector<16xi32>
      %add3A_1861 = arith.addi %add3A_1857, %and3A_1860 : vector<16xi32>
      %swap3A_1862 = arith.constant 864 : index
      %swap3A_1863 = tpu.vector_load %arg5[%swap3A_1862] {strides = array<i32>} : memref<1024xi32, #tpu.memory_space<vmem>>, vector<16xi32>,
      %swap3A_1864 = vector.shape_cast %swap3A_1863 : vector<16xi32> to vector<16xi32>
      %swap3A_1865 = vector.shape_cast %add3A_1861 : vector<16xi32> to vector<16xi32>
      tpu.vector_store %arg5[%swap3A_1862], %swap3A_1865 {strides = array<i32>} : memref<1024xi32, #tpu.memory_space<vmem>>, vector<16xi32>,
      %get3A_1866 = arith.constant 880 : index
      %get3A_1867 = tpu.vector_load %arg5[%get3A_1866] {strides = array<i32>} : memref<1024xi32, #tpu.memory_space<vmem>>, vector<16xi32>,
      %get3A_1868 = vector.shape_cast %get3A_1867 : vector<16xi32> to vector<16xi32>
      %add3A_1869 = arith.constant 880 : i32
      %add3A_1870 = vector.broadcast %add3A_1869 : i32 to vector<16xi32>
      %add3A_1871 = arith.addi %add3A_1870, %iota3A : vector<16xi32>
      %shift_right_arithmetic3A_1872 = arith.constant 3 : i32
      %shift_right_arithmetic3A_1873 = vector.broadcast %shift_right_arithmetic3A_1872 : i32 to vector<16xi32>
      %shift_right_arithmetic3A_1874 = arith.shrsi %get3A_1868, %shift_right_arithmetic3A_1873 : vector<16xi32>
      %shift_left3A_1875 = arith.constant 13 : i32
      %shift_left3A_1876 = vector.broadcast %shift_left3A_1875 : i32 to vector<16xi32>
      %shift_left3A_1877 = arith.shli %shift_right_arithmetic3A_1874, %shift_left3A_1876 : vector<16xi32>
      %shift_right_arithmetic3A_1878 = arith.constant 7 : i32
      %shift_right_arithmetic3A_1879 = vector.broadcast %shift_right_arithmetic3A_1878 : i32 to vector<16xi32>
      %shift_right_arithmetic3A_1880 = arith.shrsi %add3A_1871, %shift_right_arithmetic3A_1879 : vector<16xi32>
      %shift_left3A_1881 = arith.constant 10 : i32
      %shift_left3A_1882 = vector.broadcast %shift_left3A_1881 : i32 to vector<16xi32>
      %shift_left3A_1883 = arith.shli %shift_right_arithmetic3A_1880, %shift_left3A_1882 : vector<16xi32>
      %add3A_1884 = arith.addi %shift_left3A_1877, %shift_left3A_1883 : vector<16xi32>
      %and3A_1885 = arith.constant 7 : i32
      %and3A_1886 = vector.broadcast %and3A_1885 : i32 to vector<16xi32>
      %and3A_1887 = arith.andi %get3A_1868, %and3A_1886 : vector<16xi32>
      %shift_left3A_1888 = arith.constant 7 : i32
      %shift_left3A_1889 = vector.broadcast %shift_left3A_1888 : i32 to vector<16xi32>
      %shift_left3A_1890 = arith.shli %and3A_1887, %shift_left3A_1889 : vector<16xi32>
      %add3A_1891 = arith.addi %add3A_1884, %shift_left3A_1890 : vector<16xi32>
      %and3A_1892 = arith.constant 127 : i32
      %and3A_1893 = vector.broadcast %and3A_1892 : i32 to vector<16xi32>
      %and3A_1894 = arith.andi %add3A_1871, %and3A_1893 : vector<16xi32>
      %add3A_1895 = arith.addi %add3A_1891, %and3A_1894 : vector<16xi32>
      %swap3A_1896 = arith.constant 880 : index
      %swap3A_1897 = tpu.vector_load %arg5[%swap3A_1896] {strides = array<i32>} : memref<1024xi32, #tpu.memory_space<vmem>>, vector<16xi32>,
      %swap3A_1898 = vector.shape_cast %swap3A_1897 : vector<16xi32> to vector<16xi32>
      %swap3A_1899 = vector.shape_cast %add3A_1895 : vector<16xi32> to vector<16xi32>
      tpu.vector_store %arg5[%swap3A_1896], %swap3A_1899 {strides = array<i32>} : memref<1024xi32, #tpu.memory_space<vmem>>, vector<16xi32>,
      %get3A_1900 = arith.constant 896 : index
      %get3A_1901 = tpu.vector_load %arg5[%get3A_1900] {strides = array<i32>} : memref<1024xi32, #tpu.memory_space<vmem>>, vector<16xi32>,
      %get3A_1902 = vector.shape_cast %get3A_1901 : vector<16xi32> to vector<16xi32>
      %add3A_1903 = arith.constant 896 : i32
      %add3A_1904 = vector.broadcast %add3A_1903 : i32 to vector<16xi32>
      %add3A_1905 = arith.addi %add3A_1904, %iota3A : vector<16xi32>
      %shift_right_arithmetic3A_1906 = arith.constant 3 : i32
      %shift_right_arithmetic3A_1907 = vector.broadcast %shift_right_arithmetic3A_1906 : i32 to vector<16xi32>
      %shift_right_arithmetic3A_1908 = arith.shrsi %get3A_1902, %shift_right_arithmetic3A_1907 : vector<16xi32>
      %shift_left3A_1909 = arith.constant 13 : i32
      %shift_left3A_1910 = vector.broadcast %shift_left3A_1909 : i32 to vector<16xi32>
      %shift_left3A_1911 = arith.shli %shift_right_arithmetic3A_1908, %shift_left3A_1910 : vector<16xi32>
      %shift_right_arithmetic3A_1912 = arith.constant 7 : i32
      %shift_right_arithmetic3A_1913 = vector.broadcast %shift_right_arithmetic3A_1912 : i32 to vector<16xi32>
      %shift_right_arithmetic3A_1914 = arith.shrsi %add3A_1905, %shift_right_arithmetic3A_1913 : vector<16xi32>
      %shift_left3A_1915 = arith.constant 10 : i32
      %shift_left3A_1916 = vector.broadcast %shift_left3A_1915 : i32 to vector<16xi32>
      %shift_left3A_1917 = arith.shli %shift_right_arithmetic3A_1914, %shift_left3A_1916 : vector<16xi32>
      %add3A_1918 = arith.addi %shift_left3A_1911, %shift_left3A_1917 : vector<16xi32>
      %and3A_1919 = arith.constant 7 : i32
      %and3A_1920 = vector.broadcast %and3A_1919 : i32 to vector<16xi32>
      %and3A_1921 = arith.andi %get3A_1902, %and3A_1920 : vector<16xi32>
      %shift_left3A_1922 = arith.constant 7 : i32
      %shift_left3A_1923 = vector.broadcast %shift_left3A_1922 : i32 to vector<16xi32>
      %shift_left3A_1924 = arith.shli %and3A_1921, %shift_left3A_1923 : vector<16xi32>
      %add3A_1925 = arith.addi %add3A_1918, %shift_left3A_1924 : vector<16xi32>
      %and3A_1926 = arith.constant 127 : i32
      %and3A_1927 = vector.broadcast %and3A_1926 : i32 to vector<16xi32>
      %and3A_1928 = arith.andi %add3A_1905, %and3A_1927 : vector<16xi32>
      %add3A_1929 = arith.addi %add3A_1925, %and3A_1928 : vector<16xi32>
      %swap3A_1930 = arith.constant 896 : index
      %swap3A_1931 = tpu.vector_load %arg5[%swap3A_1930] {strides = array<i32>} : memref<1024xi32, #tpu.memory_space<vmem>>, vector<16xi32>,
      %swap3A_1932 = vector.shape_cast %swap3A_1931 : vector<16xi32> to vector<16xi32>
      %swap3A_1933 = vector.shape_cast %add3A_1929 : vector<16xi32> to vector<16xi32>
      tpu.vector_store %arg5[%swap3A_1930], %swap3A_1933 {strides = array<i32>} : memref<1024xi32, #tpu.memory_space<vmem>>, vector<16xi32>,
      %get3A_1934 = arith.constant 912 : index
      %get3A_1935 = tpu.vector_load %arg5[%get3A_1934] {strides = array<i32>} : memref<1024xi32, #tpu.memory_space<vmem>>, vector<16xi32>,
      %get3A_1936 = vector.shape_cast %get3A_1935 : vector<16xi32> to vector<16xi32>
      %add3A_1937 = arith.constant 912 : i32
      %add3A_1938 = vector.broadcast %add3A_1937 : i32 to vector<16xi32>
      %add3A_1939 = arith.addi %add3A_1938, %iota3A : vector<16xi32>
      %shift_right_arithmetic3A_1940 = arith.constant 3 : i32
      %shift_right_arithmetic3A_1941 = vector.broadcast %shift_right_arithmetic3A_1940 : i32 to vector<16xi32>
      %shift_right_arithmetic3A_1942 = arith.shrsi %get3A_1936, %shift_right_arithmetic3A_1941 : vector<16xi32>
      %shift_left3A_1943 = arith.constant 13 : i32
      %shift_left3A_1944 = vector.broadcast %shift_left3A_1943 : i32 to vector<16xi32>
      %shift_left3A_1945 = arith.shli %shift_right_arithmetic3A_1942, %shift_left3A_1944 : vector<16xi32>
      %shift_right_arithmetic3A_1946 = arith.constant 7 : i32
      %shift_right_arithmetic3A_1947 = vector.broadcast %shift_right_arithmetic3A_1946 : i32 to vector<16xi32>
      %shift_right_arithmetic3A_1948 = arith.shrsi %add3A_1939, %shift_right_arithmetic3A_1947 : vector<16xi32>
      %shift_left3A_1949 = arith.constant 10 : i32
      %shift_left3A_1950 = vector.broadcast %shift_left3A_1949 : i32 to vector<16xi32>
      %shift_left3A_1951 = arith.shli %shift_right_arithmetic3A_1948, %shift_left3A_1950 : vector<16xi32>
      %add3A_1952 = arith.addi %shift_left3A_1945, %shift_left3A_1951 : vector<16xi32>
      %and3A_1953 = arith.constant 7 : i32
      %and3A_1954 = vector.broadcast %and3A_1953 : i32 to vector<16xi32>
      %and3A_1955 = arith.andi %get3A_1936, %and3A_1954 : vector<16xi32>
      %shift_left3A_1956 = arith.constant 7 : i32
      %shift_left3A_1957 = vector.broadcast %shift_left3A_1956 : i32 to vector<16xi32>
      %shift_left3A_1958 = arith.shli %and3A_1955, %shift_left3A_1957 : vector<16xi32>
      %add3A_1959 = arith.addi %add3A_1952, %shift_left3A_1958 : vector<16xi32>
      %and3A_1960 = arith.constant 127 : i32
      %and3A_1961 = vector.broadcast %and3A_1960 : i32 to vector<16xi32>
      %and3A_1962 = arith.andi %add3A_1939, %and3A_1961 : vector<16xi32>
      %add3A_1963 = arith.addi %add3A_1959, %and3A_1962 : vector<16xi32>
      %swap3A_1964 = arith.constant 912 : index
      %swap3A_1965 = tpu.vector_load %arg5[%swap3A_1964] {strides = array<i32>} : memref<1024xi32, #tpu.memory_space<vmem>>, vector<16xi32>,
      %swap3A_1966 = vector.shape_cast %swap3A_1965 : vector<16xi32> to vector<16xi32>
      %swap3A_1967 = vector.shape_cast %add3A_1963 : vector<16xi32> to vector<16xi32>
      tpu.vector_store %arg5[%swap3A_1964], %swap3A_1967 {strides = array<i32>} : memref<1024xi32, #tpu.memory_space<vmem>>, vector<16xi32>,
      %get3A_1968 = arith.constant 928 : index
      %get3A_1969 = tpu.vector_load %arg5[%get3A_1968] {strides = array<i32>} : memref<1024xi32, #tpu.memory_space<vmem>>, vector<16xi32>,
      %get3A_1970 = vector.shape_cast %get3A_1969 : vector<16xi32> to vector<16xi32>
      %add3A_1971 = arith.constant 928 : i32
      %add3A_1972 = vector.broadcast %add3A_1971 : i32 to vector<16xi32>
      %add3A_1973 = arith.addi %add3A_1972, %iota3A : vector<16xi32>
      %shift_right_arithmetic3A_1974 = arith.constant 3 : i32
      %shift_right_arithmetic3A_1975 = vector.broadcast %shift_right_arithmetic3A_1974 : i32 to vector<16xi32>
      %shift_right_arithmetic3A_1976 = arith.shrsi %get3A_1970, %shift_right_arithmetic3A_1975 : vector<16xi32>
      %shift_left3A_1977 = arith.constant 13 : i32
      %shift_left3A_1978 = vector.broadcast %shift_left3A_1977 : i32 to vector<16xi32>
      %shift_left3A_1979 = arith.shli %shift_right_arithmetic3A_1976, %shift_left3A_1978 : vector<16xi32>
      %shift_right_arithmetic3A_1980 = arith.constant 7 : i32
      %shift_right_arithmetic3A_1981 = vector.broadcast %shift_right_arithmetic3A_1980 : i32 to vector<16xi32>
      %shift_right_arithmetic3A_1982 = arith.shrsi %add3A_1973, %shift_right_arithmetic3A_1981 : vector<16xi32>
      %shift_left3A_1983 = arith.constant 10 : i32
      %shift_left3A_1984 = vector.broadcast %shift_left3A_1983 : i32 to vector<16xi32>
      %shift_left3A_1985 = arith.shli %shift_right_arithmetic3A_1982, %shift_left3A_1984 : vector<16xi32>
      %add3A_1986 = arith.addi %shift_left3A_1979, %shift_left3A_1985 : vector<16xi32>
      %and3A_1987 = arith.constant 7 : i32
      %and3A_1988 = vector.broadcast %and3A_1987 : i32 to vector<16xi32>
      %and3A_1989 = arith.andi %get3A_1970, %and3A_1988 : vector<16xi32>
      %shift_left3A_1990 = arith.constant 7 : i32
      %shift_left3A_1991 = vector.broadcast %shift_left3A_1990 : i32 to vector<16xi32>
      %shift_left3A_1992 = arith.shli %and3A_1989, %shift_left3A_1991 : vector<16xi32>
      %add3A_1993 = arith.addi %add3A_1986, %shift_left3A_1992 : vector<16xi32>
      %and3A_1994 = arith.constant 127 : i32
      %and3A_1995 = vector.broadcast %and3A_1994 : i32 to vector<16xi32>
      %and3A_1996 = arith.andi %add3A_1973, %and3A_1995 : vector<16xi32>
      %add3A_1997 = arith.addi %add3A_1993, %and3A_1996 : vector<16xi32>
      %swap3A_1998 = arith.constant 928 : index
      %swap3A_1999 = tpu.vector_load %arg5[%swap3A_1998] {strides = array<i32>} : memref<1024xi32, #tpu.memory_space<vmem>>, vector<16xi32>,
      %swap3A_2000 = vector.shape_cast %swap3A_1999 : vector<16xi32> to vector<16xi32>
      %swap3A_2001 = vector.shape_cast %add3A_1997 : vector<16xi32> to vector<16xi32>
      tpu.vector_store %arg5[%swap3A_1998], %swap3A_2001 {strides = array<i32>} : memref<1024xi32, #tpu.memory_space<vmem>>, vector<16xi32>,
      %get3A_2002 = arith.constant 944 : index
      %get3A_2003 = tpu.vector_load %arg5[%get3A_2002] {strides = array<i32>} : memref<1024xi32, #tpu.memory_space<vmem>>, vector<16xi32>,
      %get3A_2004 = vector.shape_cast %get3A_2003 : vector<16xi32> to vector<16xi32>
      %add3A_2005 = arith.constant 944 : i32
      %add3A_2006 = vector.broadcast %add3A_2005 : i32 to vector<16xi32>
      %add3A_2007 = arith.addi %add3A_2006, %iota3A : vector<16xi32>
      %shift_right_arithmetic3A_2008 = arith.constant 3 : i32
      %shift_right_arithmetic3A_2009 = vector.broadcast %shift_right_arithmetic3A_2008 : i32 to vector<16xi32>
      %shift_right_arithmetic3A_2010 = arith.shrsi %get3A_2004, %shift_right_arithmetic3A_2009 : vector<16xi32>
      %shift_left3A_2011 = arith.constant 13 : i32
      %shift_left3A_2012 = vector.broadcast %shift_left3A_2011 : i32 to vector<16xi32>
      %shift_left3A_2013 = arith.shli %shift_right_arithmetic3A_2010, %shift_left3A_2012 : vector<16xi32>
      %shift_right_arithmetic3A_2014 = arith.constant 7 : i32
      %shift_right_arithmetic3A_2015 = vector.broadcast %shift_right_arithmetic3A_2014 : i32 to vector<16xi32>
      %shift_right_arithmetic3A_2016 = arith.shrsi %add3A_2007, %shift_right_arithmetic3A_2015 : vector<16xi32>
      %shift_left3A_2017 = arith.constant 10 : i32
      %shift_left3A_2018 = vector.broadcast %shift_left3A_2017 : i32 to vector<16xi32>
      %shift_left3A_2019 = arith.shli %shift_right_arithmetic3A_2016, %shift_left3A_2018 : vector<16xi32>
      %add3A_2020 = arith.addi %shift_left3A_2013, %shift_left3A_2019 : vector<16xi32>
      %and3A_2021 = arith.constant 7 : i32
      %and3A_2022 = vector.broadcast %and3A_2021 : i32 to vector<16xi32>
      %and3A_2023 = arith.andi %get3A_2004, %and3A_2022 : vector<16xi32>
      %shift_left3A_2024 = arith.constant 7 : i32
      %shift_left3A_2025 = vector.broadcast %shift_left3A_2024 : i32 to vector<16xi32>
      %shift_left3A_2026 = arith.shli %and3A_2023, %shift_left3A_2025 : vector<16xi32>
      %add3A_2027 = arith.addi %add3A_2020, %shift_left3A_2026 : vector<16xi32>
      %and3A_2028 = arith.constant 127 : i32
      %and3A_2029 = vector.broadcast %and3A_2028 : i32 to vector<16xi32>
      %and3A_2030 = arith.andi %add3A_2007, %and3A_2029 : vector<16xi32>
      %add3A_2031 = arith.addi %add3A_2027, %and3A_2030 : vector<16xi32>
      %swap3A_2032 = arith.constant 944 : index
      %swap3A_2033 = tpu.vector_load %arg5[%swap3A_2032] {strides = array<i32>} : memref<1024xi32, #tpu.memory_space<vmem>>, vector<16xi32>,
      %swap3A_2034 = vector.shape_cast %swap3A_2033 : vector<16xi32> to vector<16xi32>
      %swap3A_2035 = vector.shape_cast %add3A_2031 : vector<16xi32> to vector<16xi32>
      tpu.vector_store %arg5[%swap3A_2032], %swap3A_2035 {strides = array<i32>} : memref<1024xi32, #tpu.memory_space<vmem>>, vector<16xi32>,
      %get3A_2036 = arith.constant 960 : index
      %get3A_2037 = tpu.vector_load %arg5[%get3A_2036] {strides = array<i32>} : memref<1024xi32, #tpu.memory_space<vmem>>, vector<16xi32>,
      %get3A_2038 = vector.shape_cast %get3A_2037 : vector<16xi32> to vector<16xi32>
      %add3A_2039 = arith.constant 960 : i32
      %add3A_2040 = vector.broadcast %add3A_2039 : i32 to vector<16xi32>
      %add3A_2041 = arith.addi %add3A_2040, %iota3A : vector<16xi32>
      %shift_right_arithmetic3A_2042 = arith.constant 3 : i32
      %shift_right_arithmetic3A_2043 = vector.broadcast %shift_right_arithmetic3A_2042 : i32 to vector<16xi32>
      %shift_right_arithmetic3A_2044 = arith.shrsi %get3A_2038, %shift_right_arithmetic3A_2043 : vector<16xi32>
      %shift_left3A_2045 = arith.constant 13 : i32
      %shift_left3A_2046 = vector.broadcast %shift_left3A_2045 : i32 to vector<16xi32>
      %shift_left3A_2047 = arith.shli %shift_right_arithmetic3A_2044, %shift_left3A_2046 : vector<16xi32>
      %shift_right_arithmetic3A_2048 = arith.constant 7 : i32
      %shift_right_arithmetic3A_2049 = vector.broadcast %shift_right_arithmetic3A_2048 : i32 to vector<16xi32>
      %shift_right_arithmetic3A_2050 = arith.shrsi %add3A_2041, %shift_right_arithmetic3A_2049 : vector<16xi32>
      %shift_left3A_2051 = arith.constant 10 : i32
      %shift_left3A_2052 = vector.broadcast %shift_left3A_2051 : i32 to vector<16xi32>
      %shift_left3A_2053 = arith.shli %shift_right_arithmetic3A_2050, %shift_left3A_2052 : vector<16xi32>
      %add3A_2054 = arith.addi %shift_left3A_2047, %shift_left3A_2053 : vector<16xi32>
      %and3A_2055 = arith.constant 7 : i32
      %and3A_2056 = vector.broadcast %and3A_2055 : i32 to vector<16xi32>
      %and3A_2057 = arith.andi %get3A_2038, %and3A_2056 : vector<16xi32>
      %shift_left3A_2058 = arith.constant 7 : i32
      %shift_left3A_2059 = vector.broadcast %shift_left3A_2058 : i32 to vector<16xi32>
      %shift_left3A_2060 = arith.shli %and3A_2057, %shift_left3A_2059 : vector<16xi32>
      %add3A_2061 = arith.addi %add3A_2054, %shift_left3A_2060 : vector<16xi32>
      %and3A_2062 = arith.constant 127 : i32
      %and3A_2063 = vector.broadcast %and3A_2062 : i32 to vector<16xi32>
      %and3A_2064 = arith.andi %add3A_2041, %and3A_2063 : vector<16xi32>
      %add3A_2065 = arith.addi %add3A_2061, %and3A_2064 : vector<16xi32>
      %swap3A_2066 = arith.constant 960 : index
      %swap3A_2067 = tpu.vector_load %arg5[%swap3A_2066] {strides = array<i32>} : memref<1024xi32, #tpu.memory_space<vmem>>, vector<16xi32>,
      %swap3A_2068 = vector.shape_cast %swap3A_2067 : vector<16xi32> to vector<16xi32>
      %swap3A_2069 = vector.shape_cast %add3A_2065 : vector<16xi32> to vector<16xi32>
      tpu.vector_store %arg5[%swap3A_2066], %swap3A_2069 {strides = array<i32>} : memref<1024xi32, #tpu.memory_space<vmem>>, vector<16xi32>,
      %get3A_2070 = arith.constant 976 : index
      %get3A_2071 = tpu.vector_load %arg5[%get3A_2070] {strides = array<i32>} : memref<1024xi32, #tpu.memory_space<vmem>>, vector<16xi32>,
      %get3A_2072 = vector.shape_cast %get3A_2071 : vector<16xi32> to vector<16xi32>
      %add3A_2073 = arith.constant 976 : i32
      %add3A_2074 = vector.broadcast %add3A_2073 : i32 to vector<16xi32>
      %add3A_2075 = arith.addi %add3A_2074, %iota3A : vector<16xi32>
      %shift_right_arithmetic3A_2076 = arith.constant 3 : i32
      %shift_right_arithmetic3A_2077 = vector.broadcast %shift_right_arithmetic3A_2076 : i32 to vector<16xi32>
      %shift_right_arithmetic3A_2078 = arith.shrsi %get3A_2072, %shift_right_arithmetic3A_2077 : vector<16xi32>
      %shift_left3A_2079 = arith.constant 13 : i32
      %shift_left3A_2080 = vector.broadcast %shift_left3A_2079 : i32 to vector<16xi32>
      %shift_left3A_2081 = arith.shli %shift_right_arithmetic3A_2078, %shift_left3A_2080 : vector<16xi32>
      %shift_right_arithmetic3A_2082 = arith.constant 7 : i32
      %shift_right_arithmetic3A_2083 = vector.broadcast %shift_right_arithmetic3A_2082 : i32 to vector<16xi32>
      %shift_right_arithmetic3A_2084 = arith.shrsi %add3A_2075, %shift_right_arithmetic3A_2083 : vector<16xi32>
      %shift_left3A_2085 = arith.constant 10 : i32
      %shift_left3A_2086 = vector.broadcast %shift_left3A_2085 : i32 to vector<16xi32>
      %shift_left3A_2087 = arith.shli %shift_right_arithmetic3A_2084, %shift_left3A_2086 : vector<16xi32>
      %add3A_2088 = arith.addi %shift_left3A_2081, %shift_left3A_2087 : vector<16xi32>
      %and3A_2089 = arith.constant 7 : i32
      %and3A_2090 = vector.broadcast %and3A_2089 : i32 to vector<16xi32>
      %and3A_2091 = arith.andi %get3A_2072, %and3A_2090 : vector<16xi32>
      %shift_left3A_2092 = arith.constant 7 : i32
      %shift_left3A_2093 = vector.broadcast %shift_left3A_2092 : i32 to vector<16xi32>
      %shift_left3A_2094 = arith.shli %and3A_2091, %shift_left3A_2093 : vector<16xi32>
      %add3A_2095 = arith.addi %add3A_2088, %shift_left3A_2094 : vector<16xi32>
      %and3A_2096 = arith.constant 127 : i32
      %and3A_2097 = vector.broadcast %and3A_2096 : i32 to vector<16xi32>
      %and3A_2098 = arith.andi %add3A_2075, %and3A_2097 : vector<16xi32>
      %add3A_2099 = arith.addi %add3A_2095, %and3A_2098 : vector<16xi32>
      %swap3A_2100 = arith.constant 976 : index
      %swap3A_2101 = tpu.vector_load %arg5[%swap3A_2100] {strides = array<i32>} : memref<1024xi32, #tpu.memory_space<vmem>>, vector<16xi32>,
      %swap3A_2102 = vector.shape_cast %swap3A_2101 : vector<16xi32> to vector<16xi32>
      %swap3A_2103 = vector.shape_cast %add3A_2099 : vector<16xi32> to vector<16xi32>
      tpu.vector_store %arg5[%swap3A_2100], %swap3A_2103 {strides = array<i32>} : memref<1024xi32, #tpu.memory_space<vmem>>, vector<16xi32>,
      %get3A_2104 = arith.constant 992 : index
      %get3A_2105 = tpu.vector_load %arg5[%get3A_2104] {strides = array<i32>} : memref<1024xi32, #tpu.memory_space<vmem>>, vector<16xi32>,
      %get3A_2106 = vector.shape_cast %get3A_2105 : vector<16xi32> to vector<16xi32>
      %add3A_2107 = arith.constant 992 : i32
      %add3A_2108 = vector.broadcast %add3A_2107 : i32 to vector<16xi32>
      %add3A_2109 = arith.addi %add3A_2108, %iota3A : vector<16xi32>
      %shift_right_arithmetic3A_2110 = arith.constant 3 : i32
      %shift_right_arithmetic3A_2111 = vector.broadcast %shift_right_arithmetic3A_2110 : i32 to vector<16xi32>
      %shift_right_arithmetic3A_2112 = arith.shrsi %get3A_2106, %shift_right_arithmetic3A_2111 : vector<16xi32>
      %shift_left3A_2113 = arith.constant 13 : i32
      %shift_left3A_2114 = vector.broadcast %shift_left3A_2113 : i32 to vector<16xi32>
      %shift_left3A_2115 = arith.shli %shift_right_arithmetic3A_2112, %shift_left3A_2114 : vector<16xi32>
      %shift_right_arithmetic3A_2116 = arith.constant 7 : i32
      %shift_right_arithmetic3A_2117 = vector.broadcast %shift_right_arithmetic3A_2116 : i32 to vector<16xi32>
      %shift_right_arithmetic3A_2118 = arith.shrsi %add3A_2109, %shift_right_arithmetic3A_2117 : vector<16xi32>
      %shift_left3A_2119 = arith.constant 10 : i32
      %shift_left3A_2120 = vector.broadcast %shift_left3A_2119 : i32 to vector<16xi32>
      %shift_left3A_2121 = arith.shli %shift_right_arithmetic3A_2118, %shift_left3A_2120 : vector<16xi32>
      %add3A_2122 = arith.addi %shift_left3A_2115, %shift_left3A_2121 : vector<16xi32>
      %and3A_2123 = arith.constant 7 : i32
      %and3A_2124 = vector.broadcast %and3A_2123 : i32 to vector<16xi32>
      %and3A_2125 = arith.andi %get3A_2106, %and3A_2124 : vector<16xi32>
      %shift_left3A_2126 = arith.constant 7 : i32
      %shift_left3A_2127 = vector.broadcast %shift_left3A_2126 : i32 to vector<16xi32>
      %shift_left3A_2128 = arith.shli %and3A_2125, %shift_left3A_2127 : vector<16xi32>
      %add3A_2129 = arith.addi %add3A_2122, %shift_left3A_2128 : vector<16xi32>
      %and3A_2130 = arith.constant 127 : i32
      %and3A_2131 = vector.broadcast %and3A_2130 : i32 to vector<16xi32>
      %and3A_2132 = arith.andi %add3A_2109, %and3A_2131 : vector<16xi32>
      %add3A_2133 = arith.addi %add3A_2129, %and3A_2132 : vector<16xi32>
      %swap3A_2134 = arith.constant 992 : index
      %swap3A_2135 = tpu.vector_load %arg5[%swap3A_2134] {strides = array<i32>} : memref<1024xi32, #tpu.memory_space<vmem>>, vector<16xi32>,
      %swap3A_2136 = vector.shape_cast %swap3A_2135 : vector<16xi32> to vector<16xi32>
      %swap3A_2137 = vector.shape_cast %add3A_2133 : vector<16xi32> to vector<16xi32>
      tpu.vector_store %arg5[%swap3A_2134], %swap3A_2137 {strides = array<i32>} : memref<1024xi32, #tpu.memory_space<vmem>>, vector<16xi32>,
      %get3A_2138 = arith.constant 1008 : index
      %get3A_2139 = tpu.vector_load %arg5[%get3A_2138] {strides = array<i32>} : memref<1024xi32, #tpu.memory_space<vmem>>, vector<16xi32>,
      %get3A_2140 = vector.shape_cast %get3A_2139 : vector<16xi32> to vector<16xi32>
      %add3A_2141 = arith.constant 1008 : i32
      %add3A_2142 = vector.broadcast %add3A_2141 : i32 to vector<16xi32>
      %add3A_2143 = arith.addi %add3A_2142, %iota3A : vector<16xi32>
      %shift_right_arithmetic3A_2144 = arith.constant 3 : i32
      %shift_right_arithmetic3A_2145 = vector.broadcast %shift_right_arithmetic3A_2144 : i32 to vector<16xi32>
      %shift_right_arithmetic3A_2146 = arith.shrsi %get3A_2140, %shift_right_arithmetic3A_2145 : vector<16xi32>
      %shift_left3A_2147 = arith.constant 13 : i32
      %shift_left3A_2148 = vector.broadcast %shift_left3A_2147 : i32 to vector<16xi32>
      %shift_left3A_2149 = arith.shli %shift_right_arithmetic3A_2146, %shift_left3A_2148 : vector<16xi32>
      %shift_right_arithmetic3A_2150 = arith.constant 7 : i32
      %shift_right_arithmetic3A_2151 = vector.broadcast %shift_right_arithmetic3A_2150 : i32 to vector<16xi32>
      %shift_right_arithmetic3A_2152 = arith.shrsi %add3A_2143, %shift_right_arithmetic3A_2151 : vector<16xi32>
      %shift_left3A_2153 = arith.constant 10 : i32
      %shift_left3A_2154 = vector.broadcast %shift_left3A_2153 : i32 to vector<16xi32>
      %shift_left3A_2155 = arith.shli %shift_right_arithmetic3A_2152, %shift_left3A_2154 : vector<16xi32>
      %add3A_2156 = arith.addi %shift_left3A_2149, %shift_left3A_2155 : vector<16xi32>
      %and3A_2157 = arith.constant 7 : i32
      %and3A_2158 = vector.broadcast %and3A_2157 : i32 to vector<16xi32>
      %and3A_2159 = arith.andi %get3A_2140, %and3A_2158 : vector<16xi32>
      %shift_left3A_2160 = arith.constant 7 : i32
      %shift_left3A_2161 = vector.broadcast %shift_left3A_2160 : i32 to vector<16xi32>
      %shift_left3A_2162 = arith.shli %and3A_2159, %shift_left3A_2161 : vector<16xi32>
      %add3A_2163 = arith.addi %add3A_2156, %shift_left3A_2162 : vector<16xi32>
      %and3A_2164 = arith.constant 127 : i32
      %and3A_2165 = vector.broadcast %and3A_2164 : i32 to vector<16xi32>
      %and3A_2166 = arith.andi %add3A_2143, %and3A_2165 : vector<16xi32>
      %add3A_2167 = arith.addi %add3A_2163, %and3A_2166 : vector<16xi32>
      %swap3A_2168 = arith.constant 1008 : index
      %swap3A_2169 = tpu.vector_load %arg5[%swap3A_2168] {strides = array<i32>} : memref<1024xi32, #tpu.memory_space<vmem>>, vector<16xi32>,
      %swap3A_2170 = vector.shape_cast %swap3A_2169 : vector<16xi32> to vector<16xi32>
      %swap3A_2171 = vector.shape_cast %add3A_2167 : vector<16xi32> to vector<16xi32>
      tpu.vector_store %arg5[%swap3A_2168], %swap3A_2171 {strides = array<i32>} : memref<1024xi32, #tpu.memory_space<vmem>>, vector<16xi32>,
      %dma_start3A = arith.constant 0 : i32
      %dma_start3A_2172 = tpu.memref_slice %arg6[%dma_start3A] : memref<1024xf32, #tpu.memory_space<vmem>> -> memref<128xf32, #tpu.memory_space<vmem>>
      %dma_start3A_2173 = arith.constant 0 : i32
      %dma_start3A_2174 = tpu.memref_slice %arg5[%dma_start3A_2173] : memref<1024xi32, #tpu.memory_space<vmem>> -> memref<128xi32, #tpu.memory_space<vmem>>
      %dma_start3A_2175 = arith.constant 0 : i32
      %dma_start3A_2176 = tpu.memref_slice %arg2[%dma_start3A_2175] : memref<102400000xf32, #tpu.memory_space<hbm>> -> memref<102400000xf32, #tpu.memory_space<hbm>>
      tpu.enqueue_indirect_dma source(%dma_start3A_2176 : memref<102400000xf32, #tpu.memory_space<hbm>>) target(%dma_start3A_2172 : memref<128xf32, #tpu.memory_space<vmem>>) offsets(%dma_start3A_2174 : memref<128xi32, #tpu.memory_space<vmem>>) semaphore(%arg7 : memref<!tpu.dma_semaphore, #tpu.memory_space<semaphore_mem>>)
      %dma_start3A_2177 = arith.constant 128 : i32
      %dma_start3A_2178 = tpu.memref_slice %arg6[%dma_start3A_2177] : memref<1024xf32, #tpu.memory_space<vmem>> -> memref<128xf32, #tpu.memory_space<vmem>>
      %dma_start3A_2179 = arith.constant 128 : i32
      %dma_start3A_2180 = tpu.memref_slice %arg5[%dma_start3A_2179] : memref<1024xi32, #tpu.memory_space<vmem>> -> memref<128xi32, #tpu.memory_space<vmem>>
      %dma_start3A_2181 = arith.constant 0 : i32
      %dma_start3A_2182 = tpu.memref_slice %arg2[%dma_start3A_2181] : memref<102400000xf32, #tpu.memory_space<hbm>> -> memref<102400000xf32, #tpu.memory_space<hbm>>
      tpu.enqueue_indirect_dma source(%dma_start3A_2182 : memref<102400000xf32, #tpu.memory_space<hbm>>) target(%dma_start3A_2178 : memref<128xf32, #tpu.memory_space<vmem>>) offsets(%dma_start3A_2180 : memref<128xi32, #tpu.memory_space<vmem>>) semaphore(%arg7 : memref<!tpu.dma_semaphore, #tpu.memory_space<semaphore_mem>>)
      %dma_start3A_2183 = arith.constant 256 : i32
      %dma_start3A_2184 = tpu.memref_slice %arg6[%dma_start3A_2183] : memref<1024xf32, #tpu.memory_space<vmem>> -> memref<128xf32, #tpu.memory_space<vmem>>
      %dma_start3A_2185 = arith.constant 256 : i32
      %dma_start3A_2186 = tpu.memref_slice %arg5[%dma_start3A_2185] : memref<1024xi32, #tpu.memory_space<vmem>> -> memref<128xi32, #tpu.memory_space<vmem>>
      %dma_start3A_2187 = arith.constant 0 : i32
      %dma_start3A_2188 = tpu.memref_slice %arg2[%dma_start3A_2187] : memref<102400000xf32, #tpu.memory_space<hbm>> -> memref<102400000xf32, #tpu.memory_space<hbm>>
      tpu.enqueue_indirect_dma source(%dma_start3A_2188 : memref<102400000xf32, #tpu.memory_space<hbm>>) target(%dma_start3A_2184 : memref<128xf32, #tpu.memory_space<vmem>>) offsets(%dma_start3A_2186 : memref<128xi32, #tpu.memory_space<vmem>>) semaphore(%arg7 : memref<!tpu.dma_semaphore, #tpu.memory_space<semaphore_mem>>)
      %dma_start3A_2189 = arith.constant 384 : i32
      %dma_start3A_2190 = tpu.memref_slice %arg6[%dma_start3A_2189] : memref<1024xf32, #tpu.memory_space<vmem>> -> memref<128xf32, #tpu.memory_space<vmem>>
      %dma_start3A_2191 = arith.constant 384 : i32
      %dma_start3A_2192 = tpu.memref_slice %arg5[%dma_start3A_2191] : memref<1024xi32, #tpu.memory_space<vmem>> -> memref<128xi32, #tpu.memory_space<vmem>>
      %dma_start3A_2193 = arith.constant 0 : i32
      %dma_start3A_2194 = tpu.memref_slice %arg2[%dma_start3A_2193] : memref<102400000xf32, #tpu.memory_space<hbm>> -> memref<102400000xf32, #tpu.memory_space<hbm>>
      tpu.enqueue_indirect_dma source(%dma_start3A_2194 : memref<102400000xf32, #tpu.memory_space<hbm>>) target(%dma_start3A_2190 : memref<128xf32, #tpu.memory_space<vmem>>) offsets(%dma_start3A_2192 : memref<128xi32, #tpu.memory_space<vmem>>) semaphore(%arg7 : memref<!tpu.dma_semaphore, #tpu.memory_space<semaphore_mem>>)
      %dma_start3A_2195 = arith.constant 512 : i32
      %dma_start3A_2196 = tpu.memref_slice %arg6[%dma_start3A_2195] : memref<1024xf32, #tpu.memory_space<vmem>> -> memref<128xf32, #tpu.memory_space<vmem>>
      %dma_start3A_2197 = arith.constant 512 : i32
      %dma_start3A_2198 = tpu.memref_slice %arg5[%dma_start3A_2197] : memref<1024xi32, #tpu.memory_space<vmem>> -> memref<128xi32, #tpu.memory_space<vmem>>
      %dma_start3A_2199 = arith.constant 0 : i32
      %dma_start3A_2200 = tpu.memref_slice %arg2[%dma_start3A_2199] : memref<102400000xf32, #tpu.memory_space<hbm>> -> memref<102400000xf32, #tpu.memory_space<hbm>>
      tpu.enqueue_indirect_dma source(%dma_start3A_2200 : memref<102400000xf32, #tpu.memory_space<hbm>>) target(%dma_start3A_2196 : memref<128xf32, #tpu.memory_space<vmem>>) offsets(%dma_start3A_2198 : memref<128xi32, #tpu.memory_space<vmem>>) semaphore(%arg7 : memref<!tpu.dma_semaphore, #tpu.memory_space<semaphore_mem>>)
      %dma_start3A_2201 = arith.constant 640 : i32
      %dma_start3A_2202 = tpu.memref_slice %arg6[%dma_start3A_2201] : memref<1024xf32, #tpu.memory_space<vmem>> -> memref<128xf32, #tpu.memory_space<vmem>>
      %dma_start3A_2203 = arith.constant 640 : i32
      %dma_start3A_2204 = tpu.memref_slice %arg5[%dma_start3A_2203] : memref<1024xi32, #tpu.memory_space<vmem>> -> memref<128xi32, #tpu.memory_space<vmem>>
      %dma_start3A_2205 = arith.constant 0 : i32
      %dma_start3A_2206 = tpu.memref_slice %arg2[%dma_start3A_2205] : memref<102400000xf32, #tpu.memory_space<hbm>> -> memref<102400000xf32, #tpu.memory_space<hbm>>
      tpu.enqueue_indirect_dma source(%dma_start3A_2206 : memref<102400000xf32, #tpu.memory_space<hbm>>) target(%dma_start3A_2202 : memref<128xf32, #tpu.memory_space<vmem>>) offsets(%dma_start3A_2204 : memref<128xi32, #tpu.memory_space<vmem>>) semaphore(%arg7 : memref<!tpu.dma_semaphore, #tpu.memory_space<semaphore_mem>>)
      %dma_start3A_2207 = arith.constant 768 : i32
      %dma_start3A_2208 = tpu.memref_slice %arg6[%dma_start3A_2207] : memref<1024xf32, #tpu.memory_space<vmem>> -> memref<128xf32, #tpu.memory_space<vmem>>
      %dma_start3A_2209 = arith.constant 768 : i32
      %dma_start3A_2210 = tpu.memref_slice %arg5[%dma_start3A_2209] : memref<1024xi32, #tpu.memory_space<vmem>> -> memref<128xi32, #tpu.memory_space<vmem>>
      %dma_start3A_2211 = arith.constant 0 : i32
      %dma_start3A_2212 = tpu.memref_slice %arg2[%dma_start3A_2211] : memref<102400000xf32, #tpu.memory_space<hbm>> -> memref<102400000xf32, #tpu.memory_space<hbm>>
      tpu.enqueue_indirect_dma source(%dma_start3A_2212 : memref<102400000xf32, #tpu.memory_space<hbm>>) target(%dma_start3A_2208 : memref<128xf32, #tpu.memory_space<vmem>>) offsets(%dma_start3A_2210 : memref<128xi32, #tpu.memory_space<vmem>>) semaphore(%arg7 : memref<!tpu.dma_semaphore, #tpu.memory_space<semaphore_mem>>)
      %dma_start3A_2213 = arith.constant 896 : i32
      %dma_start3A_2214 = tpu.memref_slice %arg6[%dma_start3A_2213] : memref<1024xf32, #tpu.memory_space<vmem>> -> memref<128xf32, #tpu.memory_space<vmem>>
      %dma_start3A_2215 = arith.constant 896 : i32
      %dma_start3A_2216 = tpu.memref_slice %arg5[%dma_start3A_2215] : memref<1024xi32, #tpu.memory_space<vmem>> -> memref<128xi32, #tpu.memory_space<vmem>>
      %dma_start3A_2217 = arith.constant 0 : i32
      %dma_start3A_2218 = tpu.memref_slice %arg2[%dma_start3A_2217] : memref<102400000xf32, #tpu.memory_space<hbm>> -> memref<102400000xf32, #tpu.memory_space<hbm>>
      tpu.enqueue_indirect_dma source(%dma_start3A_2218 : memref<102400000xf32, #tpu.memory_space<hbm>>) target(%dma_start3A_2214 : memref<128xf32, #tpu.memory_space<vmem>>) offsets(%dma_start3A_2216 : memref<128xi32, #tpu.memory_space<vmem>>) semaphore(%arg7 : memref<!tpu.dma_semaphore, #tpu.memory_space<semaphore_mem>>)
      %dma_wait3A = arith.constant 0 : i32
      %dma_wait3A_2219 = tpu.memref_slice %arg6[%dma_wait3A] : memref<1024xf32, #tpu.memory_space<vmem>> -> memref<128xf32, #tpu.memory_space<vmem>>
      %dma_wait3A_2220 = arith.constant 0 : i32
      %dma_wait3A_2221 = tpu.memref_slice %arg5[%dma_wait3A_2220] : memref<1024xi32, #tpu.memory_space<vmem>> -> memref<128xi32, #tpu.memory_space<vmem>>
      %dma_wait3A_2222 = arith.constant 0 : i32
      %dma_wait3A_2223 = tpu.memref_slice %arg2[%dma_wait3A_2222] : memref<102400000xf32, #tpu.memory_space<hbm>> -> memref<102400000xf32, #tpu.memory_space<hbm>>
      tpu.wait_indirect_dma semaphore(%arg7 : memref<!tpu.dma_semaphore, #tpu.memory_space<semaphore_mem>>) src(%dma_wait3A_2223 : memref<102400000xf32, #tpu.memory_space<hbm>>) dst(%dma_wait3A_2219 : memref<128xf32, #tpu.memory_space<vmem>>)
      %dma_wait3A_2224 = arith.constant 128 : i32
      %dma_wait3A_2225 = tpu.memref_slice %arg6[%dma_wait3A_2224] : memref<1024xf32, #tpu.memory_space<vmem>> -> memref<128xf32, #tpu.memory_space<vmem>>
      %dma_wait3A_2226 = arith.constant 128 : i32
      %dma_wait3A_2227 = tpu.memref_slice %arg5[%dma_wait3A_2226] : memref<1024xi32, #tpu.memory_space<vmem>> -> memref<128xi32, #tpu.memory_space<vmem>>
      %dma_wait3A_2228 = arith.constant 0 : i32
      %dma_wait3A_2229 = tpu.memref_slice %arg2[%dma_wait3A_2228] : memref<102400000xf32, #tpu.memory_space<hbm>> -> memref<102400000xf32, #tpu.memory_space<hbm>>
      tpu.wait_indirect_dma semaphore(%arg7 : memref<!tpu.dma_semaphore, #tpu.memory_space<semaphore_mem>>) src(%dma_wait3A_2229 : memref<102400000xf32, #tpu.memory_space<hbm>>) dst(%dma_wait3A_2225 : memref<128xf32, #tpu.memory_space<vmem>>)
      %dma_wait3A_2230 = arith.constant 256 : i32
      %dma_wait3A_2231 = tpu.memref_slice %arg6[%dma_wait3A_2230] : memref<1024xf32, #tpu.memory_space<vmem>> -> memref<128xf32, #tpu.memory_space<vmem>>
      %dma_wait3A_2232 = arith.constant 256 : i32
      %dma_wait3A_2233 = tpu.memref_slice %arg5[%dma_wait3A_2232] : memref<1024xi32, #tpu.memory_space<vmem>> -> memref<128xi32, #tpu.memory_space<vmem>>
      %dma_wait3A_2234 = arith.constant 0 : i32
      %dma_wait3A_2235 = tpu.memref_slice %arg2[%dma_wait3A_2234] : memref<102400000xf32, #tpu.memory_space<hbm>> -> memref<102400000xf32, #tpu.memory_space<hbm>>
      tpu.wait_indirect_dma semaphore(%arg7 : memref<!tpu.dma_semaphore, #tpu.memory_space<semaphore_mem>>) src(%dma_wait3A_2235 : memref<102400000xf32, #tpu.memory_space<hbm>>) dst(%dma_wait3A_2231 : memref<128xf32, #tpu.memory_space<vmem>>)
      %dma_wait3A_2236 = arith.constant 384 : i32
      %dma_wait3A_2237 = tpu.memref_slice %arg6[%dma_wait3A_2236] : memref<1024xf32, #tpu.memory_space<vmem>> -> memref<128xf32, #tpu.memory_space<vmem>>
      %dma_wait3A_2238 = arith.constant 384 : i32
      %dma_wait3A_2239 = tpu.memref_slice %arg5[%dma_wait3A_2238] : memref<1024xi32, #tpu.memory_space<vmem>> -> memref<128xi32, #tpu.memory_space<vmem>>
      %dma_wait3A_2240 = arith.constant 0 : i32
      %dma_wait3A_2241 = tpu.memref_slice %arg2[%dma_wait3A_2240] : memref<102400000xf32, #tpu.memory_space<hbm>> -> memref<102400000xf32, #tpu.memory_space<hbm>>
      tpu.wait_indirect_dma semaphore(%arg7 : memref<!tpu.dma_semaphore, #tpu.memory_space<semaphore_mem>>) src(%dma_wait3A_2241 : memref<102400000xf32, #tpu.memory_space<hbm>>) dst(%dma_wait3A_2237 : memref<128xf32, #tpu.memory_space<vmem>>)
      %dma_wait3A_2242 = arith.constant 512 : i32
      %dma_wait3A_2243 = tpu.memref_slice %arg6[%dma_wait3A_2242] : memref<1024xf32, #tpu.memory_space<vmem>> -> memref<128xf32, #tpu.memory_space<vmem>>
      %dma_wait3A_2244 = arith.constant 512 : i32
      %dma_wait3A_2245 = tpu.memref_slice %arg5[%dma_wait3A_2244] : memref<1024xi32, #tpu.memory_space<vmem>> -> memref<128xi32, #tpu.memory_space<vmem>>
      %dma_wait3A_2246 = arith.constant 0 : i32
      %dma_wait3A_2247 = tpu.memref_slice %arg2[%dma_wait3A_2246] : memref<102400000xf32, #tpu.memory_space<hbm>> -> memref<102400000xf32, #tpu.memory_space<hbm>>
      tpu.wait_indirect_dma semaphore(%arg7 : memref<!tpu.dma_semaphore, #tpu.memory_space<semaphore_mem>>) src(%dma_wait3A_2247 : memref<102400000xf32, #tpu.memory_space<hbm>>) dst(%dma_wait3A_2243 : memref<128xf32, #tpu.memory_space<vmem>>)
      %dma_wait3A_2248 = arith.constant 640 : i32
      %dma_wait3A_2249 = tpu.memref_slice %arg6[%dma_wait3A_2248] : memref<1024xf32, #tpu.memory_space<vmem>> -> memref<128xf32, #tpu.memory_space<vmem>>
      %dma_wait3A_2250 = arith.constant 640 : i32
      %dma_wait3A_2251 = tpu.memref_slice %arg5[%dma_wait3A_2250] : memref<1024xi32, #tpu.memory_space<vmem>> -> memref<128xi32, #tpu.memory_space<vmem>>
      %dma_wait3A_2252 = arith.constant 0 : i32
      %dma_wait3A_2253 = tpu.memref_slice %arg2[%dma_wait3A_2252] : memref<102400000xf32, #tpu.memory_space<hbm>> -> memref<102400000xf32, #tpu.memory_space<hbm>>
      tpu.wait_indirect_dma semaphore(%arg7 : memref<!tpu.dma_semaphore, #tpu.memory_space<semaphore_mem>>) src(%dma_wait3A_2253 : memref<102400000xf32, #tpu.memory_space<hbm>>) dst(%dma_wait3A_2249 : memref<128xf32, #tpu.memory_space<vmem>>)
      %dma_wait3A_2254 = arith.constant 768 : i32
      %dma_wait3A_2255 = tpu.memref_slice %arg6[%dma_wait3A_2254] : memref<1024xf32, #tpu.memory_space<vmem>> -> memref<128xf32, #tpu.memory_space<vmem>>
      %dma_wait3A_2256 = arith.constant 768 : i32
      %dma_wait3A_2257 = tpu.memref_slice %arg5[%dma_wait3A_2256] : memref<1024xi32, #tpu.memory_space<vmem>> -> memref<128xi32, #tpu.memory_space<vmem>>
      %dma_wait3A_2258 = arith.constant 0 : i32
      %dma_wait3A_2259 = tpu.memref_slice %arg2[%dma_wait3A_2258] : memref<102400000xf32, #tpu.memory_space<hbm>> -> memref<102400000xf32, #tpu.memory_space<hbm>>
      tpu.wait_indirect_dma semaphore(%arg7 : memref<!tpu.dma_semaphore, #tpu.memory_space<semaphore_mem>>) src(%dma_wait3A_2259 : memref<102400000xf32, #tpu.memory_space<hbm>>) dst(%dma_wait3A_2255 : memref<128xf32, #tpu.memory_space<vmem>>)
      %dma_wait3A_2260 = arith.constant 896 : i32
      %dma_wait3A_2261 = tpu.memref_slice %arg6[%dma_wait3A_2260] : memref<1024xf32, #tpu.memory_space<vmem>> -> memref<128xf32, #tpu.memory_space<vmem>>
      %dma_wait3A_2262 = arith.constant 896 : i32
      %dma_wait3A_2263 = tpu.memref_slice %arg5[%dma_wait3A_2262] : memref<1024xi32, #tpu.memory_space<vmem>> -> memref<128xi32, #tpu.memory_space<vmem>>
      %dma_wait3A_2264 = arith.constant 0 : i32
      %dma_wait3A_2265 = tpu.memref_slice %arg2[%dma_wait3A_2264] : memref<102400000xf32, #tpu.memory_space<hbm>> -> memref<102400000xf32, #tpu.memory_space<hbm>>
      tpu.wait_indirect_dma semaphore(%arg7 : memref<!tpu.dma_semaphore, #tpu.memory_space<semaphore_mem>>) src(%dma_wait3A_2265 : memref<102400000xf32, #tpu.memory_space<hbm>>) dst(%dma_wait3A_2261 : memref<128xf32, #tpu.memory_space<vmem>>)
      %get3A_2266 = arith.constant 0 : index
      %get3A_2267 = tpu.vector_load %arg6[%get3A_2266] {strides = array<i32>} : memref<1024xf32, #tpu.memory_space<vmem>>, vector<16xf32>,
      %get3A_2268 = vector.shape_cast %get3A_2267 : vector<16xf32> to vector<16xf32>
      %get3A_2269 = arith.constant 16 : index
      %get3A_2270 = tpu.vector_load %arg6[%get3A_2269] {strides = array<i32>} : memref<1024xf32, #tpu.memory_space<vmem>>, vector<16xf32>,
      %get3A_2271 = vector.shape_cast %get3A_2270 : vector<16xf32> to vector<16xf32>
      %get3A_2272 = arith.constant 32 : index
      %get3A_2273 = tpu.vector_load %arg6[%get3A_2272] {strides = array<i32>} : memref<1024xf32, #tpu.memory_space<vmem>>, vector<16xf32>,
      %get3A_2274 = vector.shape_cast %get3A_2273 : vector<16xf32> to vector<16xf32>
      %add3A_2275 = arith.addf %get3A_2268, %get3A_2274 : vector<16xf32>
      %get3A_2276 = arith.constant 48 : index
      %get3A_2277 = tpu.vector_load %arg6[%get3A_2276] {strides = array<i32>} : memref<1024xf32, #tpu.memory_space<vmem>>, vector<16xf32>,
      %get3A_2278 = vector.shape_cast %get3A_2277 : vector<16xf32> to vector<16xf32>
      %add3A_2279 = arith.addf %get3A_2271, %get3A_2278 : vector<16xf32>
      %get3A_2280 = arith.constant 64 : index
      %get3A_2281 = tpu.vector_load %arg6[%get3A_2280] {strides = array<i32>} : memref<1024xf32, #tpu.memory_space<vmem>>, vector<16xf32>,
      %get3A_2282 = vector.shape_cast %get3A_2281 : vector<16xf32> to vector<16xf32>
      %add3A_2283 = arith.addf %add3A_2275, %get3A_2282 : vector<16xf32>
      %get3A_2284 = arith.constant 80 : index
      %get3A_2285 = tpu.vector_load %arg6[%get3A_2284] {strides = array<i32>} : memref<1024xf32, #tpu.memory_space<vmem>>, vector<16xf32>,
      %get3A_2286 = vector.shape_cast %get3A_2285 : vector<16xf32> to vector<16xf32>
      %add3A_2287 = arith.addf %add3A_2279, %get3A_2286 : vector<16xf32>
      %get3A_2288 = arith.constant 96 : index
      %get3A_2289 = tpu.vector_load %arg6[%get3A_2288] {strides = array<i32>} : memref<1024xf32, #tpu.memory_space<vmem>>, vector<16xf32>,
      %get3A_2290 = vector.shape_cast %get3A_2289 : vector<16xf32> to vector<16xf32>
      %add3A_2291 = arith.addf %add3A_2283, %get3A_2290 : vector<16xf32>
      %get3A_2292 = arith.constant 112 : index
      %get3A_2293 = tpu.vector_load %arg6[%get3A_2292] {strides = array<i32>} : memref<1024xf32, #tpu.memory_space<vmem>>, vector<16xf32>,
      %get3A_2294 = vector.shape_cast %get3A_2293 : vector<16xf32> to vector<16xf32>
      %add3A_2295 = arith.addf %add3A_2287, %get3A_2294 : vector<16xf32>
      %get3A_2296 = arith.constant 128 : index
      %get3A_2297 = tpu.vector_load %arg6[%get3A_2296] {strides = array<i32>} : memref<1024xf32, #tpu.memory_space<vmem>>, vector<16xf32>,
      %get3A_2298 = vector.shape_cast %get3A_2297 : vector<16xf32> to vector<16xf32>
      %add3A_2299 = arith.addf %add3A_2291, %get3A_2298 : vector<16xf32>
      %get3A_2300 = arith.constant 144 : index
      %get3A_2301 = tpu.vector_load %arg6[%get3A_2300] {strides = array<i32>} : memref<1024xf32, #tpu.memory_space<vmem>>, vector<16xf32>,
      %get3A_2302 = vector.shape_cast %get3A_2301 : vector<16xf32> to vector<16xf32>
      %add3A_2303 = arith.addf %add3A_2295, %get3A_2302 : vector<16xf32>
      %get3A_2304 = arith.constant 160 : index
      %get3A_2305 = tpu.vector_load %arg6[%get3A_2304] {strides = array<i32>} : memref<1024xf32, #tpu.memory_space<vmem>>, vector<16xf32>,
      %get3A_2306 = vector.shape_cast %get3A_2305 : vector<16xf32> to vector<16xf32>
      %add3A_2307 = arith.addf %add3A_2299, %get3A_2306 : vector<16xf32>
      %get3A_2308 = arith.constant 176 : index
      %get3A_2309 = tpu.vector_load %arg6[%get3A_2308] {strides = array<i32>} : memref<1024xf32, #tpu.memory_space<vmem>>, vector<16xf32>,
      %get3A_2310 = vector.shape_cast %get3A_2309 : vector<16xf32> to vector<16xf32>
      %add3A_2311 = arith.addf %add3A_2303, %get3A_2310 : vector<16xf32>
      %get3A_2312 = arith.constant 192 : index
      %get3A_2313 = tpu.vector_load %arg6[%get3A_2312] {strides = array<i32>} : memref<1024xf32, #tpu.memory_space<vmem>>, vector<16xf32>,
      %get3A_2314 = vector.shape_cast %get3A_2313 : vector<16xf32> to vector<16xf32>
      %add3A_2315 = arith.addf %add3A_2307, %get3A_2314 : vector<16xf32>
      %get3A_2316 = arith.constant 208 : index
      %get3A_2317 = tpu.vector_load %arg6[%get3A_2316] {strides = array<i32>} : memref<1024xf32, #tpu.memory_space<vmem>>, vector<16xf32>,
      %get3A_2318 = vector.shape_cast %get3A_2317 : vector<16xf32> to vector<16xf32>
      %add3A_2319 = arith.addf %add3A_2311, %get3A_2318 : vector<16xf32>
      %get3A_2320 = arith.constant 224 : index
      %get3A_2321 = tpu.vector_load %arg6[%get3A_2320] {strides = array<i32>} : memref<1024xf32, #tpu.memory_space<vmem>>, vector<16xf32>,
      %get3A_2322 = vector.shape_cast %get3A_2321 : vector<16xf32> to vector<16xf32>
      %add3A_2323 = arith.addf %add3A_2315, %get3A_2322 : vector<16xf32>
      %get3A_2324 = arith.constant 240 : index
      %get3A_2325 = tpu.vector_load %arg6[%get3A_2324] {strides = array<i32>} : memref<1024xf32, #tpu.memory_space<vmem>>, vector<16xf32>,
      %get3A_2326 = vector.shape_cast %get3A_2325 : vector<16xf32> to vector<16xf32>
      %add3A_2327 = arith.addf %add3A_2319, %get3A_2326 : vector<16xf32>
      %get3A_2328 = arith.constant 256 : index
      %get3A_2329 = tpu.vector_load %arg6[%get3A_2328] {strides = array<i32>} : memref<1024xf32, #tpu.memory_space<vmem>>, vector<16xf32>,
      %get3A_2330 = vector.shape_cast %get3A_2329 : vector<16xf32> to vector<16xf32>
      %add3A_2331 = arith.addf %add3A_2323, %get3A_2330 : vector<16xf32>
      %get3A_2332 = arith.constant 272 : index
      %get3A_2333 = tpu.vector_load %arg6[%get3A_2332] {strides = array<i32>} : memref<1024xf32, #tpu.memory_space<vmem>>, vector<16xf32>,
      %get3A_2334 = vector.shape_cast %get3A_2333 : vector<16xf32> to vector<16xf32>
      %add3A_2335 = arith.addf %add3A_2327, %get3A_2334 : vector<16xf32>
      %get3A_2336 = arith.constant 288 : index
      %get3A_2337 = tpu.vector_load %arg6[%get3A_2336] {strides = array<i32>} : memref<1024xf32, #tpu.memory_space<vmem>>, vector<16xf32>,
      %get3A_2338 = vector.shape_cast %get3A_2337 : vector<16xf32> to vector<16xf32>
      %add3A_2339 = arith.addf %add3A_2331, %get3A_2338 : vector<16xf32>
      %get3A_2340 = arith.constant 304 : index
      %get3A_2341 = tpu.vector_load %arg6[%get3A_2340] {strides = array<i32>} : memref<1024xf32, #tpu.memory_space<vmem>>, vector<16xf32>,
      %get3A_2342 = vector.shape_cast %get3A_2341 : vector<16xf32> to vector<16xf32>
      %add3A_2343 = arith.addf %add3A_2335, %get3A_2342 : vector<16xf32>
      %get3A_2344 = arith.constant 320 : index
      %get3A_2345 = tpu.vector_load %arg6[%get3A_2344] {strides = array<i32>} : memref<1024xf32, #tpu.memory_space<vmem>>, vector<16xf32>,
      %get3A_2346 = vector.shape_cast %get3A_2345 : vector<16xf32> to vector<16xf32>
      %add3A_2347 = arith.addf %add3A_2339, %get3A_2346 : vector<16xf32>
      %get3A_2348 = arith.constant 336 : index
      %get3A_2349 = tpu.vector_load %arg6[%get3A_2348] {strides = array<i32>} : memref<1024xf32, #tpu.memory_space<vmem>>, vector<16xf32>,
      %get3A_2350 = vector.shape_cast %get3A_2349 : vector<16xf32> to vector<16xf32>
      %add3A_2351 = arith.addf %add3A_2343, %get3A_2350 : vector<16xf32>
      %get3A_2352 = arith.constant 352 : index
      %get3A_2353 = tpu.vector_load %arg6[%get3A_2352] {strides = array<i32>} : memref<1024xf32, #tpu.memory_space<vmem>>, vector<16xf32>,
      %get3A_2354 = vector.shape_cast %get3A_2353 : vector<16xf32> to vector<16xf32>
      %add3A_2355 = arith.addf %add3A_2347, %get3A_2354 : vector<16xf32>
      %get3A_2356 = arith.constant 368 : index
      %get3A_2357 = tpu.vector_load %arg6[%get3A_2356] {strides = array<i32>} : memref<1024xf32, #tpu.memory_space<vmem>>, vector<16xf32>,
      %get3A_2358 = vector.shape_cast %get3A_2357 : vector<16xf32> to vector<16xf32>
      %add3A_2359 = arith.addf %add3A_2351, %get3A_2358 : vector<16xf32>
      %get3A_2360 = arith.constant 384 : index
      %get3A_2361 = tpu.vector_load %arg6[%get3A_2360] {strides = array<i32>} : memref<1024xf32, #tpu.memory_space<vmem>>, vector<16xf32>,
      %get3A_2362 = vector.shape_cast %get3A_2361 : vector<16xf32> to vector<16xf32>
      %add3A_2363 = arith.addf %add3A_2355, %get3A_2362 : vector<16xf32>
      %get3A_2364 = arith.constant 400 : index
      %get3A_2365 = tpu.vector_load %arg6[%get3A_2364] {strides = array<i32>} : memref<1024xf32, #tpu.memory_space<vmem>>, vector<16xf32>,
      %get3A_2366 = vector.shape_cast %get3A_2365 : vector<16xf32> to vector<16xf32>
      %add3A_2367 = arith.addf %add3A_2359, %get3A_2366 : vector<16xf32>
      %get3A_2368 = arith.constant 416 : index
      %get3A_2369 = tpu.vector_load %arg6[%get3A_2368] {strides = array<i32>} : memref<1024xf32, #tpu.memory_space<vmem>>, vector<16xf32>,
      %get3A_2370 = vector.shape_cast %get3A_2369 : vector<16xf32> to vector<16xf32>
      %add3A_2371 = arith.addf %add3A_2363, %get3A_2370 : vector<16xf32>
      %get3A_2372 = arith.constant 432 : index
      %get3A_2373 = tpu.vector_load %arg6[%get3A_2372] {strides = array<i32>} : memref<1024xf32, #tpu.memory_space<vmem>>, vector<16xf32>,
      %get3A_2374 = vector.shape_cast %get3A_2373 : vector<16xf32> to vector<16xf32>
      %add3A_2375 = arith.addf %add3A_2367, %get3A_2374 : vector<16xf32>
      %get3A_2376 = arith.constant 448 : index
      %get3A_2377 = tpu.vector_load %arg6[%get3A_2376] {strides = array<i32>} : memref<1024xf32, #tpu.memory_space<vmem>>, vector<16xf32>,
      %get3A_2378 = vector.shape_cast %get3A_2377 : vector<16xf32> to vector<16xf32>
      %add3A_2379 = arith.addf %add3A_2371, %get3A_2378 : vector<16xf32>
      %get3A_2380 = arith.constant 464 : index
      %get3A_2381 = tpu.vector_load %arg6[%get3A_2380] {strides = array<i32>} : memref<1024xf32, #tpu.memory_space<vmem>>, vector<16xf32>,
      %get3A_2382 = vector.shape_cast %get3A_2381 : vector<16xf32> to vector<16xf32>
      %add3A_2383 = arith.addf %add3A_2375, %get3A_2382 : vector<16xf32>
      %get3A_2384 = arith.constant 480 : index
      %get3A_2385 = tpu.vector_load %arg6[%get3A_2384] {strides = array<i32>} : memref<1024xf32, #tpu.memory_space<vmem>>, vector<16xf32>,
      %get3A_2386 = vector.shape_cast %get3A_2385 : vector<16xf32> to vector<16xf32>
      %add3A_2387 = arith.addf %add3A_2379, %get3A_2386 : vector<16xf32>
      %get3A_2388 = arith.constant 496 : index
      %get3A_2389 = tpu.vector_load %arg6[%get3A_2388] {strides = array<i32>} : memref<1024xf32, #tpu.memory_space<vmem>>, vector<16xf32>,
      %get3A_2390 = vector.shape_cast %get3A_2389 : vector<16xf32> to vector<16xf32>
      %add3A_2391 = arith.addf %add3A_2383, %get3A_2390 : vector<16xf32>
      %get3A_2392 = arith.constant 512 : index
      %get3A_2393 = tpu.vector_load %arg6[%get3A_2392] {strides = array<i32>} : memref<1024xf32, #tpu.memory_space<vmem>>, vector<16xf32>,
      %get3A_2394 = vector.shape_cast %get3A_2393 : vector<16xf32> to vector<16xf32>
      %add3A_2395 = arith.addf %add3A_2387, %get3A_2394 : vector<16xf32>
      %get3A_2396 = arith.constant 528 : index
      %get3A_2397 = tpu.vector_load %arg6[%get3A_2396] {strides = array<i32>} : memref<1024xf32, #tpu.memory_space<vmem>>, vector<16xf32>,
      %get3A_2398 = vector.shape_cast %get3A_2397 : vector<16xf32> to vector<16xf32>
      %add3A_2399 = arith.addf %add3A_2391, %get3A_2398 : vector<16xf32>
      %get3A_2400 = arith.constant 544 : index
      %get3A_2401 = tpu.vector_load %arg6[%get3A_2400] {strides = array<i32>} : memref<1024xf32, #tpu.memory_space<vmem>>, vector<16xf32>,
      %get3A_2402 = vector.shape_cast %get3A_2401 : vector<16xf32> to vector<16xf32>
      %add3A_2403 = arith.addf %add3A_2395, %get3A_2402 : vector<16xf32>
      %get3A_2404 = arith.constant 560 : index
      %get3A_2405 = tpu.vector_load %arg6[%get3A_2404] {strides = array<i32>} : memref<1024xf32, #tpu.memory_space<vmem>>, vector<16xf32>,
      %get3A_2406 = vector.shape_cast %get3A_2405 : vector<16xf32> to vector<16xf32>
      %add3A_2407 = arith.addf %add3A_2399, %get3A_2406 : vector<16xf32>
      %get3A_2408 = arith.constant 576 : index
      %get3A_2409 = tpu.vector_load %arg6[%get3A_2408] {strides = array<i32>} : memref<1024xf32, #tpu.memory_space<vmem>>, vector<16xf32>,
      %get3A_2410 = vector.shape_cast %get3A_2409 : vector<16xf32> to vector<16xf32>
      %add3A_2411 = arith.addf %add3A_2403, %get3A_2410 : vector<16xf32>
      %get3A_2412 = arith.constant 592 : index
      %get3A_2413 = tpu.vector_load %arg6[%get3A_2412] {strides = array<i32>} : memref<1024xf32, #tpu.memory_space<vmem>>, vector<16xf32>,
      %get3A_2414 = vector.shape_cast %get3A_2413 : vector<16xf32> to vector<16xf32>
      %add3A_2415 = arith.addf %add3A_2407, %get3A_2414 : vector<16xf32>
      %get3A_2416 = arith.constant 608 : index
      %get3A_2417 = tpu.vector_load %arg6[%get3A_2416] {strides = array<i32>} : memref<1024xf32, #tpu.memory_space<vmem>>, vector<16xf32>,
      %get3A_2418 = vector.shape_cast %get3A_2417 : vector<16xf32> to vector<16xf32>
      %add3A_2419 = arith.addf %add3A_2411, %get3A_2418 : vector<16xf32>
      %get3A_2420 = arith.constant 624 : index
      %get3A_2421 = tpu.vector_load %arg6[%get3A_2420] {strides = array<i32>} : memref<1024xf32, #tpu.memory_space<vmem>>, vector<16xf32>,
      %get3A_2422 = vector.shape_cast %get3A_2421 : vector<16xf32> to vector<16xf32>
      %add3A_2423 = arith.addf %add3A_2415, %get3A_2422 : vector<16xf32>
      %get3A_2424 = arith.constant 640 : index
      %get3A_2425 = tpu.vector_load %arg6[%get3A_2424] {strides = array<i32>} : memref<1024xf32, #tpu.memory_space<vmem>>, vector<16xf32>,
      %get3A_2426 = vector.shape_cast %get3A_2425 : vector<16xf32> to vector<16xf32>
      %add3A_2427 = arith.addf %add3A_2419, %get3A_2426 : vector<16xf32>
      %get3A_2428 = arith.constant 656 : index
      %get3A_2429 = tpu.vector_load %arg6[%get3A_2428] {strides = array<i32>} : memref<1024xf32, #tpu.memory_space<vmem>>, vector<16xf32>,
      %get3A_2430 = vector.shape_cast %get3A_2429 : vector<16xf32> to vector<16xf32>
      %add3A_2431 = arith.addf %add3A_2423, %get3A_2430 : vector<16xf32>
      %get3A_2432 = arith.constant 672 : index
      %get3A_2433 = tpu.vector_load %arg6[%get3A_2432] {strides = array<i32>} : memref<1024xf32, #tpu.memory_space<vmem>>, vector<16xf32>,
      %get3A_2434 = vector.shape_cast %get3A_2433 : vector<16xf32> to vector<16xf32>
      %add3A_2435 = arith.addf %add3A_2427, %get3A_2434 : vector<16xf32>
      %get3A_2436 = arith.constant 688 : index
      %get3A_2437 = tpu.vector_load %arg6[%get3A_2436] {strides = array<i32>} : memref<1024xf32, #tpu.memory_space<vmem>>, vector<16xf32>,
      %get3A_2438 = vector.shape_cast %get3A_2437 : vector<16xf32> to vector<16xf32>
      %add3A_2439 = arith.addf %add3A_2431, %get3A_2438 : vector<16xf32>
      %get3A_2440 = arith.constant 704 : index
      %get3A_2441 = tpu.vector_load %arg6[%get3A_2440] {strides = array<i32>} : memref<1024xf32, #tpu.memory_space<vmem>>, vector<16xf32>,
      %get3A_2442 = vector.shape_cast %get3A_2441 : vector<16xf32> to vector<16xf32>
      %add3A_2443 = arith.addf %add3A_2435, %get3A_2442 : vector<16xf32>
      %get3A_2444 = arith.constant 720 : index
      %get3A_2445 = tpu.vector_load %arg6[%get3A_2444] {strides = array<i32>} : memref<1024xf32, #tpu.memory_space<vmem>>, vector<16xf32>,
      %get3A_2446 = vector.shape_cast %get3A_2445 : vector<16xf32> to vector<16xf32>
      %add3A_2447 = arith.addf %add3A_2439, %get3A_2446 : vector<16xf32>
      %get3A_2448 = arith.constant 736 : index
      %get3A_2449 = tpu.vector_load %arg6[%get3A_2448] {strides = array<i32>} : memref<1024xf32, #tpu.memory_space<vmem>>, vector<16xf32>,
      %get3A_2450 = vector.shape_cast %get3A_2449 : vector<16xf32> to vector<16xf32>
      %add3A_2451 = arith.addf %add3A_2443, %get3A_2450 : vector<16xf32>
      %get3A_2452 = arith.constant 752 : index
      %get3A_2453 = tpu.vector_load %arg6[%get3A_2452] {strides = array<i32>} : memref<1024xf32, #tpu.memory_space<vmem>>, vector<16xf32>,
      %get3A_2454 = vector.shape_cast %get3A_2453 : vector<16xf32> to vector<16xf32>
      %add3A_2455 = arith.addf %add3A_2447, %get3A_2454 : vector<16xf32>
      %get3A_2456 = arith.constant 768 : index
      %get3A_2457 = tpu.vector_load %arg6[%get3A_2456] {strides = array<i32>} : memref<1024xf32, #tpu.memory_space<vmem>>, vector<16xf32>,
      %get3A_2458 = vector.shape_cast %get3A_2457 : vector<16xf32> to vector<16xf32>
      %add3A_2459 = arith.addf %add3A_2451, %get3A_2458 : vector<16xf32>
      %get3A_2460 = arith.constant 784 : index
      %get3A_2461 = tpu.vector_load %arg6[%get3A_2460] {strides = array<i32>} : memref<1024xf32, #tpu.memory_space<vmem>>, vector<16xf32>,
      %get3A_2462 = vector.shape_cast %get3A_2461 : vector<16xf32> to vector<16xf32>
      %add3A_2463 = arith.addf %add3A_2455, %get3A_2462 : vector<16xf32>
      %get3A_2464 = arith.constant 800 : index
      %get3A_2465 = tpu.vector_load %arg6[%get3A_2464] {strides = array<i32>} : memref<1024xf32, #tpu.memory_space<vmem>>, vector<16xf32>,
      %get3A_2466 = vector.shape_cast %get3A_2465 : vector<16xf32> to vector<16xf32>
      %add3A_2467 = arith.addf %add3A_2459, %get3A_2466 : vector<16xf32>
      %get3A_2468 = arith.constant 816 : index
      %get3A_2469 = tpu.vector_load %arg6[%get3A_2468] {strides = array<i32>} : memref<1024xf32, #tpu.memory_space<vmem>>, vector<16xf32>,
      %get3A_2470 = vector.shape_cast %get3A_2469 : vector<16xf32> to vector<16xf32>
      %add3A_2471 = arith.addf %add3A_2463, %get3A_2470 : vector<16xf32>
      %get3A_2472 = arith.constant 832 : index
      %get3A_2473 = tpu.vector_load %arg6[%get3A_2472] {strides = array<i32>} : memref<1024xf32, #tpu.memory_space<vmem>>, vector<16xf32>,
      %get3A_2474 = vector.shape_cast %get3A_2473 : vector<16xf32> to vector<16xf32>
      %add3A_2475 = arith.addf %add3A_2467, %get3A_2474 : vector<16xf32>
      %get3A_2476 = arith.constant 848 : index
      %get3A_2477 = tpu.vector_load %arg6[%get3A_2476] {strides = array<i32>} : memref<1024xf32, #tpu.memory_space<vmem>>, vector<16xf32>,
      %get3A_2478 = vector.shape_cast %get3A_2477 : vector<16xf32> to vector<16xf32>
      %add3A_2479 = arith.addf %add3A_2471, %get3A_2478 : vector<16xf32>
      %get3A_2480 = arith.constant 864 : index
      %get3A_2481 = tpu.vector_load %arg6[%get3A_2480] {strides = array<i32>} : memref<1024xf32, #tpu.memory_space<vmem>>, vector<16xf32>,
      %get3A_2482 = vector.shape_cast %get3A_2481 : vector<16xf32> to vector<16xf32>
      %add3A_2483 = arith.addf %add3A_2475, %get3A_2482 : vector<16xf32>
      %get3A_2484 = arith.constant 880 : index
      %get3A_2485 = tpu.vector_load %arg6[%get3A_2484] {strides = array<i32>} : memref<1024xf32, #tpu.memory_space<vmem>>, vector<16xf32>,
      %get3A_2486 = vector.shape_cast %get3A_2485 : vector<16xf32> to vector<16xf32>
      %add3A_2487 = arith.addf %add3A_2479, %get3A_2486 : vector<16xf32>
      %get3A_2488 = arith.constant 896 : index
      %get3A_2489 = tpu.vector_load %arg6[%get3A_2488] {strides = array<i32>} : memref<1024xf32, #tpu.memory_space<vmem>>, vector<16xf32>,
      %get3A_2490 = vector.shape_cast %get3A_2489 : vector<16xf32> to vector<16xf32>
      %add3A_2491 = arith.addf %add3A_2483, %get3A_2490 : vector<16xf32>
      %get3A_2492 = arith.constant 912 : index
      %get3A_2493 = tpu.vector_load %arg6[%get3A_2492] {strides = array<i32>} : memref<1024xf32, #tpu.memory_space<vmem>>, vector<16xf32>,
      %get3A_2494 = vector.shape_cast %get3A_2493 : vector<16xf32> to vector<16xf32>
      %add3A_2495 = arith.addf %add3A_2487, %get3A_2494 : vector<16xf32>
      %get3A_2496 = arith.constant 928 : index
      %get3A_2497 = tpu.vector_load %arg6[%get3A_2496] {strides = array<i32>} : memref<1024xf32, #tpu.memory_space<vmem>>, vector<16xf32>,
      %get3A_2498 = vector.shape_cast %get3A_2497 : vector<16xf32> to vector<16xf32>
      %add3A_2499 = arith.addf %add3A_2491, %get3A_2498 : vector<16xf32>
      %get3A_2500 = arith.constant 944 : index
      %get3A_2501 = tpu.vector_load %arg6[%get3A_2500] {strides = array<i32>} : memref<1024xf32, #tpu.memory_space<vmem>>, vector<16xf32>,
      %get3A_2502 = vector.shape_cast %get3A_2501 : vector<16xf32> to vector<16xf32>
      %add3A_2503 = arith.addf %add3A_2495, %get3A_2502 : vector<16xf32>
      %get3A_2504 = arith.constant 960 : index
      %get3A_2505 = tpu.vector_load %arg6[%get3A_2504] {strides = array<i32>} : memref<1024xf32, #tpu.memory_space<vmem>>, vector<16xf32>,
      %get3A_2506 = vector.shape_cast %get3A_2505 : vector<16xf32> to vector<16xf32>
      %add3A_2507 = arith.addf %add3A_2499, %get3A_2506 : vector<16xf32>
      %get3A_2508 = arith.constant 976 : index
      %get3A_2509 = tpu.vector_load %arg6[%get3A_2508] {strides = array<i32>} : memref<1024xf32, #tpu.memory_space<vmem>>, vector<16xf32>,
      %get3A_2510 = vector.shape_cast %get3A_2509 : vector<16xf32> to vector<16xf32>
      %add3A_2511 = arith.addf %add3A_2503, %get3A_2510 : vector<16xf32>
      %get3A_2512 = arith.constant 992 : index
      %get3A_2513 = tpu.vector_load %arg6[%get3A_2512] {strides = array<i32>} : memref<1024xf32, #tpu.memory_space<vmem>>, vector<16xf32>,
      %get3A_2514 = vector.shape_cast %get3A_2513 : vector<16xf32> to vector<16xf32>
      %add3A_2515 = arith.addf %add3A_2507, %get3A_2514 : vector<16xf32>
      %get3A_2516 = arith.constant 1008 : index
      %get3A_2517 = tpu.vector_load %arg6[%get3A_2516] {strides = array<i32>} : memref<1024xf32, #tpu.memory_space<vmem>>, vector<16xf32>,
      %get3A_2518 = vector.shape_cast %get3A_2517 : vector<16xf32> to vector<16xf32>
      %add3A_2519 = arith.addf %add3A_2511, %get3A_2518 : vector<16xf32>
      %add3A_2520 = arith.addf %add3A_2515, %add3A_2519 : vector<16xf32>
      %iota3A_2521 = tpu.iota {dimensions = array<i32: 0>} : vector<16xi32>
      %xor3A = arith.constant 8 : i32
      %xor3A_2522 = vector.broadcast %xor3A : i32 to vector<16xi32>
      %xor3A_2523 = arith.xori %iota3A_2521, %xor3A_2522 : vector<16xi32>
      %lt3A = arith.constant 0 : i32
      %lt3A_2524 = vector.broadcast %lt3A : i32 to vector<16xi32>
      %lt3A_2525 = arith.cmpi slt, %xor3A_2523, %lt3A_2524 : vector<16xi32>
      %add3A_2526 = arith.constant 16 : i32
      %add3A_2527 = vector.broadcast %add3A_2526 : i32 to vector<16xi32>
      %add3A_2528 = arith.addi %xor3A_2523, %add3A_2527 : vector<16xi32>
      %select_n3A = arith.select %lt3A_2525, %add3A_2528, %xor3A_2523 : vector<16xi1>, vector<16xi32>
      %broadcast_in_dim3A = vector.shape_cast %select_n3A : vector<16xi32> to vector<16x1xi32>
      %gather3A = vector.shape_cast %broadcast_in_dim3A : vector<16x1xi32> to vector<16xi32>
      %gather3A_2529 = tpu.dynamic_gather %add3A_2520[%gather3A] in [0] : vector<16xf32>, vector<16xi32> -> vector<16xf32>
      %add3A_2530 = arith.addf %add3A_2520, %gather3A_2529 : vector<16xf32>
      %xor3A_2531 = arith.constant 4 : i32
      %xor3A_2532 = vector.broadcast %xor3A_2531 : i32 to vector<16xi32>
      %xor3A_2533 = arith.xori %iota3A_2521, %xor3A_2532 : vector<16xi32>
      %lt3A_2534 = arith.constant 0 : i32
      %lt3A_2535 = vector.broadcast %lt3A_2534 : i32 to vector<16xi32>
      %lt3A_2536 = arith.cmpi slt, %xor3A_2533, %lt3A_2535 : vector<16xi32>
      %add3A_2537 = arith.constant 16 : i32
      %add3A_2538 = vector.broadcast %add3A_2537 : i32 to vector<16xi32>
      %add3A_2539 = arith.addi %xor3A_2533, %add3A_2538 : vector<16xi32>
      %select_n3A_2540 = arith.select %lt3A_2536, %add3A_2539, %xor3A_2533 : vector<16xi1>, vector<16xi32>
      %broadcast_in_dim3A_2541 = vector.shape_cast %select_n3A_2540 : vector<16xi32> to vector<16x1xi32>
      %gather3A_2542 = vector.shape_cast %broadcast_in_dim3A_2541 : vector<16x1xi32> to vector<16xi32>
      %gather3A_2543 = tpu.dynamic_gather %add3A_2530[%gather3A_2542] in [0] : vector<16xf32>, vector<16xi32> -> vector<16xf32>
      %add3A_2544 = arith.addf %add3A_2530, %gather3A_2543 : vector<16xf32>
      %xor3A_2545 = arith.constant 2 : i32
      %xor3A_2546 = vector.broadcast %xor3A_2545 : i32 to vector<16xi32>
      %xor3A_2547 = arith.xori %iota3A_2521, %xor3A_2546 : vector<16xi32>
      %lt3A_2548 = arith.constant 0 : i32
      %lt3A_2549 = vector.broadcast %lt3A_2548 : i32 to vector<16xi32>
      %lt3A_2550 = arith.cmpi slt, %xor3A_2547, %lt3A_2549 : vector<16xi32>
      %add3A_2551 = arith.constant 16 : i32
      %add3A_2552 = vector.broadcast %add3A_2551 : i32 to vector<16xi32>
      %add3A_2553 = arith.addi %xor3A_2547, %add3A_2552 : vector<16xi32>
      %select_n3A_2554 = arith.select %lt3A_2550, %add3A_2553, %xor3A_2547 : vector<16xi1>, vector<16xi32>
      %broadcast_in_dim3A_2555 = vector.shape_cast %select_n3A_2554 : vector<16xi32> to vector<16x1xi32>
      %gather3A_2556 = vector.shape_cast %broadcast_in_dim3A_2555 : vector<16x1xi32> to vector<16xi32>
      %gather3A_2557 = tpu.dynamic_gather %add3A_2544[%gather3A_2556] in [0] : vector<16xf32>, vector<16xi32> -> vector<16xf32>
      %add3A_2558 = arith.addf %add3A_2544, %gather3A_2557 : vector<16xf32>
      %xor3A_2559 = arith.constant 1 : i32
      %xor3A_2560 = vector.broadcast %xor3A_2559 : i32 to vector<16xi32>
      %xor3A_2561 = arith.xori %iota3A_2521, %xor3A_2560 : vector<16xi32>
      %lt3A_2562 = arith.constant 0 : i32
      %lt3A_2563 = vector.broadcast %lt3A_2562 : i32 to vector<16xi32>
      %lt3A_2564 = arith.cmpi slt, %xor3A_2561, %lt3A_2563 : vector<16xi32>
      %add3A_2565 = arith.constant 16 : i32
      %add3A_2566 = vector.broadcast %add3A_2565 : i32 to vector<16xi32>
      %add3A_2567 = arith.addi %xor3A_2561, %add3A_2566 : vector<16xi32>
      %select_n3A_2568 = arith.select %lt3A_2564, %add3A_2567, %xor3A_2561 : vector<16xi1>, vector<16xi32>
      %broadcast_in_dim3A_2569 = vector.shape_cast %select_n3A_2568 : vector<16xi32> to vector<16x1xi32>
      %gather3A_2570 = vector.shape_cast %broadcast_in_dim3A_2569 : vector<16x1xi32> to vector<16xi32>
      %gather3A_2571 = tpu.dynamic_gather %add3A_2558[%gather3A_2570] in [0] : vector<16xf32>, vector<16xi32> -> vector<16xf32>
      %add3A_2572 = arith.addf %add3A_2558, %gather3A_2571 : vector<16xf32>
      %neg3A = arith.constant 0.000000e+00 : f32
      %neg3A_2573 = vector.broadcast %neg3A : f32 to vector<16xf32>
      %neg3A_2574 = arith.subf %neg3A_2573, %add3A_2572 : vector<16xf32>
      %swap3A_2575 = arith.constant 0 : index
      %swap3A_2576 = tpu.vector_load %arg6[%swap3A_2575] {strides = array<i32>} : memref<1024xf32, #tpu.memory_space<vmem>>, vector<16xf32>,
      %swap3A_2577 = vector.shape_cast %swap3A_2576 : vector<16xf32> to vector<16xf32>
      %swap3A_2578 = vector.shape_cast %neg3A_2574 : vector<16xf32> to vector<16xf32>
      tpu.vector_store %arg6[%swap3A_2575], %swap3A_2578 {strides = array<i32>} : memref<1024xf32, #tpu.memory_space<vmem>>, vector<16xf32>,
      "tpu.region"() ({
        %run_scoped3A = tpu.sem_alloc : memref<!tpu.dma_semaphore, #tpu.memory_space<semaphore_mem>>
        %dma_start3A_2579 = arith.constant 0 : i32
        %dma_start3A_2580 = tpu.memref_slice %arg6[%dma_start3A_2579] : memref<1024xf32, #tpu.memory_space<vmem>> -> memref<16xf32, #tpu.memory_space<vmem>>
        %dma_start3A_2581 = arith.constant 0 : i32
        %dma_start3A_2582 = tpu.memref_slice %arg6[%dma_start3A_2581] : memref<1024xf32, #tpu.memory_space<vmem>> -> memref<16xf32, #tpu.memory_space<vmem>>
        tpu.enqueue_dma source(%dma_start3A_2582 : memref<16xf32, #tpu.memory_space<vmem>>) target(%arg4 : memref<16xf32, #tpu.memory_space<hbm>>) target_semaphore(%run_scoped3A : memref<!tpu.dma_semaphore, #tpu.memory_space<semaphore_mem>>)
        %dma_wait3A_2583 = arith.constant 0 : i32
        %dma_wait3A_2584 = tpu.memref_slice %arg6[%dma_wait3A_2583] : memref<1024xf32, #tpu.memory_space<vmem>> -> memref<16xf32, #tpu.memory_space<vmem>>
        %dma_wait3A_2585 = arith.constant 0 : i32
        %dma_wait3A_2586 = tpu.memref_slice %arg6[%dma_wait3A_2585] : memref<1024xf32, #tpu.memory_space<vmem>> -> memref<16xf32, #tpu.memory_space<vmem>>
        tpu.wait_dma2 semaphore(%run_scoped3A : memref<!tpu.dma_semaphore, #tpu.memory_space<semaphore_mem>>) src(%dma_wait3A_2586 : memref<16xf32, #tpu.memory_space<vmem>>) dst(%arg4 : memref<16xf32, #tpu.memory_space<hbm>>)
        tpu.yield
      }) : () -> ()
    } else {
    }
    return
  }
}

</mosaic_0001>

<sc_bundles>
// kernel: kernel.3.cloned.1.call-start
scs
__scs_entry_jumppad:
0x0: {  	(pc) =	sbr.rel $0x88, $3  }
0x1: {  	(tag) =	ssettag $0x0;
	lr =	simm.s32 $0x1  }
0x2: {  	[smem:$0x3F9F] =	sst lr;
	_ =	strace $0xD0000000  }
0x3: {  	_ = 	snop  }
0x4: {  	_ = 	snop  }
0x5: {  	_ = 	snop  }
0x6: {  	_ = 	snop  }
0x7: {  	_ = 	snop  }
__scs_overlays_trampoline_lowered:
0x8: {  	[smem:$0x3FAE] =	sst s0  }
0x9: {  	[smem:$0x3FAF] =	sst s1  }
0xa: {  	[smem:$0x3FB0] =	sst s2  }
0xb: {  	[smem:$0x3FB1] =	sst s3  }
0xc: {  	[smem:$0x3FB2] =	sst s4  }
0xd: {  	[smem:$0x3FB3] =	sst s5  }
0xe: {  	[smem:$0x3FB4] =	sst s6  }
0xf: {  	[smem:$0x3FB5] =	sst s7  }
0x10: {  	[smem:$0x3FB6] =	sst s8  }
0x11: {  	[smem:$0x3FB7] =	sst s9;
	s0 =	simm.s32 @!p0 $0x0  }
0x12: {  	s1 =	sld [smem:$0x3F9D];
	s0 =	simm.s32 @p0 $0x1  }
0x13: {  	[smem:$0x3FB8] =	sst s0;
	s0 =	simm.s32 @!p1 $0x0  }
0x14: {  	s2 =	sld [smem:$0x3F9C];
	s0 =	simm.s32 @p1 $0x1  }
0x15: {  	[smem:$0x3FB9] =	sst s0;
	s0 =	simm.s32 @!p2 $0x0  }
0x16: {  	s3 =	sld [smem:$0x3FDB];
	s0 =	simm.s32 @p2 $0x1  }
0x17: {  	s4 =	simm.s32 $0x1BF5;
	[smem:$0x3FBB] =	sst s0  }
0x18: {  	s0 =	sld [smem:$0x3F9E];
	_ =	swait.ge [sflag:s4], $0x0  }
0x19: {  	s7 =	sld [smem:$0x3F9F]  }
0x1a: {  	s8 =	sadd.s32 $0xFFFFE003, lr  }
0x1b: {  	s9 =	sadd.s32 $0xFFFFFEF7, lr;
	s5 =	simm.s32 $0xFFFFFFFF;
	p2 =	slt.u32 s8, $0xFFFFF086  }
0x1c: {  	p1 =	slt.u32 s9, $0xF7A;
	s5 =	simm.s32 @!p2 $0x0  }
0x1d: {  	s5 =	simm.s32 @p1 $0x1;
	p0 =	seq.s32 s7, s2  }
0x1e: {  	s7 =	smul.u32 @!p0 $0xF7A, s2;
	p2 =	seq.s32 @!p0 s5, $0x0  }
0x1f: {  	s9 =	smul.u32 $0xF7A, s1;
	s8 =	simm.s32 @!p0 $0x1BF5;
	p2 =	por !p2, p0  }
0x20: {  	[sflag:s8] =	ssyncset.s32 @!p0 $0xFFFFF086;
	s6 =	sadd.s32 @!p0 s3, s7;
	s7 =	simm.s32 @!p0 $0x108  }
0x21: {  	s3 =	sadd.s32 s3, s9;
	s6 =	sadd.s32 @!p0 $0x88, s6;
	s7 =	simm.s32 @p2 $0x1082  }
0x22: {  	[simem:s7], [sflag:s8] =	dma.local @!p0 [hbm:s6], $0xF7A  }
0x23: {  	s9 =	sor.u32 $0xD0000000, s2;
	s6 =	simm.s32 $0x108;
	_ =	swait.ge @!p0 [sflag:s8], $0x0  }
0x24: {  	s3 =	sadd.s32 $0x88, s3;
	s6 =	simm.s32 @!p1 $0x1082;
	[sflag:s4] =	ssyncset.s32 $0xFFFFF086  }
0x25: {  	[simem:s6], [sflag:s4] =	dma.local [hbm:s3], $0xF7A  }
0x26: {  	[smem:$0x3F9F] =	sst s1;
	(tag) =	ssettag s2;
	_ =	strace s9  }
0x27: {  	s1 =	sld [smem:$0x3FAF]  }
0x28: {  	s2 =	sld [smem:$0x3FB0]  }
0x29: {  	s4 =	sld [smem:$0x3FB2]  }
0x2a: {  	p0 =	seq.s32 s5, $0x0;
	s5 =	sld [smem:$0x3FB3]  }
0x2b: {  	s6 =	sld [smem:$0x3FB4]  }
0x2c: {  	s7 =	sld [smem:$0x3FB5]  }
0x2d: {  	s3 =	simm.s32 $0x108;
	s8 =	sld [smem:$0x3FB6]  }
0x2e: {  	s3 =	simm.s32 @!p0 $0x1082;
	s9 =	sld [smem:$0x3FB7]  }
0x2f: {  	lr =	sadd.s32 s0, s3;
	s0 =	sld [smem:$0x3FAE]  }
0x30: {  	s3 =	sld [smem:$0x3FB1]  }
0x31: {  	[smem:$0x3FBA] =	sst s10  }
0x32: {  	s10 =	sld [smem:$0x3FB8];
	_ =	sdelay $0x3  }
0x33: {  	p0 =	seq.s32 s10, $0x1;
	s10 =	sld [smem:$0x3FBA];
	_ =	sdelay $0x3  }
0x34: {  	[smem:$0x3FBA] =	sst s10  }
0x35: {  	s10 =	sld [smem:$0x3FB9];
	_ =	sdelay $0x3  }
0x36: {  	p1 =	seq.s32 s10, $0x1;
	s10 =	sld [smem:$0x3FBA];
	_ =	sdelay $0x3  }
0x37: {  	[smem:$0x3FBA] =	sst s10  }
0x38: {  	s10 =	sld [smem:$0x3FBB]  }
0x39: {  	_ = 	snop;
	(pc) =	sbr.ind lr, $3  }
0x3a: {  	_ = 	snop  }
0x3b: {  	_ = 	snop  }
0x3c: {  	p2 =	seq.s32 s10, $0x1;
	s10 =	sld [smem:$0x3FBA]  }
0x3d: {  	_ =	shalt  }
0x3e: {  	_ =	shalt  }
0x3f: {  	_ =	shalt  }
0x40: {  	_ =	shalt  }
0x41: {  	_ =	shalt  }
0x42: {  	_ =	shalt  }
0x43: {  	_ =	shalt  }
0x44: {  	_ =	shalt  }
0x45: {  	_ =	shalt  }
0x46: {  	_ =	shalt  }
0x47: {  	_ =	shalt  }
0x48: {  	_ =	shalt  }
0x49: {  	_ =	shalt  }
0x4a: {  	_ =	shalt  }
0x4b: {  	_ =	shalt  }
0x4c: {  	_ =	shalt  }
0x4d: {  	_ =	shalt  }
0x4e: {  	_ =	shalt  }
0x4f: {  	_ =	shalt  }
0x50: {  	_ =	shalt  }
0x51: {  	_ =	shalt  }
0x52: {  	_ =	shalt  }
0x53: {  	_ =	shalt  }
0x54: {  	_ =	shalt  }
0x55: {  	_ =	shalt  }
0x56: {  	_ =	shalt  }
0x57: {  	_ =	shalt  }
0x58: {  	_ =	shalt  }
0x59: {  	_ =	shalt  }
0x5a: {  	_ =	shalt  }
0x5b: {  	_ =	shalt  }
0x5c: {  	_ =	shalt  }
0x5d: {  	_ =	shalt  }
0x5e: {  	_ =	shalt  }
0x5f: {  	_ =	shalt  }
0x60: {  	_ =	shalt  }
0x61: {  	_ =	shalt  }
0x62: {  	_ =	shalt  }
0x63: {  	_ =	shalt  }
0x64: {  	_ =	shalt  }
0x65: {  	_ =	shalt  }
0x66: {  	_ =	shalt  }
0x67: {  	_ =	shalt  }
0x68: {  	_ =	shalt  }
0x69: {  	_ =	shalt  }
0x6a: {  	_ =	shalt  }
0x6b: {  	_ =	shalt  }
0x6c: {  	_ =	shalt  }
0x6d: {  	_ =	shalt  }
0x6e: {  	_ =	shalt  }
0x6f: {  	_ =	shalt  }
0x70: {  	_ =	shalt  }
0x71: {  	_ =	shalt  }
0x72: {  	_ =	shalt  }
0x73: {  	_ =	shalt  }
0x74: {  	_ =	shalt  }
0x75: {  	_ =	shalt  }
0x76: {  	_ =	shalt  }
0x77: {  	_ =	shalt  }
0x78: {  	_ =	shalt  }
0x79: {  	_ =	shalt  }
0x7a: {  	_ =	shalt  }
0x7b: {  	_ =	shalt  }
0x7c: {  	_ =	shalt  }
0x7d: {  	_ =	shalt  }
0x7e: {  	_ =	shalt  }
0x7f: {  	_ =	shalt  }
0x80: {  	_ =	shalt  }
0x81: {  	_ =	shalt  }
0x82: {  	_ =	shalt  }
0x83: {  	_ =	shalt  }
0x84: {  	_ =	shalt  }
0x85: {  	_ =	shalt  }
0x86: {  	_ =	shalt  }
0x87: {  	_ =	shalt  }
.Lfunc_end0:
.L_simem_size_0:
called_computation_lowered:
.L_overlay_start_0:
0x88: {  	s0 =	sld [smem:$0x3FD9]  }
0x89: {  	s1 =	sld [smem:$0x3FFE];
	_ =	sdelay $0x3  }
0x8a: {  	s0 =	sadd.s32 s1, s0  }
0x8b: {  	[smem:$0x3FC6] =	sst s0  }
0x8c: {  	_ = 	snop  }
0x8d: {  	s0 =	sld [smem:$0x3FC9]  }
0x8e: {  	s17 =	sld [smem:$0x3FC8]  }
0x8f: {  	s2 =	sld [smem:$0x3FD0];
	(tm) =	ssettm $0x1  }
0x90: {  	s3 =	sld [smem:$0x3FFB];
	_ =	sdelay $0x3  }
0x91: {  	_ =	strace s3  }
0x92: {  	s3 =	sld [smem:$0x3FFC];
	_ =	sdelay $0x3  }
0x93: {  	_ =	strace s3  }
0x94: {  	s3 =	sld [smem:$0x3FFD];
	_ =	sdelay $0x3  }
0x95: {  	_ =	strace s3  }
0x96: {  	_ =	strace $0x8FFFFFFF  }
0x97: {  	s18 =	sld [smem:$0x3FDB];
	_ =	sdelay $0x1  }
0x98: {  	s4 =	simm.s32 $_scs_section_size  }
0x99: {  	s5 =	simm.s32 $_size__tile_overlayer_lowered;
	s6 =	simm.s32 $_tile_overlayer_lowered  }
0x9a: {  	s21 =	simm.s32 $0x1BFF;
	s20 =	sshll.u32 s6, $0x1;
	s3 =	sadd.s32 s4, s18  }
0x9b: {  	s7 =	simm.s32 $0x0;
	s19 =	sshll.u32 s5, $0x1;
	s5 =	sadd.s32 s20, s3  }
0x9c: {  	[timem:s7], [sflag:s21] =	dma.local [hbm:s5], s19  }
0x9d: {  	_ =	swait.ge [sflag:s21], s19  }
0x9e: {  	s4 =	ssub.s32 $0x0, s19;
	[sflag:s21] =	ssyncset.done $0x0  }
0x9f: {  	[sflag:s21] =	ssyncadd.s32 s4;
	_ =	sdelay $0x1  }
0xa0: {  	s22 =	simm.s32 $0x1B8B  }
0xa1: {  	_ =	swait.ge [sflag:s22], $0x1  }
0xa2: {  	[sflag:s22] =	ssyncset.done $0x0  }
0xa3: {  	s23 =	simm.s32 $0x1B8E;
	[sflag:s22] =	ssyncadd.s32 $0xFFFFFFFF  }
0xa4: {  	s24 =	simm.s32 $execute0_lowered;
	[smem:$0x3FD2] =	sst s23  }
0xa5: {  	s4 =	sshll.u32 s24, $0x1;
	_ =	strace $0x80000046;
	[dreg:$0x1] =	wrdreg $0xFFFFFFFF  }
0xa6: {  	s25 =	simm.s32 $_size_execute0_lowered;
	s3 =	sadd.s32 s3, s4;
	[dreg:$0x0] =	wrdreg $0x0  }
0xa7: {  	s4 =	sshll.u32 s25, $0x1;
	[dreg:$0x2] =	wrdreg s3  }
0xa8: {  	[dreg:$0x3] =	wrdreg s4  }
0xa9: {  	[dreg:$0x4] =	wrdreg $0xC0  }
0xaa: {  	_ =	task [dreg:s7], $0x5FFFF  }
0xab: {  	[dreg:$0x1] =	wrdreg $0xFFFFFFFF  }
0xac: {  	[dreg:$0x0] =	wrdreg $0x60  }
0xad: {  	[dreg:$0x2] =	wrdreg s0  }
0xae: {  	[dreg:$0x3] =	wrdreg s17  }
0xaf: {  	[dreg:$0x4] =	wrdreg s2  }
0xb0: {  	[dreg:$0x5] =	wrdreg $0x9  }
0xb1: {  	_ =	task.clear_ibuf [dreg:s7], $0x6FFFF;
	_ =	strace $0x90000046  }
0xb2: {  	s26 =	simm.s32 $0x9;
	_ =	strace $0x80000048  }
0xb3: {  	_ =	swait.ge [sflag:s26], $0x1  }
0xb4: {  	[sflag:s26] =	ssyncadd.s32 $0xFFFFFFFF  }
0xb5: {  	_ =	strace $0x90000048  }
0xb6: {  	_ =	sfence  }
0xb7: {  	s28 =	sld [smem:$0x0];
	_ =	sdelay $0x1  }
0xb8: {  	s29 =	srdreg.scid  }
0xb9: {  	s30 =	sshll.u32 s29, $0xD;
	s31 =	sshrl.u32 s29, $0x2  }
0xba: {  	s1 =	sand.u32 $0x1, s29;
	s2 =	sand.u32 $0x4000, s30;
	s0 =	sadd.s32 s31, s28  }
0xbb: {  	s1 =	sor.u32 s2, s1;
	s0 =	sshll.u32 s0, $0x11  }
0xbc: {  	s0 =	sor.u32 s0, s1  }
0xbd: {  	s0 =	sadd.s32 $0x8F2B, s0  }
0xbe: {  	[sflag:s0] =	ssyncadd.remote.s32 $0x1  }
0xbf: {  	_ =	sfence.sel $0xFFFF  }
0xc0: {  	[dreg:$0x0] =	wrdreg $0xFFFFFFFF;
	(pc) =	sbr.abs _section_cstart, $3  }
0xc1: {  	[dreg:$0x1] =	wrdreg $0xFFFFFFFF  }
0xc2: {  	_ =	task.clear_ibuf [dreg:s7], $0x2FFFF;
	_ =	strace $0x9FFFFFFF  }
0xc3: {  	(tm) =	ssettm $0x7FFFFFFF  }
tec
execute0_lowered:
.L_overlay_start_1:
0x0: {  	(tag) =	ssettag $0x1  }
0x1: {  	s4 =	rddreg [dreg:$0x0]  }
0x2: {  	s2 =	rddreg [dreg:$0x1]  }
0x3: {  	s1 =	rddreg [dreg:$0x2];
	s3 =	stileid.u32  }
0x4: {  	s0 =	rddreg [dreg:$0x3];
	_ =	strace $0x80000047;
	p0 =	sne.s32 s3, $0x0  }
0x5: {  	_ =	sfence.sel @p0 $0x180000  }
0x6: {  	[bflag:$0x0] =	sbarrier.arrive @p0 $0xFFFF  }
0x7: {  	_ =	strace @p0 $0x90000047  }
0x8: {  	[bflag:$0x2] =	sbarrier.arrive @p0 $0xFFFF  }
0x9: {  	_ =	shalt @p0  }
.LBB2_1:
0xa: {  	s3 =	simm.s32 $0x0;
	s18 =	simm.s32 $0x2  }
0xb: {  	[tilespmem:s3], [sflag:$0x2] =	stream.linear.gather [hbm4b:s2+s3], $0x400, $0x38;
	[tilespmem:$0x800] =	vst v63  }
0xc: {  	_ =	swait.ge [sflag:s18], $0x400  }
0xd: {  	[sflag:s18] =	ssyncset.done $0x0  }
0xe: {  	[sflag:s18] =	ssyncadd.s32 $0xFFFFFC00  }
0xf: {  	v0 =	vld [tilespmem:$0x0]  }
0x10: {  	v1 =	vld [tilespmem:$0x10]  }
0x11: {  	v2 =	vld [tilespmem:$0x20]  }
0x12: {  	v5 =	vld [tilespmem:$0x30]  }
0x13: {  	v6 =	vld [tilespmem:$0x40]  }
0x14: {  	v16 =	vld [tilespmem:$0x50]  }
0x15: {  	v20 =	vld [tilespmem:$0x60]  }
0x16: {  	v10 =	vld [tilespmem:$0x70]  }
0x17: {  	v23 =	vld [tilespmem:$0x80]  }
0x18: {  	v28 =	vld [tilespmem:$0x90]  }
0x19: {  	v31 =	vld [tilespmem:$0xA0]  }
0x1a: {  	v33 =	vld [tilespmem:$0xB0]  }
0x1b: {  	v38 =	vld [tilespmem:$0xC0]  }
0x1c: {  	v41 =	vld [tilespmem:$0xD0]  }
0x1d: {  	v43 =	vld [tilespmem:$0xE0];
	v3 =	vshll.u32 v0, $0xA;
	v0 =	vshll.u32 v0, $0x7  }
0x1e: {  	v48 =	vld [tilespmem:$0xF0];
	v4 =	vshll.u32 v1, $0xA;
	v1 =	vshll.u32 v1, $0x7;
	v15 =	vshll.u32 v2, $0xA  }
0x1f: {  	v51 =	vld [tilespmem:$0x100];
	v2 =	vshll.u32 v2, $0x7;
	v8 =	vshll.u32 v5, $0xA;
	v5 =	vshll.u32 v5, $0x7  }
0x20: {  	v53 =	vld [tilespmem:$0x110];
	v19 =	vshll.u32 v6, $0xA;
	v6 =	vshll.u32 v6, $0x7;
	v21 =	vshll.u32 v16, $0xA  }
0x21: {  	v25 =	vshll.u32 v20, $0xA;
	v27 =	vshll.u32 v10, $0xA;
	v10 =	vshll.u32 v10, $0x7  }
0x22: {  	v30 =	vshll.u32 v23, $0xA;
	v35 =	vshll.u32 v28, $0xA;
	v37 =	vshll.u32 v31, $0xA  }
0x23: {  	v40 =	vshll.u32 v33, $0xA;
	v45 =	vshll.u32 v38, $0xA;
	v47 =	vshll.u32 v41, $0xA  }
0x24: {  	v50 =	vshll.u32 v43, $0xA;
	v55 =	vshll.u32 v48, $0xA;
	v57 =	vshll.u32 v51, $0xA  }
0x25: {  	v60 =	vshll.u32 v53, $0xA;
	v3 =	vand.u32 $0xFFFFE000, v3;
	v0 =	vand.u32 $0x380, v0  }
0x26: {  	v4 =	vand.u32 $0xFFFFE000, v4;
	v1 =	vand.u32 $0x380, v1;
	v2 =	vand.u32 $0x380, v2  }
0x27: {  	v18 =	vand.u32 $0xFFFFE000, v8;
	v5 =	vand.u32 $0x380, v5;
	v6 =	vand.u32 $0x380, v6  }
0x28: {  	v12 =	vand.u32 $0xFFFFE000, v21;
	v8 =	vshll.u32 v20, $0x7;
	v26 =	vand.u32 $0xFFFFE000, v25  }
0x29: {  	v10 =	vand.u32 $0x380, v10;
	v36 =	vand.u32 $0xFFFFE000, v35;
	v46 =	vand.u32 $0xFFFFE000, v45  }
0x2a: {  	v21 =	vand.u32 $0xFFFFE000, v50;
	v56 =	vand.u32 $0xFFFFE000, v55;
	v3 =	vor.u32 v3, v0  }
0x2b: {  	v0 =	vlaneseq.u32;
	v1 =	vor.u32 v4, v1;
	v4 =	vand.u32 $0xFFFFE000, v15  }
0x2c: {  	v5 =	vor.u32 v18, v5;
	v8 =	vand.u32 $0x380, v8;
	v15 =	vand.u32 $0xFFFFE000, v30  }
0x2d: {  	v18 =	vand.u32 $0xFFFFE000, v40;
	v7 =	vor.u32 $0x10, v0;
	v3 =	vor.u32 v0, v3  }
0x2e: {  	v2 =	vor.u32 v4, v2;
	v17 =	vor.u32 $0x20, v0;
	v9 =	vor.u32 $0x30, v0  }
0x2f: {  	v4 =	vshll.u32 v16, $0x7;
	v11 =	vor.u32 $0x40, v0;
	v24 =	vor.u32 $0x50, v0  }
0x30: {  	v8 =	vor.u32 v26, v8;
	v29 =	vor.u32 $0x60, v0;
	v14 =	vor.u32 $0x70, v0  }
0x31: {  	v34 =	vor.u32 $0x400, v0;
	v39 =	vor.u32 $0x410, v0;
	v44 =	vor.u32 $0x430, v0  }
0x32: {  	v61 =	vld [tilespmem:$0x130];
	v49 =	vor.u32 $0x440, v0;
	v20 =	vor.u32 $0x450, v0;
	v54 =	vor.u32 $0x460, v0  }
0x33: {  	v59 =	vor.u32 $0x470, v0;
	v26 =	vor.u32 $0x830, v0;
	v1 =	vor.u32 v7, v1  }
0x34: {  	v2 =	vor.u32 v17, v2;
	v7 =	vand.u32 $0xFFFFE000, v19;
	v13 =	vand.u32 $0x380, v4  }
0x35: {  	v17 =	vor.u32 $0x420, v0;
	v7 =	vor.u32 v7, v6;
	v6 =	vor.u32 v9, v5  }
0x36: {  	v58 =	vld [tilespmem:$0x120];
	v22 =	vor.u32 v12, v13;
	v9 =	vand.u32 $0xFFFFE000, v27;
	v13 =	vshll.u32 v31, $0x7  }
0x37: {  	v12 =	vand.u32 $0xFFFFE000, v37;
	v31 =	vshll.u32 v61, $0xA;
	v4 =	vor.u32 v11, v7  }
0x38: {  	v5 =	vor.u32 v24, v22;
	v10 =	vor.u32 v9, v10;
	v7 =	vshll.u32 v23, $0x7  }
0x39: {  	v9 =	vor.u32 v29, v8;
	v11 =	vshll.u32 v28, $0x7;
	v13 =	vand.u32 $0x380, v13  }
0x3a: {  	v23 =	vor.u32 $0x800, v0;
	v24 =	vand.u32 $0xFFFFE000, v60;
	v28 =	vor.u32 $0x810, v0  }
0x3b: {  	v29 =	vshll.u32 v58, $0xA;
	v16 =	vand.u32 $0x380, v7;
	v7 =	vor.u32 v14, v10  }
0x3c: {  	v35 =	vld [tilespmem:$0x160];
	v11 =	vand.u32 $0x380, v11;
	v13 =	vor.u32 v13, v12;
	v10 =	vshll.u32 v33, $0x7  }
0x3d: {  	v14 =	vshll.u32 v38, $0x7;
	v30 =	vand.u32 $0xFFFFE000, v29;
	v33 =	vor.u32 $0x820, v0  }
0x3e: {  	v38 =	vor.u32 $0x840, v0;
	v29 =	vor.u32 $0x860, v0;
	v32 =	vor.u32 v16, v15  }
0x3f: {  	v11 =	vor.u32 v11, v36;
	v19 =	vand.u32 $0x380, v10;
	v10 =	vor.u32 v17, v13  }
0x40: {  	v63 =	vld [tilespmem:$0x140];
	v14 =	vand.u32 $0x380, v14;
	v16 =	vshll.u32 v41, $0x7;
	v15 =	vand.u32 $0xFFFFE000, v47  }
0x41: {  	v45 =	vld [tilespmem:$0x190];
	v13 =	vshll.u32 v43, $0x7;
	v17 =	vshll.u32 v48, $0x7;
	v41 =	vshll.u32 v35, $0xA  }
0x42: {  	v43 =	vor.u32 $0x850, v0;
	v48 =	vor.u32 $0x870, v0;
	v8 =	vor.u32 v34, v32  }
0x43: {  	v55 =	vld [tilespmem:$0x1C0];
	v12 =	vor.u32 v39, v11;
	v42 =	vor.u32 v19, v18;
	v14 =	vor.u32 v14, v46  }
0x44: {  	v37 =	vld [tilespmem:$0x170];
	v16 =	vand.u32 $0x380, v16;
	v22 =	vand.u32 $0x380, v13;
	v17 =	vand.u32 $0x380, v17  }
0x45: {  	v19 =	vshll.u32 v51, $0x7;
	v18 =	vand.u32 $0xFFFFE000, v57;
	v34 =	vshll.u32 v63, $0xA  }
0x46: {  	v51 =	vshll.u32 v45, $0xA;
	v11 =	vor.u32 v44, v42;
	v16 =	vor.u32 v16, v15  }
0x47: {  	v15 =	vor.u32 v49, v14;
	v52 =	vor.u32 v22, v21;
	v17 =	vor.u32 v17, v56  }
0x48: {  	v19 =	vand.u32 $0x380, v19;
	v22 =	vshll.u32 v61, $0x7;
	v21 =	vand.u32 $0xFFFFE000, v31  }
0x49: {  	v27 =	vand.u32 $0xFFFFE000, v34;
	v44 =	vshll.u32 v37, $0xA;
	v61 =	vshll.u32 v55, $0xA  }
0x4a: {  	v13 =	vor.u32 v20, v16;
	v14 =	vor.u32 v54, v52;
	v19 =	vor.u32 v19, v18  }
0x4b: {  	v47 =	vld [tilespmem:$0x1A0];
	v16 =	vshll.u32 v53, $0x7;
	v18 =	vor.u32 v59, v17;
	v20 =	vshll.u32 v58, $0x7  }
0x4c: {  	v22 =	vand.u32 $0x380, v22;
	v53 =	vor.u32 $0xC00, v0;
	v58 =	vor.u32 $0xC20, v0  }
0x4d: {  	v25 =	vand.u32 $0x380, v16;
	v16 =	vor.u32 v23, v19;
	v20 =	vand.u32 $0x380, v20  }
0x4e: {  	v32 =	vld [tilespmem:$0x150];
	v22 =	vor.u32 v22, v21;
	v19 =	vshll.u32 v63, $0x7;
	v63 =	vor.u32 $0xC30, v0  }
0x4f: {  	v62 =	vor.u32 v25, v24;
	v20 =	vor.u32 v20, v30;
	v25 =	vshll.u32 v35, $0x7  }
0x50: {  	v24 =	vand.u32 $0xFFFFE000, v41;
	v30 =	vand.u32 $0xFFFFE000, v44;
	v54 =	vshll.u32 v47, $0xA  }
0x51: {  	v35 =	vor.u32 $0xC40, v0;
	v44 =	vor.u32 $0xC50, v0;
	v17 =	vor.u32 v28, v62  }
0x52: {  	v42 =	vld [tilespmem:$0x180];
	v28 =	vand.u32 $0x380, v19;
	v21 =	vor.u32 v33, v20;
	v19 =	vor.u32 v26, v22  }
0x53: {  	v39 =	vshll.u32 v32, $0xA;
	v23 =	vshll.u32 v32, $0x7;
	v25 =	vand.u32 $0x380, v25  }
0x54: {  	v22 =	vshll.u32 v37, $0x7;
	v32 =	vor.u32 $0xC10, v0;
	v33 =	vand.u32 $0xFFFFE000, v54  }
0x55: {  	v54 =	vor.u32 $0x1000, v0;
	v36 =	vor.u32 v28, v27;
	v40 =	vand.u32 $0xFFFFE000, v39  }
0x56: {  	v52 =	vld [tilespmem:$0x1B0];
	v23 =	vand.u32 $0x380, v23;
	v25 =	vor.u32 v25, v24;
	v31 =	vand.u32 $0x380, v22  }
0x57: {  	v57 =	vld [tilespmem:$0x1D0];
	v49 =	vshll.u32 v42, $0xA;
	v26 =	vshll.u32 v42, $0x7;
	v28 =	vshll.u32 v45, $0x7  }
0x58: {  	v27 =	vand.u32 $0xFFFFE000, v51;
	v20 =	vor.u32 v38, v36;
	v23 =	vor.u32 v23, v40  }
0x59: {  	v22 =	vor.u32 v29, v25;
	v46 =	vor.u32 v31, v30;
	v50 =	vand.u32 $0xFFFFE000, v49  }
0x5a: {  	v26 =	vand.u32 $0x380, v26;
	v28 =	vand.u32 $0x380, v28;
	v25 =	vshll.u32 v47, $0x7  }
0x5b: {  	v59 =	vshll.u32 v52, $0xA;
	v29 =	vshll.u32 v52, $0x7;
	v31 =	vshll.u32 v55, $0x7  }
0x5c: {  	v30 =	vand.u32 $0xFFFFE000, v61;
	v40 =	vshll.u32 v57, $0xA;
	v49 =	vor.u32 $0xC60, v0  }
0x5d: {  	v41 =	vld [tilespmem:$0x1F0];
	v38 =	vor.u32 $0xC70, v0;
	v24 =	vor.u32 v43, v23;
	v23 =	vor.u32 v48, v46  }
0x5e: {  	v26 =	vor.u32 v26, v50;
	v28 =	vor.u32 v28, v27;
	v34 =	vand.u32 $0x380, v25  }
0x5f: {  	v60 =	vand.u32 $0xFFFFE000, v59;
	v29 =	vand.u32 $0x380, v29;
	v31 =	vand.u32 $0x380, v31  }
0x60: {  	v62 =	vld [tilespmem:$0x1E0];
	v36 =	vand.u32 $0xFFFFE000, v40;
	v59 =	vor.u32 $0x1010, v0;
	v27 =	vor.u32 v53, v26  }
0x61: {  	v25 =	vor.u32 v32, v28;
	v56 =	vor.u32 v34, v33;
	v29 =	vor.u32 v29, v60  }
0x62: {  	v31 =	vor.u32 v31, v30;
	v28 =	vshll.u32 v57, $0x7;
	v47 =	vshll.u32 v41, $0xA  }
0x63: {  	v51 =	vld [tilespmem:$0x220];
	v34 =	vshll.u32 v41, $0x7;
	v41 =	vor.u32 $0x1020, v0;
	v26 =	vor.u32 v58, v56  }
0x64: {  	v37 =	vand.u32 $0x380, v28;
	v30 =	vor.u32 v63, v29;
	v28 =	vor.u32 v35, v31  }
0x65: {  	v45 =	vshll.u32 v62, $0xA;
	v32 =	vshll.u32 v62, $0x7;
	v33 =	vand.u32 $0xFFFFE000, v47  }
0x66: {  	v43 =	vld [tilespmem:$0x200];
	v34 =	vand.u32 $0x380, v34;
	[tilespmem:$0x190] =	vst v25;
	v25 =	vor.u32 $0x1800, v0;
	v42 =	vor.u32 v37, v36  }
0x67: {  	v48 =	vld [tilespmem:$0x210];
	v46 =	vand.u32 $0xFFFFE000, v45;
	v32 =	vand.u32 $0x380, v32;
	v34 =	vor.u32 v34, v33  }
0x68: {  	v61 =	vld [tilespmem:$0x250];
	v57 =	vshll.u32 v51, $0xA;
	v37 =	vshll.u32 v51, $0x7;
	v51 =	vor.u32 $0x1040, v0;
	[tilespmem:$0x1B0] =	vst v30  }
0x69: {  	[tilespmem:$0x1C0] =	vst v28;
	v28 =	vor.u32 $0x1810, v0;
	v30 =	vor.u32 $0x1820, v0;
	v29 =	vor.u32 v44, v42  }
0x6a: {  	v32 =	vor.u32 v32, v46;
	v36 =	vand.u32 $0xFFFFE000, v57;
	v37 =	vand.u32 $0x380, v37  }
0x6b: {  	v53 =	vld [tilespmem:$0x230];
	v44 =	vor.u32 $0x1030, v0;
	v50 =	vshll.u32 v43, $0xA;
	v31 =	vshll.u32 v43, $0x7  }
0x6c: {  	[tilespmem:$0x150] =	vst v24;
	v24 =	vld [tilespmem:$0x330];
	v33 =	vor.u32 v49, v32;
	v55 =	vshll.u32 v48, $0xA;
	v35 =	vshll.u32 v48, $0x7  }
0x6d: {  	v36 =	vor.u32 v37, v36;
	v48 =	vshll.u32 v61, $0xA;
	v49 =	vshll.u32 v61, $0x7  }
0x6e: {  	v58 =	vld [tilespmem:$0x240];
	v43 =	vor.u32 $0x1410, v0;
	v39 =	vand.u32 $0xFFFFE000, v50;
	v40 =	vand.u32 $0x380, v31  }
0x6f: {  	v63 =	vld [tilespmem:$0x260];
	v31 =	vor.u32 v38, v34;
	v56 =	vand.u32 $0xFFFFE000, v55;
	v35 =	vand.u32 $0x380, v35  }
0x70: {  	v60 =	vshll.u32 v53, $0xA;
	v34 =	vshll.u32 v53, $0x7;
	v55 =	vor.u32 $0x1050, v0  }
0x71: {  	[tilespmem:$0xF0] =	vst v18;
	v18 =	vshll.u32 v24, $0x7;
	v52 =	vor.u32 v40, v39;
	v35 =	vor.u32 v35, v56  }
0x72: {  	v37 =	vand.u32 $0xFFFFE000, v60;
	v42 =	vand.u32 $0x380, v34;
	v34 =	vor.u32 v41, v36  }
0x73: {  	[tilespmem:$0x0] =	vst v3;
	v45 =	vshll.u32 v58, $0xA;
	v38 =	vshll.u32 v58, $0x7;
	v36 =	vand.u32 $0xFFFFE000, v48  }
0x74: {  	[tilespmem:$0x180] =	vst v27;
	v57 =	vld [tilespmem:$0x290];
	v53 =	vshll.u32 v63, $0xA;
	v58 =	vor.u32 $0x1060, v0;
	v41 =	vor.u32 $0x1400, v0  }
0x75: {  	v27 =	vld [tilespmem:$0x340];
	v48 =	vor.u32 $0x1420, v0;
	[tilespmem:$0x1F0] =	vst v31;
	v31 =	vshll.u32 v24, $0xA;
	v18 =	vand.u32 $0x380, v18  }
0x76: {  	[tilespmem:$0x20] =	vst v2;
	v32 =	vor.u32 v54, v52;
	v35 =	vor.u32 v59, v35;
	v62 =	vor.u32 v42, v37  }
0x77: {  	[tilespmem:$0x50] =	vst v5;
	v46 =	vand.u32 $0xFFFFE000, v45;
	v38 =	vand.u32 $0x380, v38;
	v37 =	vshll.u32 v63, $0x7  }
0x78: {  	[tilespmem:$0x1E0] =	vst v33;
	v33 =	vand.u32 $0xFFFFE000, v31;
	v3 =	vor.u32 v44, v62;
	v47 =	vor.u32 v38, v46  }
0x79: {  	v50 =	vld [tilespmem:$0x270];
	[tilespmem:$0x220] =	vst v34;
	v38 =	vand.u32 $0x380, v49;
	v37 =	vand.u32 $0x380, v37;
	v39 =	vshll.u32 v57, $0xA  }
0x7a: {  	v40 =	vld [tilespmem:$0x2B0];
	v5 =	vshll.u32 v57, $0x7;
	[tilespmem:$0x210] =	vst v35;
	v34 =	vor.u32 v18, v33;
	v35 =	vshll.u32 v27, $0xA  }
0x7b: {  	[tilespmem:$0x1D0] =	vst v29;
	v29 =	vld [tilespmem:$0x350];
	v52 =	vor.u32 v38, v36;
	v36 =	vand.u32 $0xFFFFE000, v53;
	v2 =	vor.u32 v51, v47  }
0x7c: {  	v54 =	vld [tilespmem:$0x280];
	v38 =	vor.u32 $0x1070, v0;
	v5 =	vand.u32 $0x380, v5;
	v51 =	vor.u32 $0x1430, v0  }
0x7d: {  	[tilespmem:$0x10] =	vst v1;
	v42 =	vld [tilespmem:$0x2C0];
	v53 =	vor.u32 $0x1440, v0;
	v1 =	vor.u32 v55, v52;
	v56 =	vor.u32 v37, v36  }
0x7e: {  	[tilespmem:$0x40] =	vst v4;
	v59 =	vshll.u32 v50, $0xA;
	v60 =	vshll.u32 v50, $0x7;
	v4 =	vor.u32 v58, v56  }
0x7f: {  	v61 =	vand.u32 $0xFFFFE000, v59;
	v62 =	vand.u32 $0x380, v60;
	v46 =	vshll.u32 v40, $0xA  }
0x80: {  	[tilespmem:$0xA0] =	vst v10;
	v57 =	vld [tilespmem:$0x300];
	v10 =	vshll.u32 v40, $0x7;
	v58 =	vor.u32 $0x1450, v0;
	v40 =	vshll.u32 v29, $0xA  }
0x81: {  	[tilespmem:$0x30] =	vst v6;
	v6 =	vor.u32 v62, v61;
	v63 =	vshll.u32 v54, $0xA;
	v36 =	vshll.u32 v54, $0x7  }
0x82: {  	[tilespmem:$0xB0] =	vst v11;
	v11 =	vand.u32 $0xFFFFE000, v46;
	v10 =	vand.u32 $0x380, v10;
	v49 =	vshll.u32 v42, $0xA  }
0x83: {  	[tilespmem:$0x70] =	vst v7;
	v47 =	vld [tilespmem:$0x2D0];
	v61 =	vor.u32 $0x1460, v0;
	v46 =	vor.u32 $0x1850, v0;
	v7 =	vand.u32 $0xFFFFE000, v63  }
0x84: {  	[tilespmem:$0x80] =	vst v8;
	v8 =	vand.u32 $0x380, v36;
	v6 =	vor.u32 v38, v6;
	v10 =	vor.u32 v10, v11  }
0x85: {  	[tilespmem:$0x120] =	vst v21;
	v11 =	vand.u32 $0xFFFFE000, v49;
	v63 =	vor.u32 $0x1470, v0;
	v21 =	vshll.u32 v57, $0xA  }
0x86: {  	[tilespmem:$0xC0] =	vst v15;
	v37 =	vld [tilespmem:$0x2A0];
	v15 =	vshll.u32 v57, $0x7;
	v36 =	vshll.u32 v27, $0x7;
	v38 =	vor.u32 $0x1830, v0  }
0x87: {  	v50 =	vld [tilespmem:$0x2E0];
	v57 =	vor.u32 $0x1870, v0;
	v7 =	vor.u32 v8, v7;
	v8 =	vand.u32 $0xFFFFE000, v39  }
0x88: {  	[tilespmem:$0x90] =	vst v12;
	v52 =	vld [tilespmem:$0x2F0];
	v10 =	vor.u32 v51, v10;
	v54 =	vshll.u32 v47, $0xA;
	v12 =	vshll.u32 v47, $0x7  }
0x89: {  	[tilespmem:$0x160] =	vst v22;
	v22 =	vand.u32 $0xFFFFE000, v21;
	v15 =	vand.u32 $0x380, v15;
	v18 =	vand.u32 $0x380, v36  }
0x8a: {  	[tilespmem:$0x250] =	vst v1;
	v1 =	vor.u32 v38, v34;
	v21 =	vor.u32 $0x1C20, v0;
	v7 =	vor.u32 v41, v7  }
0x8b: {  	[tilespmem:$0x60] =	vst v9;
	v5 =	vor.u32 v5, v8;
	v44 =	vshll.u32 v37, $0xA;
	v9 =	vshll.u32 v37, $0x7  }
0x8c: {  	v60 =	vld [tilespmem:$0x310];
	v8 =	vshll.u32 v42, $0x7;
	v55 =	vand.u32 $0xFFFFE000, v54;
	v12 =	vand.u32 $0x380, v12  }
0x8d: {  	[tilespmem:$0xE0] =	vst v14;
	v56 =	vshll.u32 v50, $0xA;
	v14 =	vshll.u32 v50, $0x7;
	v59 =	vshll.u32 v52, $0xA  }
0x8e: {  	[tilespmem:$0xD0] =	vst v13;
	v15 =	vor.u32 v15, v22;
	v42 =	vor.u32 $0x1840, v0;
	v54 =	vor.u32 $0x1860, v0  }
0x8f: {  	[tilespmem:$0x100] =	vst v16;
	v5 =	vor.u32 v43, v5;
	v45 =	vand.u32 $0xFFFFE000, v44;
	v9 =	vand.u32 $0x380, v9  }
0x90: {  	[tilespmem:$0x110] =	vst v17;
	v62 =	vld [tilespmem:$0x320];
	v8 =	vand.u32 $0x380, v8;
	v12 =	vor.u32 v12, v55;
	v13 =	vand.u32 $0xFFFFE000, v56  }
0x91: {  	[tilespmem:$0x170] =	vst v23;
	v14 =	vand.u32 $0x380, v14;
	v23 =	vshll.u32 v60, $0xA;
	v17 =	vshll.u32 v60, $0x7  }
0x92: {  	[tilespmem:$0x130] =	vst v19;
	v15 =	vor.u32 v25, v15;
	v60 =	vor.u32 $0x1C00, v0;
	v9 =	vor.u32 v9, v45  }
0x93: {  	[tilespmem:$0x140] =	vst v20;
	v8 =	vor.u32 v8, v11;
	v13 =	vor.u32 v14, v13;
	v11 =	vshll.u32 v52, $0x7  }
0x94: {  	[tilespmem:$0x1A0] =	vst v26;
	v51 =	vld [tilespmem:$0x390];
	v14 =	vand.u32 $0xFFFFE000, v59;
	v12 =	vor.u32 v58, v12;
	v16 =	vand.u32 $0xFFFFE000, v23  }
0x95: {  	[tilespmem:$0x200] =	vst v32;
	v37 =	vld [tilespmem:$0x360];
	v17 =	vand.u32 $0x380, v17;
	v26 =	vshll.u32 v62, $0xA;
	v9 =	vor.u32 v48, v9  }
0x96: {  	[tilespmem:$0x230] =	vst v3;
	v41 =	vld [tilespmem:$0x370];
	v8 =	vor.u32 v53, v8;
	v11 =	vand.u32 $0x380, v11;
	v13 =	vor.u32 v61, v13  }
0x97: {  	[tilespmem:$0x240] =	vst v2;
	v16 =	vor.u32 v17, v16;
	v17 =	vand.u32 $0xFFFFE000, v26;
	v26 =	vor.u32 $0x1C30, v0  }
0x98: {  	[tilespmem:$0x260] =	vst v4;
	v11 =	vor.u32 v11, v14;
	v14 =	vshll.u32 v62, $0x7;
	v16 =	vor.u32 v28, v16  }
0x99: {  	v55 =	vld [tilespmem:$0x3A0];
	[tilespmem:$0x2A0] =	vst v9;
	v59 =	vshll.u32 v51, $0x7;
	v9 =	vshll.u32 v51, $0xA;
	v11 =	vor.u32 v63, v11  }
0x9a: {  	[tilespmem:$0x270] =	vst v6;
	v14 =	vand.u32 $0x380, v14;
	v47 =	vshll.u32 v37, $0xA;
	v48 =	vshll.u32 v37, $0x7  }
0x9b: {  	[tilespmem:$0x2B0] =	vst v10;
	v45 =	vld [tilespmem:$0x380];
	v52 =	vshll.u32 v41, $0xA;
	v53 =	vshll.u32 v41, $0x7;
	v63 =	vor.u32 $0x1C10, v0  }
0x9c: {  	[tilespmem:$0x330] =	vst v1;
	v58 =	vld [tilespmem:$0x3B0];
	v14 =	vor.u32 v14, v17;
	v17 =	vshll.u32 v29, $0x7;
	v49 =	vand.u32 $0xFFFFE000, v47  }
0x9d: {  	[tilespmem:$0x280] =	vst v7;
	v23 =	vld [tilespmem:$0x3E0];
	v50 =	vand.u32 $0x380, v48;
	v7 =	vand.u32 $0xFFFFE000, v52;
	v10 =	vand.u32 $0x380, v53  }
0x9e: {  	[tilespmem:$0x310] =	vst v16;
	v62 =	vshll.u32 v55, $0x7;
	v16 =	vshll.u32 v55, $0xA;
	v32 =	vor.u32 v30, v14  }
0x9f: {  	[tilespmem:$0x290] =	vst v5;
	v61 =	vld [tilespmem:$0x3C0];
	v14 =	vand.u32 $0xFFFFE000, v35;
	v17 =	vand.u32 $0x380, v17;
	v5 =	vor.u32 v50, v49  }
0xa0: {  	[tilespmem:$0x300] =	vst v15;
	v7 =	vor.u32 v10, v7;
	v56 =	vshll.u32 v45, $0x7;
	v6 =	vshll.u32 v45, $0xA  }
0xa1: {  	[tilespmem:$0x2D0] =	vst v12;
	v28 =	vld [tilespmem:$0x3F0];
	v20 =	vshll.u32 v58, $0x7;
	v22 =	vshll.u32 v58, $0xA;
	v30 =	vor.u32 $0x1C40, v0  }
0xa2: {  	[tilespmem:$0x2C0] =	vst v8;
	v34 =	vshll.u32 v23, $0x7;
	v35 =	vor.u32 $0x1C50, v0;
	v36 =	vshll.u32 v23, $0xA  }
0xa3: {  	[tilespmem:$0x2E0] =	vst v13;
	v39 =	vor.u32 v18, v14;
	v14 =	vand.u32 $0xFFFFE000, v40;
	v5 =	vor.u32 v54, v5  }
0xa4: {  	[tilespmem:$0x2F0] =	vst v11;
	v8 =	vand.u32 $0x380, v56;
	v7 =	vor.u32 v57, v7;
	v25 =	vshll.u32 v61, $0x7  }
0xa5: {  	[tilespmem:$0x320] =	vst v32;
	v27 =	vshll.u32 v61, $0xA;
	v43 =	vor.u32 v42, v39;
	v44 =	vor.u32 v17, v14  }
0xa6: {  	v6 =	vor.u32 v8, v6;
	v8 =	vand.u32 $0x380, v59;
	[tilespmem:$0x360] =	vst v5;
	v38 =	vshll.u32 v28, $0x7  }
0xa7: {  	v17 =	vld [tilespmem:$0x3D0];
	[tilespmem:$0x370] =	vst v7;
	v39 =	vor.u32 $0x1C60, v0;
	v40 =	vshll.u32 v28, $0xA;
	v0 =	vor.u32 $0x1C70, v0  }
0xa8: {  	v4 =	vor.u32 v46, v44;
	v6 =	vor.u32 v60, v6;
	v8 =	vor.u32 v8, v9;
	[tilespmem:$0x340] =	vst v43  }
0xa9: {  	v9 =	vand.u32 $0x380, v62;
	v18 =	vor.u32 v63, v8;
	v8 =	vand.u32 $0x380, v20;
	[tilespmem:$0x350] =	vst v4  }
0xaa: {  	v19 =	vor.u32 v9, v16;
	v4 =	vand.u32 $0x380, v25;
	[tilespmem:$0x380] =	vst v6;
	v24 =	vor.u32 v8, v22  }
0xab: {  	v2 =	vor.u32 v21, v19;
	v4 =	vor.u32 v4, v27;
	[tilespmem:$0x390] =	vst v18;
	v3 =	vor.u32 v26, v24  }
0xac: {  	v32 =	vor.u32 v30, v4;
	[tilespmem:$0x3A0] =	vst v2;
	v4 =	vand.u32 $0x380, v38;
	v29 =	vshll.u32 v17, $0x7  }
0xad: {  	v31 =	vshll.u32 v17, $0xA;
	[tilespmem:$0x3B0] =	vst v3;
	v41 =	vor.u32 v4, v40;
	v5 =	vand.u32 $0x380, v29  }
0xae: {  	[tilespmem:$0x3C0] =	vst v32;
	v0 =	vor.u32 v0, v41;
	v33 =	vor.u32 v5, v31;
	v5 =	vand.u32 $0x380, v34  }
0xaf: {  	[tilespmem:$0x3F0] =	vst v0;
	v2 =	vor.u32 v35, v33;
	v37 =	vor.u32 v5, v36  }
0xb0: {  	[tilespmem:$0x3D0] =	vst v2;
	v1 =	vor.u32 v39, v37  }
0xb1: {  	s6 =	simm.s32 $0x80;
	s5 =	simm.s32 $0x400;
	[tilespmem:$0x3E0] =	vst v1  }
0xb2: {  	[tilespmem:s5], [sflag:$0x1] =	stream.indirect.gather [hbm4b:s4+s6], $0x1, s3, s6, $0xb8;
	[tilespmem:$0x800] =	vst v63  }
0xb3: {  	s7 =	simm.s32 $0x480  }
0xb4: {  	[tilespmem:s7], [sflag:$0x1] =	stream.indirect.gather [hbm4b:s4+s6], $0x1, s6, s6, $0xb8;
	[tilespmem:$0x800] =	vst v63  }
0xb5: {  	s19 =	simm.s32 $0x100;
	s8 =	simm.s32 $0x500  }
0xb6: {  	[tilespmem:s8], [sflag:$0x1] =	stream.indirect.gather [hbm4b:s4+s6], $0x1, s19, s6, $0xb8;
	[tilespmem:$0x800] =	vst v63  }
0xb7: {  	s20 =	simm.s32 $0x180;
	s21 =	simm.s32 $0x580  }
0xb8: {  	[tilespmem:s21], [sflag:$0x1] =	stream.indirect.gather [hbm4b:s4+s6], $0x1, s20, s6, $0xb8;
	[tilespmem:$0x800] =	vst v63  }
0xb9: {  	s22 =	simm.s32 $0x200;
	s23 =	simm.s32 $0x600  }
0xba: {  	[tilespmem:s23], [sflag:$0x1] =	stream.indirect.gather [hbm4b:s4+s6], $0x1, s22, s6, $0xb8;
	[tilespmem:$0x800] =	vst v63  }
0xbb: {  	s24 =	simm.s32 $0x280;
	s25 =	simm.s32 $0x680  }
0xbc: {  	[tilespmem:s25], [sflag:$0x1] =	stream.indirect.gather [hbm4b:s4+s6], $0x1, s24, s6, $0xb8;
	[tilespmem:$0x800] =	vst v63  }
0xbd: {  	s26 =	simm.s32 $0x300;
	s28 =	simm.s32 $0x700  }
0xbe: {  	[tilespmem:s28], [sflag:$0x1] =	stream.indirect.gather [hbm4b:s4+s6], $0x1, s26, s6, $0xb8;
	[tilespmem:$0x800] =	vst v63  }
0xbf: {  	s29 =	simm.s32 $0x380;
	s30 =	simm.s32 $0x780;
	s31 =	simm.s32 $0x1  }
0xc0: {  	[tilespmem:s30], [sflag:$0x1] =	stream.indirect.gather [hbm4b:s4+s6], $0x1, s29, s6, $0xb8;
	[tilespmem:$0x800] =	vst v63  }
0xc1: {  	_ =	swait.ge [sflag:s31], $0x80  }
0xc2: {  	[sflag:s31] =	ssyncset.done $0x0  }
0xc3: {  	[sflag:s31] =	ssyncadd.s32 $0xFFFFFF80  }
0xc4: {  	_ =	swait.ge [sflag:s31], $0x80  }
0xc5: {  	[sflag:s31] =	ssyncset.done $0x0  }
0xc6: {  	[sflag:s31] =	ssyncadd.s32 $0xFFFFFF80  }
0xc7: {  	_ =	swait.ge [sflag:s31], $0x80  }
0xc8: {  	[sflag:s31] =	ssyncset.done $0x0  }
0xc9: {  	[sflag:s31] =	ssyncadd.s32 $0xFFFFFF80  }
0xca: {  	_ =	swait.ge [sflag:s31], $0x80  }
0xcb: {  	[sflag:s31] =	ssyncset.done $0x0  }
0xcc: {  	[sflag:s31] =	ssyncadd.s32 $0xFFFFFF80  }
0xcd: {  	_ =	swait.ge [sflag:s31], $0x80  }
0xce: {  	[sflag:s31] =	ssyncset.done $0x0  }
0xcf: {  	[sflag:s31] =	ssyncadd.s32 $0xFFFFFF80  }
0xd0: {  	_ =	swait.ge [sflag:s31], $0x80  }
0xd1: {  	[sflag:s31] =	ssyncset.done $0x0  }
0xd2: {  	[sflag:s31] =	ssyncadd.s32 $0xFFFFFF80  }
0xd3: {  	_ =	swait.ge [sflag:s31], $0x80  }
0xd4: {  	[sflag:s31] =	ssyncset.done $0x0  }
0xd5: {  	[sflag:s31] =	ssyncadd.s32 $0xFFFFFF80  }
0xd6: {  	_ =	swait.ge [sflag:s31], $0x80  }
0xd7: {  	[sflag:s31] =	ssyncset.done $0x0  }
0xd8: {  	[sflag:s31] =	ssyncadd.s32 $0xFFFFFF80  }
0xd9: {  	v42 =	vld [tilespmem:$0x400]  }
0xda: {  	v43 =	vld [tilespmem:$0x410]  }
0xdb: {  	v44 =	vld [tilespmem:$0x420]  }
0xdc: {  	v45 =	vld [tilespmem:$0x430]  }
0xdd: {  	v46 =	vld [tilespmem:$0x440]  }
0xde: {  	v47 =	vld [tilespmem:$0x450]  }
0xdf: {  	v48 =	vld [tilespmem:$0x460]  }
0xe0: {  	v49 =	vld [tilespmem:$0x470]  }
0xe1: {  	v50 =	vld [tilespmem:$0x480];
	v0 =	vadd.f32 v44, v42;
	v1 =	vadd.f32 v45, v43  }
0xe2: {  	v51 =	vld [tilespmem:$0x490]  }
0xe3: {  	v52 =	vld [tilespmem:$0x4A0];
	v0 =	vadd.f32 v46, v0;
	v1 =	vadd.f32 v47, v1  }
0xe4: {  	v53 =	vld [tilespmem:$0x4B0]  }
0xe5: {  	v54 =	vld [tilespmem:$0x4C0];
	v0 =	vadd.f32 v48, v0;
	v1 =	vadd.f32 v49, v1  }
0xe6: {  	v55 =	vld [tilespmem:$0x4D0]  }
0xe7: {  	v56 =	vld [tilespmem:$0x4E0];
	v0 =	vadd.f32 v50, v0;
	v1 =	vadd.f32 v51, v1  }
0xe8: {  	v57 =	vld [tilespmem:$0x4F0]  }
0xe9: {  	v58 =	vld [tilespmem:$0x500];
	v0 =	vadd.f32 v52, v0;
	v1 =	vadd.f32 v53, v1  }
0xea: {  	v59 =	vld [tilespmem:$0x510]  }
0xeb: {  	v60 =	vld [tilespmem:$0x520];
	v0 =	vadd.f32 v54, v0;
	v1 =	vadd.f32 v55, v1  }
0xec: {  	v61 =	vld [tilespmem:$0x530]  }
0xed: {  	v62 =	vld [tilespmem:$0x540];
	v0 =	vadd.f32 v56, v0;
	v1 =	vadd.f32 v57, v1  }
0xee: {  	v63 =	vld [tilespmem:$0x550]  }
0xef: {  	v9 =	vld [tilespmem:$0x560];
	v0 =	vadd.f32 v58, v0;
	v1 =	vadd.f32 v59, v1  }
0xf0: {  	v10 =	vld [tilespmem:$0x570]  }
0xf1: {  	v11 =	vld [tilespmem:$0x580];
	v0 =	vadd.f32 v60, v0;
	v1 =	vadd.f32 v61, v1  }
0xf2: {  	v12 =	vld [tilespmem:$0x590]  }
0xf3: {  	v13 =	vld [tilespmem:$0x5A0];
	v0 =	vadd.f32 v62, v0;
	v1 =	vadd.f32 v63, v1  }
0xf4: {  	v14 =	vld [tilespmem:$0x5B0]  }
0xf5: {  	v15 =	vld [tilespmem:$0x5C0];
	v0 =	vadd.f32 v9, v0;
	v1 =	vadd.f32 v10, v1  }
0xf6: {  	v16 =	vld [tilespmem:$0x5D0]  }
0xf7: {  	v17 =	vld [tilespmem:$0x5E0];
	v0 =	vadd.f32 v11, v0;
	v1 =	vadd.f32 v12, v1  }
0xf8: {  	v18 =	vld [tilespmem:$0x5F0]  }
0xf9: {  	v19 =	vld [tilespmem:$0x600];
	v0 =	vadd.f32 v13, v0;
	v1 =	vadd.f32 v14, v1  }
0xfa: {  	v20 =	vld [tilespmem:$0x610]  }
0xfb: {  	v21 =	vld [tilespmem:$0x620];
	v0 =	vadd.f32 v15, v0;
	v1 =	vadd.f32 v16, v1  }
0xfc: {  	v22 =	vld [tilespmem:$0x630]  }
0xfd: {  	v23 =	vld [tilespmem:$0x640];
	v0 =	vadd.f32 v17, v0;
	v1 =	vadd.f32 v18, v1  }
0xfe: {  	v24 =	vld [tilespmem:$0x650]  }
0xff: {  	v25 =	vld [tilespmem:$0x660];
	v0 =	vadd.f32 v19, v0;
	v1 =	vadd.f32 v20, v1  }
0x100: {  	v26 =	vld [tilespmem:$0x670]  }
0x101: {  	v27 =	vld [tilespmem:$0x680];
	v0 =	vadd.f32 v21, v0;
	v1 =	vadd.f32 v22, v1  }
0x102: {  	v28 =	vld [tilespmem:$0x690]  }
0x103: {  	v29 =	vld [tilespmem:$0x6A0];
	v0 =	vadd.f32 v23, v0;
	v1 =	vadd.f32 v24, v1  }
0x104: {  	v30 =	vld [tilespmem:$0x6B0]  }
0x105: {  	v31 =	vld [tilespmem:$0x6C0];
	v0 =	vadd.f32 v25, v0;
	v1 =	vadd.f32 v26, v1  }
0x106: {  	v32 =	vld [tilespmem:$0x6D0]  }
0x107: {  	v33 =	vld [tilespmem:$0x6E0];
	v0 =	vadd.f32 v27, v0;
	v1 =	vadd.f32 v28, v1  }
0x108: {  	v34 =	vld [tilespmem:$0x6F0]  }
0x109: {  	v35 =	vld [tilespmem:$0x700];
	v0 =	vadd.f32 v29, v0;
	v1 =	vadd.f32 v30, v1  }
0x10a: {  	v36 =	vld [tilespmem:$0x710]  }
0x10b: {  	v37 =	vld [tilespmem:$0x720];
	v0 =	vadd.f32 v31, v0;
	v1 =	vadd.f32 v32, v1  }
0x10c: {  	v38 =	vld [tilespmem:$0x730]  }
0x10d: {  	v39 =	vld [tilespmem:$0x740];
	v0 =	vadd.f32 v33, v0;
	v1 =	vadd.f32 v34, v1  }
0x10e: {  	v40 =	vld [tilespmem:$0x750]  }
0x10f: {  	v41 =	vld [tilespmem:$0x760];
	v0 =	vadd.f32 v35, v0;
	v1 =	vadd.f32 v36, v1  }
0x110: {  	v42 =	vld [tilespmem:$0x770]  }
0x111: {  	v43 =	vld [tilespmem:$0x780];
	v0 =	vadd.f32 v37, v0;
	v1 =	vadd.f32 v38, v1  }
0x112: {  	v44 =	vld [tilespmem:$0x790]  }
0x113: {  	v45 =	vld [tilespmem:$0x7A0];
	v0 =	vadd.f32 v39, v0;
	v1 =	vadd.f32 v40, v1  }
0x114: {  	v46 =	vld [tilespmem:$0x7B0]  }
0x115: {  	v47 =	vld [tilespmem:$0x7C0];
	v0 =	vadd.f32 v41, v0;
	v1 =	vadd.f32 v42, v1  }
0x116: {  	v48 =	vld [tilespmem:$0x7D0]  }
0x117: {  	v49 =	vld [tilespmem:$0x7E0];
	v0 =	vadd.f32 v43, v0;
	v1 =	vadd.f32 v44, v1  }
0x118: {  	v50 =	vld [tilespmem:$0x7F0];
	v51 =	vimm.s32 $0xFEDCBA98  }
0x119: {  	v52 =	vimm.s32 $0x76543210;
	v0 =	vadd.f32 v45, v0;
	v1 =	vadd.f32 v46, v1  }
0x11a: {  	v4 =	vunpack.c.l.s4.s8 v51;
	v5 =	vunpack.c.l.s4.s8 v52  }
0x11b: {  	v0 =	vadd.f32 v47, v0;
	v1 =	vadd.f32 v48, v1  }
0x11c: {  	v53 =	vunpack.c.0.s8.s32 v4;
	v54 =	vunpack.c.0.s8.s32 v5;
	v56 =	vimm.s32 $0xBA98FEDC  }
0x11d: {  	v57 =	vimm.s32 $0x32107654;
	v0 =	vadd.f32 v49, v0;
	v1 =	vadd.f32 v50, v1  }
0x11e: {  	v55 =	vand.u32 $0xF, v53;
	v2 =	vunpack.c.l.s4.s8 v56;
	v3 =	vunpack.c.l.s4.s8 v57  }
0x11f: {  	v0 =	vadd.f32 v1, v0;
	v1 =	vcombine.low v55, v54  }
0x120: {  	v2 =	vunpack.c.0.s8.s32 v2;
	v3 =	vunpack.c.0.s8.s32 v3  }
0x121: {  	v1 =	vperm.xlane v0, v1  }
0x122: {  	v59 =	vimm.s32 $0xDCFE98BA;
	v60 =	vimm.s32 $0x54761032;
	v58 =	vcombine.low v3, v2  }
0x123: {  	v2 =	vunpack.c.l.s4.s8 v59;
	v3 =	vunpack.c.l.s4.s8 v60;
	v0 =	vadd.f32 v0, v1  }
0x124: {  	v62 =	vimm.s32 $0x67452301  }
0x125: {  	v2 =	vunpack.c.0.s8.s32 v2;
	v3 =	vunpack.c.0.s8.s32 v3;
	v1 =	vperm.xlane v0, v58  }
0x126: {  	v61 =	vimm.s32 $0xEFCDAB89;
	v63 =	vunpack.c.l.s4.s8 v62  }
0x127: {  	v2 =	vcombine.low v3, v2;
	v0 =	vadd.f32 v0, v1;
	v1 =	vunpack.c.l.s4.s8 v61;
	_ =	sdelay $0x1  }
0x128: {  	v3 =	vunpack.c.0.s8.s32 v63;
	v2 =	vperm.xlane v0, v2;
	v1 =	vunpack.c.0.s8.s32 v1;
	_ =	sdelay $0x1  }
0x129: {  	v0 =	vadd.f32 v0, v2;
	v1 =	vcombine.low v3, v1;
	_ =	sdelay $0x1  }
0x12a: {  	v1 =	vperm.xlane v0, v1;
	_ =	sdelay $0x1  }
0x12b: {  	v0 =	vadd.f32 v0, v1;
	_ =	sdelay $0x1  }
0x12c: {  	v0 =	vsub.f32 $0.0e+00, v0;
	_ =	sdelay $0x1  }
0x12d: {  	[tilespmem:$0x400] =	vst v0  }
0x12e: {  	[hbm4b:s1+s3] =	stream.linear.scatter [tilespmem:s5], [sflag:$0x2], $0x10, $0x38;
	[tilespmem:$0x800] =	vst v63  }
0x12f: {  	_ =	swait.ge [sflag:s18], $0x10  }
0x130: {  	[sflag:s18] =	ssyncset.done $0x0  }
0x131: {  	[sflag:s18] =	ssyncadd.s32 $0xFFFFFFF0  }
0x132: {  	_ =	sfence.sel $0x180000  }
0x133: {  	[bflag:$0x0] =	sbarrier.arrive $0xFFFF  }
0x134: {  	_ =	strace $0x90000047  }
0x135: {  	s0 =	sadd.s32 $0x100000, s0;
	[bflag:$0x2] =	sbarrier.arrive $0xFFFF  }
0x136: {  	[sflag:s0] =	ssyncadd.tile.s32 $0x1;
	_ =	shalt  }
.Lfunc_end2:
_tile_overlayer_lowered:
.L_overlay_start_2:
0x137: {  	(tag) =	ssettag $0x2  }
0x138: {  	s0 =	rddreg [dreg:$0x0];
	s2 =	stileid.u32  }
0x139: {  	s1 =	rddreg [dreg:$0x1];
	p0 =	sne.s32 s2, $0x0  }
0x13a: {  	s3 =	rddreg [dreg:$0x2];
	[bflag:$0x3] =	sbarrier.arrive $0xFFFF;
	s2 =	simm.s32 @!p0 $0x1C02  }
0x13b: {  	[timem:s3], [sflag:s2] =	dma.local @!p0 [hbm:s0], s1  }
0x13c: {  	s0 =	simm.s32 @!p0 $0x2  }
0x13d: {  	_ =	swait.ge @!p0 [sflag:s0], s1  }
0x13e: {  	s1 =	ssub.s32 @!p0 $0x0, s1;
	[sflag:s0] =	ssyncset.done @!p0 $0x0  }
0x13f: {  	[sflag:s0] =	ssyncadd.s32 @!p0 s1  }
0x140: {  	[bflag:$0x3] =	sbarrier.arrive $0xFFFF  }
0x141: {  	_ =	shalt  }

</sc_bundles>
